<compile_context>
chip_gen: v7x
topology: tpu7x:2x2x1
jax: 0.10.2.dev20260603
libtpu: 0.0.44.dev20260713+nightly
codegen_flags: <defaults>
</compile_context>

<pallas_src>
import functools
import math

import jax
import jax.numpy as jnp
from jax import lax
from jax.experimental import pallas as pl
from jax.experimental.pallas import tpu as pltpu
from jax.experimental.pallas import tpu_sc as plsc

DT = 0.1
EPS = 1e-8
C4 = 4.0 * math.log(2.0 * math.pi)
NW = 32
LANES = 16
KEY_MASK = -64
KEY_BIG = 0x7E000000


def _nsqrt(x):
    i = lax.bitcast_convert_type(x, jnp.int32)
    i = jnp.int32(0x5F3759DF) - lax.shift_right_logical(i, 1)
    y = lax.bitcast_convert_type(i, jnp.float32)
    y = y * (1.5 - 0.5 * x * y * y)
    y = y * (1.5 - 0.5 * x * y * y)
    y = y * (1.5 - 0.5 * x * y * y)
    return x * y


def _make_sc_kernel(B, A, NT, M, L, LP):
    NSEG = L - 1
    SEGP = L
    PAIRS = B * A
    CHUNKS = NT // LANES
    ITEMS = PAIRS * CHUNKS
    PER_W = ITEMS // NW
    PTS_W = PER_W * LANES
    PIDX_PAD = 32
    POFF = B * NT
    TOT = B * A * NT
    SEGT = PAIRS * SEGP
    mesh = plsc.VectorSubcoreMesh(core_axis_name="c", subcore_axis_name="s")

    @functools.partial(
        pl.kernel,
        mesh=mesh,
        compiler_params=pltpu.CompilerParams(needs_layout_passes=False),
        out_type=jax.ShapeDtypeStruct((TOT,), jnp.float32),
        scratch_types=[
            pltpu.VMEM((PIDX_PAD,), jnp.int32),
            pltpu.VMEM((PIDX_PAD,), jnp.int32),
            pltpu.VMEM((PIDX_PAD, LP), jnp.float32),
            pltpu.VMEM((PIDX_PAD, LP), jnp.float32),
            pltpu.VMEM((2 * SEGP,), jnp.float32),
            pltpu.VMEM((2 * SEGP,), jnp.float32),
            pltpu.VMEM((2 * SEGP,), jnp.float32),
            pltpu.VMEM((2 * SEGP,), jnp.float32),
            pltpu.VMEM((2 * SEGP,), jnp.float32),
            pltpu.VMEM((2 * SEGP,), jnp.float32),
            pltpu.VMEM((2 * SEGP,), jnp.float32),
            pltpu.VMEM((2 * SEGP,), jnp.float32),
            pltpu.VMEM((2 * 6 * NT,), jnp.float32),
            pltpu.VMEM((PTS_W,), jnp.float32),
            pltpu.VMEM((PTS_W,), jnp.float32),
            pltpu.VMEM((PTS_W,), jnp.float32),
            pltpu.VMEM((64,), jnp.float32),
            pltpu.VMEM((PTS_W,), jnp.float32),
            pltpu.SemaphoreType.DMA,
            pltpu.SemaphoreType.DMA,
        ],
    )
    def sc_kernel(map_x_hbm, map_y_hbm, pidx_hbm, pts_hbm, aux_hbm,
                  consts_hbm, out_hbm,
                  pidx_v, gidx_v, rows_x, rows_y,
                  sp0x, sp0y, svx, svy, siv2, slen, scum, sil,
                  pts_v, gap_v, ttc_v, feas_v, consts_v,
                  out_v, sem_rows, sem_bulk):
        wid = lax.axis_index("s") * 2 + lax.axis_index("c")
        wbase = wid * PTS_W
        k0 = wid * PER_W
        p_lo = k0 // CHUNKS
        p_hi = (k0 + PER_W - 1) // CHUNKS

        cp_bulk = []
        for s in range(2):
            ps = jnp.minimum(p_lo + s, p_hi)
            bs = ps // A
            for ch in range(6):
                cp_bulk.append(pltpu.async_copy(
                    pts_hbm.at[pl.ds(ch * POFF + bs * NT, NT)],
                    pts_v.at[pl.ds((s * 6 + ch) * NT, NT)], sem_bulk))
        cp_bulk.append(pltpu.async_copy(
            aux_hbm.at[pl.ds(wbase, PTS_W)], gap_v, sem_bulk))
        cp_bulk.append(pltpu.async_copy(
            aux_hbm.at[pl.ds(TOT + wbase, PTS_W)], ttc_v, sem_bulk))
        cp_bulk.append(pltpu.async_copy(
            aux_hbm.at[pl.ds(2 * TOT + wbase, PTS_W)], feas_v, sem_bulk))
        cp_bulk.append(pltpu.async_copy(consts_hbm, consts_v, sem_bulk))

        pltpu.sync_copy(pidx_hbm, pidx_v)
        for c in range(PIDX_PAD // LANES):
            pr = lax.iota(jnp.int32, LANES) + (c * LANES)
            row = pidx_v[pl.ds(c * LANES, LANES)] + (pr // A) * M
            gidx_v[pl.ds(c * LANES, LANES)] = jnp.minimum(row, B * M - 1)
        cp_rx = pltpu.async_copy(map_x_hbm.at[gidx_v], rows_x, sem_rows)
        cp_ry = pltpu.async_copy(map_y_hbm.at[gidx_v], rows_y, sem_rows)
        cp_rx.wait()
        cp_ry.wait()

        def prep_slot(s, carry):
            p = jnp.minimum(p_lo + s, p_hi)
            off = jnp.float32(0.0)
            for c in range(SEGP // LANES):
                x_lo = rows_x[p, pl.ds(c * LANES, LANES)]
                x_hi = rows_x[p, pl.ds(c * LANES + 1, LANES)]
                y_lo = rows_y[p, pl.ds(c * LANES, LANES)]
                y_hi = rows_y[p, pl.ds(c * LANES + 1, LANES)]
                vx_ = x_hi - x_lo
                vy_ = y_hi - y_lo
                v2 = jnp.maximum(vx_ * vx_ + vy_ * vy_, EPS)
                ln = _nsqrt(v2)
                cs = plsc.cumsum(ln)
                iv2 = 1.0 / v2
                base = s * SEGP + c * LANES
                sp0x[pl.ds(base, LANES)] = x_lo
                sp0y[pl.ds(base, LANES)] = y_lo
                svx[pl.ds(base, LANES)] = vx_
                svy[pl.ds(base, LANES)] = vy_
                siv2[pl.ds(base, LANES)] = iv2
                slen[pl.ds(base, LANES)] = ln
                scum[pl.ds(base, LANES)] = (off + cs) - ln
                sil[pl.ds(base, LANES)] = 1.0 / jnp.maximum(ln, EPS)
                off = off + jnp.sum(ln)
            return carry

        lax.fori_loop(0, 2, prep_slot, 0)

        for cp in cp_bulk:
            cp.wait()

        def block_body(blk, carry):
            i0 = 2 * blk
            k = k0 + i0
            pair = k // CHUNKS
            chunk = k - pair * CHUNKS
            a = pair - (pair // A) * A
            slot = pair - p_lo
            sbase = slot * SEGP
            pbase = slot * (6 * NT) + chunk * LANES

            def pload(ch, ofs):
                return pts_v[pl.ds(ch * NT + pbase + ofs, LANES)]

            pxa = pload(0, 0)
            pya = pload(1, 0)
            qxa = pxa + pload(2, 0)
            qya = pya + pload(3, 0)
            vxa = pload(4, 0)
            vya = pload(5, 0)
            pxb = pload(0, LANES)
            pyb = pload(1, LANES)
            qxb = pxb + pload(2, LANES)
            qyb = pyb + pload(3, LANES)
            vxb = pload(4, LANES)
            vyb = pload(5, LANES)
            spda = _nsqrt(vxa * vxa + vya * vya + 1e-12)
            spdb = _nsqrt(vxb * vxb + vyb * vyb + 1e-12)

            sb_v = jnp.full((LANES,), sbase, jnp.int32)
            kinit = jnp.full((LANES,), KEY_BIG, jnp.int32)
            zi = jnp.zeros((LANES,), jnp.int32)

            def seg_body(j, carry_s):
                k0a, k1a, k0b, k1b, qv, jv = carry_s
                ax = plsc.load_gather(sp0x, [qv])
                ay = plsc.load_gather(sp0y, [qv])
                ux = plsc.load_gather(svx, [qv])
                uy = plsc.load_gather(svy, [qv])
                iv = plsc.load_gather(siv2, [qv])

                def upd(px, py, best):
                    wx = px - ax
                    wy = py - ay
                    t = jnp.clip((wx * ux + wy * uy) * iv, 0.0, 1.0)
                    ex = wx - t * ux
                    ey = wy - t * uy
                    d2 = ex * ex + ey * ey
                    kk = (lax.bitcast_convert_type(d2, jnp.int32) & KEY_MASK) | jv
                    return jnp.minimum(best, kk)

                return (upd(pxa, pya, k0a), upd(qxa, qya, k1a),
                        upd(pxb, pyb, k0b), upd(qxb, qyb, k1b),
                        qv + 1, jv + 1)

            k0a, k1a, k0b, k1b, _, _ = lax.fori_loop(
                0, NSEG, seg_body, (kinit, kinit, kinit, kinit, sb_v, zi),
                unroll=3)

            bj0a = k0a & 63
            bj1a = k1a & 63
            bj0b = k0b & 63
            bj1b = k1b & 63

            af = jnp.full((LANES,), a, jnp.int32)
            cvf = plsc.load_gather(consts_v, [af + 40])
            a4 = af * 4
            w0 = plsc.load_gather(consts_v, [a4])
            w1 = plsc.load_gather(consts_v, [a4 + 1])
            w2 = plsc.load_gather(consts_v, [a4 + 2])
            w3 = plsc.load_gather(consts_v, [a4 + 3])
            ld = plsc.load_gather(consts_v, [af + 32])
            zero = jnp.zeros((LANES,), jnp.float32)
            neg15 = jnp.full((LANES,), -1.5, jnp.float32)

            def finish(ii, px, py, qx, qy, vxp, vyp, speed, bj0, bj1):
                g0 = sb_v + bj0.astype(jnp.int32)
                ax0 = plsc.load_gather(sp0x, [g0])
                ay0 = plsc.load_gather(sp0y, [g0])
                ux0 = plsc.load_gather(svx, [g0])
                uy0 = plsc.load_gather(svy, [g0])
                iv0 = plsc.load_gather(siv2, [g0])
                ln0 = plsc.load_gather(slen, [g0])
                cm0 = plsc.load_gather(scum, [g0])
                t0 = jnp.clip(((px - ax0) * ux0 + (py - ay0) * uy0) * iv0,
                              0.0, 1.0)
                s0 = cm0 + t0 * ln0

                g1 = sb_v + bj1.astype(jnp.int32)
                ax1 = plsc.load_gather(sp0x, [g1])
                ay1 = plsc.load_gather(sp0y, [g1])
                ux1 = plsc.load_gather(svx, [g1])
                uy1 = plsc.load_gather(svy, [g1])
                iv1 = plsc.load_gather(siv2, [g1])
                ln1 = plsc.load_gather(slen, [g1])
                cm1 = plsc.load_gather(scum, [g1])
                il1 = plsc.load_gather(sil, [g1])
                w1x = qx - ax1
                w1y = qy - ay1
                t1 = jnp.clip((w1x * ux1 + w1y * uy1) * iv1, 0.0, 1.0)
                s1 = cm1 + t1 * ln1
                e1x = w1x - t1 * ux1
                e1y = w1y - t1 * uy1
                d1sq = jnp.maximum(e1x * e1x + e1y * e1y, EPS)

                tanx = ux1 * il1
                tany = uy1 * il1
                v_along = vxp * tanx + vyp * tany
                e_s = (s1 - s0) - speed * DT
                e_v = v_along - speed

                lg = gap_v[pl.ds(ii * LANES, LANES)] * 50.0
                lt = ttc_v[pl.ds(ii * LANES, LANES)] * 5.0
                a_stop = jnp.where(speed > 0.5, neg15, zero)
                a_follow = jnp.clip(0.3 * (lg - (1.5 * speed + 2.0)), -4.0, 2.0)
                a_yield = jnp.where(lt < 2.0, neg15, zero)
                ab = jnp.where(cvf == 1.0, a_stop, zero)
                ab = jnp.where(cvf == 2.0, a_follow, ab)
                ab = jnp.where(cvf == 3.0, a_yield, ab)
                ab = jnp.clip(ab, -4.0, 2.0)

                quad = (e_s * e_s * w0 + d1sq * w1 + e_v * e_v * w2
                        + ab * ab * w3)
                lp = -0.5 * (quad + ld + C4)
                fv = feas_v[pl.ds(ii * LANES, LANES)]
                out_v[pl.ds(ii * LANES, LANES)] = jnp.where(
                    fv > 0.5, lp, jnp.full((LANES,), -1e4, jnp.float32))

            finish(i0, pxa, pya, qxa, qya, vxa, vya, spda, bj0a, bj1a)
            finish(i0 + 1, pxb, pyb, qxb, qyb, vxb, vyb, spdb, bj0b, bj1b)
            return carry

        lax.fori_loop(0, PER_W // 2, block_body, 0)
        pltpu.sync_copy(out_v, out_hbm.at[pl.ds(wbase, PTS_W)])

    return sc_kernel


def kernel(x, ctx, feasible_actions, action_path_type, action_constraint_type,
           comparable_metrics, path_polyline_idx, map_polylines, w_by_family,
           sigma):
    B, N, T, _ = x.shape
    A = action_path_type.shape[0]
    _, M, L, _ = map_polylines.shape
    NT = N * T
    LP = 128

    pts = jnp.concatenate([
        ctx[..., 0].reshape(-1),
        ctx[..., 1].reshape(-1),
        x[..., 0].reshape(-1),
        x[..., 1].reshape(-1),
        ctx[..., 3].reshape(-1),
        ctx[..., 4].reshape(-1),
    ])
    aux = jnp.concatenate([
        comparable_metrics[..., 1].transpose(0, 3, 1, 2).reshape(-1),
        comparable_metrics[..., 2].transpose(0, 3, 1, 2).reshape(-1),
        feasible_actions.transpose(0, 3, 1, 2).reshape(-1).astype(jnp.float32),
    ])

    mx = map_polylines[..., 0].reshape(B * M, L)
    my = map_polylines[..., 1].reshape(B * M, L)
    mx = jnp.concatenate([mx, jnp.repeat(mx[:, -1:], LP - L, axis=1)], axis=1)
    my = jnp.concatenate([my, jnp.repeat(my[:, -1:], LP - L, axis=1)], axis=1)

    pidx = jnp.zeros((32,), jnp.int32).at[: B * A].set(
        path_polyline_idx.reshape(-1).astype(jnp.int32))

    w = w_by_family[action_path_type]
    var = (sigma ** 2)[None, :] / jnp.maximum(w, 1e-6)
    inv_var = 1.0 / jnp.maximum(var, 1e-12)
    log_det = jnp.log(jnp.maximum(var, 1e-12)).sum(-1)
    consts = (jnp.zeros((64,), jnp.float32)
              .at[: A * 4].set(inv_var.reshape(-1))
              .at[32 : 32 + A].set(log_det)
              .at[40 : 40 + A].set(action_constraint_type.astype(jnp.float32)))

    sc = _make_sc_kernel(B, A, NT, M, L, LP)
    out = sc(mx, my, pidx, pts, aux, consts)
    return out.reshape(B, A, N, T).transpose(0, 2, 3, 1)

# --- scband reference (transcript-rebuilt; emitter-appended) ---
"""Pipeline reference for scband-template-primitive-likelihood-83451214561464 (READ-ONLY COPY).

The authoritative reference and input builder live on the scoring server;
editing this copy changes nothing except your own understanding.
"""

import math
import jax, jax.numpy as jnp
import numpy as np

DT = 0.1
TOPO_HORIZON_M = 50.0
CONFLICT_TIME_S = 5.0
A_MIN, A_MAX = -4.0, 2.0
K_YIELD = 1.5
STOP_LINE, FOLLOW, YIELD_TO = 1, 2, 3


def _gather_polylines(map_polylines, idx):
    B, M, L, _ = map_polylines.shape
    flat = idx.reshape(B, -1)
    b = jnp.arange(B)[:, None]
    gathered = map_polylines[b, flat]
    return gathered.reshape(idx.shape + (L, 2))


def _project_to_polyline(pts, poly, eps=1e-8):
    p0 = poly[..., :-1, :]
    v = poly[..., 1:, :] - poly[..., :-1, :]
    v2 = jnp.maximum((v * v).sum(-1), eps)
    seg_len = jnp.sqrt(v2)
    cum = jnp.cumsum(seg_len, -1)
    cum0 = jnp.concatenate([jnp.zeros_like(cum[..., :1]), cum[..., :-1]], -1)
    w = pts[..., None, :] - p0
    t = (w * v).sum(-1) / v2
    t = jnp.clip(t, 0.0, 1.0)
    proj = p0 + t[..., None] * v
    diff = pts[..., None, :] - proj
    dist2 = (diff * diff).sum(-1)
    idx = jnp.argmin(dist2, axis=-1)
    idx1 = idx[..., None]
    full = dist2.shape

    def gsel(a):
        return jnp.take_along_axis(jnp.broadcast_to(a, full), idx1, axis=-1)[..., 0]

    t_sel = gsel(t)
    len_sel = gsel(seg_len)
    cum_sel = gsel(cum0)
    dist2_sel = gsel(dist2)
    full2 = full + (2,)
    idx2b = jnp.broadcast_to(idx1[..., None], full[:-1] + (1, 2))

    def gsel2(a):
        return jnp.take_along_axis(jnp.broadcast_to(a, full2), idx2b, axis=-2)[..., 0, :]

    v_sel = gsel2(v)
    diff_sel = gsel2(diff)
    s = cum_sel + t_sel * len_sel
    cross = v_sel[..., 0] * diff_sel[..., 1] - v_sel[..., 1] * diff_sel[..., 0]
    sign = jnp.sign(cross)
    sign = jnp.where(sign == 0.0, jnp.ones_like(sign), sign)
    d = sign * jnp.sqrt(jnp.maximum(dist2_sel, eps))
    tan = v_sel / jnp.maximum(len_sel[..., None], eps)
    return s, d, tan


def _baseline_acc(speed, constraint_type, comparable_metrics):
    B, N, T, A, _ = comparable_metrics.shape
    c = jnp.broadcast_to(constraint_type.reshape(1, 1, 1, A), (B, N, T, A))
    speed_e = jnp.broadcast_to(speed[..., None], (B, N, T, A))
    gap = comparable_metrics[..., 1] * TOPO_HORIZON_M
    ttc = comparable_metrics[..., 2] * CONFLICT_TIME_S
    a = jnp.zeros_like(gap)
    a_stop = jnp.where(speed_e > 0.5, jnp.full_like(a, -1.5), jnp.zeros_like(a))
    a = jnp.where(c == STOP_LINE, a_stop, a)
    desired = 1.5 * speed_e + 2.0
    a_follow = jnp.clip(0.3 * (gap - desired), A_MIN, A_MAX)
    a = jnp.where(c == FOLLOW, a_follow, a)
    a_y = jnp.where(ttc < 2.0, jnp.full_like(a, -K_YIELD), jnp.zeros_like(a))
    a = jnp.where(c == YIELD_TO, a_y, a)
    return jnp.clip(a, A_MIN, A_MAX)


def _log_prob_diag(e, w, sigma):
    var = (sigma ** 2).reshape(1, 1, 1, 1, 4) / jnp.maximum(w, 1e-6)
    log_det = jnp.log(jnp.maximum(var, 1e-12)).sum(-1)
    quad = (e ** 2 / jnp.maximum(var, 1e-12)).sum(-1)
    return -0.5 * (quad + log_det + 4.0 * math.log(2.0 * math.pi))


def setup_inputs(seed: int = 0):
    key = jax.random.key(seed)
    ks = jax.random.split(key, 8)
    B, N, T, A, M, L = 4, 64, 30, 6, 256, 64
    x = jax.random.normal(ks[0], (B, N, T, 4), dtype=jnp.float32) * 0.5
    ctx = jax.random.normal(ks[1], (B, N, T, 8), dtype=jnp.float32)
    feasible_actions = jax.random.randint(ks[2], (B, N, T, A), 0, 2).astype(bool)
    action_path_type = jax.random.randint(ks[3], (A,), 0, 6)
    action_constraint_type = jax.random.randint(ks[4], (A,), 0, 4)
    comparable_metrics = jax.random.uniform(ks[5], (B, N, T, A, 3), dtype=jnp.float32)
    path_polyline_idx = jax.random.randint(ks[6], (B, A), 0, M)
    map_polylines = jax.random.normal(ks[7], (B, M, L, 2), dtype=jnp.float32) * 10.0
    w_by_family = jnp.array([[1.2, 0.2, 1.0, 0.6], [0.9, 1.2, 0.9, 0.6], [0.9, 1.2, 0.9, 0.6], [1.0, 0.4, 0.9, 0.6], [1.0, 0.4, 0.9, 0.6], [1.1, 0.2, 1.0, 0.2]], dtype=jnp.float32)
    sigma = jnp.array([1.0, 0.5, 1.0, 1.5], dtype=jnp.float32)
    return {"x": x, "ctx": ctx, "feasible_actions": feasible_actions, "action_path_type": action_path_type, "action_constraint_type": action_constraint_type, "comparable_metrics": comparable_metrics, "path_polyline_idx": path_polyline_idx, "map_polylines": map_polylines, "w_by_family": w_by_family, "sigma": sigma}


def reference(x, ctx, feasible_actions, action_path_type, action_constraint_type, comparable_metrics, path_polyline_idx, map_polylines, w_by_family, sigma):
    B, N, T, Dx = x.shape
    A = action_path_type.shape[0]
    p0 = ctx[..., 0:2]
    p1 = p0 + x[..., 0:2]
    vx = ctx[..., 3]
    vy = ctx[..., 4]
    speed = jnp.sqrt(vx ** 2 + vy ** 2 + 1e-12)
    polys = _gather_polylines(map_polylines, path_polyline_idx)
    poly_b = polys[:, None, None]
    pts0 = jnp.broadcast_to(p0[..., None, :], (B, N, T, A, 2))
    pts1 = jnp.broadcast_to(p1[..., None, :], (B, N, T, A, 2))
    s0, d0, tan0 = _project_to_polyline(pts0, poly_b)
    s1, d1, tan1 = _project_to_polyline(pts1, poly_b)
    vel = jnp.stack([vx, vy], -1)[..., None, :]
    v_along = (vel * tan1).sum(-1)
    a_bar = _baseline_acc(speed, action_constraint_type, comparable_metrics)
    e_s = (s1 - s0) - speed[..., None] * DT
    e = jnp.stack([e_s, d1, v_along - speed[..., None], a_bar], -1)
    w = w_by_family[action_path_type].reshape(1, 1, 1, A, 4)
    logp = _log_prob_diag(e, w, sigma)
    logp = jnp.where(feasible_actions, logp, jnp.full_like(logp, -1e4))
    return logp

if __name__ == "__main__":
    import jax
    _d = setup_inputs()
    print(jax.jit(kernel)(*tuple(_d.values())))

</pallas_src>

<mosaic_0001>
#map = affine_map<(d0, d1) -> (0, 0)>
#map1 = affine_map<(d0, d1) -> (0)>
module attributes {stable_mosaic.version = 14 : i64} {
  func.func @sc_kernel(%arg0: i32, %arg1: i32, %arg2: memref<1024x128xf32, #tpu.memory_space<hbm>>, %arg3: memref<1024x128xf32, #tpu.memory_space<hbm>>, %arg4: memref<32xi32, #tpu.memory_space<hbm>>, %arg5: memref<46080xf32, #tpu.memory_space<hbm>>, %arg6: memref<138240xf32, #tpu.memory_space<hbm>>, %arg7: memref<64xf32, #tpu.memory_space<hbm>>, %arg8: memref<46080xf32, #tpu.memory_space<hbm>>, %arg9: memref<32xi32, #tpu.memory_space<vmem>>, %arg10: memref<32xi32, #tpu.memory_space<vmem>>, %arg11: memref<32x128xf32, #tpu.memory_space<vmem>>, %arg12: memref<32x128xf32, #tpu.memory_space<vmem>>, %arg13: memref<128xf32, #tpu.memory_space<vmem>>, %arg14: memref<128xf32, #tpu.memory_space<vmem>>, %arg15: memref<128xf32, #tpu.memory_space<vmem>>, %arg16: memref<128xf32, #tpu.memory_space<vmem>>, %arg17: memref<128xf32, #tpu.memory_space<vmem>>, %arg18: memref<128xf32, #tpu.memory_space<vmem>>, %arg19: memref<128xf32, #tpu.memory_space<vmem>>, %arg20: memref<128xf32, #tpu.memory_space<vmem>>, %arg21: memref<23040xf32, #tpu.memory_space<vmem>>, %arg22: memref<1440xf32, #tpu.memory_space<vmem>>, %arg23: memref<1440xf32, #tpu.memory_space<vmem>>, %arg24: memref<1440xf32, #tpu.memory_space<vmem>>, %arg25: memref<64xf32, #tpu.memory_space<vmem>>, %arg26: memref<1440xf32, #tpu.memory_space<vmem>>, %arg27: memref<!tpu.dma_semaphore, #tpu.memory_space<semaphore_mem>>, %arg28: memref<!tpu.dma_semaphore, #tpu.memory_space<semaphore_mem>>) attributes {dimension_semantics = [#tpu.dimension_semantics<core_parallel>, #tpu.dimension_semantics<subcore_parallel>], iteration_bounds = array<i64: 2, 16>, scalar_prefetch = 0 : i64, scratch_operands = 20 : i64, tpu.core_type = #tpu.core_type<sc_vector_subcore>, window_params = [{transform_indices = #map}, {transform_indices = #map}, {transform_indices = #map1}, {transform_indices = #map1}, {transform_indices = #map1}, {transform_indices = #map1}, {transform_indices = #map1}]} {
    %mul3A = arith.constant 2 : i32
    %mul3A_0 = arith.muli %arg1, %mul3A : i32
    %add3A = arith.addi %mul3A_0, %arg0 : i32
    %mul3A_1 = arith.constant 1440 : i32
    %mul3A_2 = arith.muli %add3A, %mul3A_1 : i32
    %mul3A_3 = arith.constant 90 : i32
    %mul3A_4 = arith.muli %add3A, %mul3A_3 : i32
    %jit3A = arith.constant 120 : i32
    %div3A = arith.divsi %mul3A_4, %jit3A : i32
    %sign3A = arith.constant 0 : i32
    %sign3A_5 = arith.cmpi sgt, %mul3A_4, %sign3A : i32
    %sign3A_6 = arith.extui %sign3A_5 : i1 to i32
    %sign3A_7 = arith.constant 0 : i32
    %sign3A_8 = arith.cmpi slt, %mul3A_4, %sign3A_7 : i32
    %sign3A_9 = arith.extui %sign3A_8 : i1 to i32
    %sign3A_10 = arith.subi %sign3A_6, %sign3A_9 : i32
    %sign3A_11 = arith.constant 0 : i32
    %sign3A_12 = arith.cmpi sgt, %jit3A, %sign3A_11 : i32
    %sign3A_13 = arith.extui %sign3A_12 : i1 to i32
    %sign3A_14 = arith.constant 0 : i32
    %sign3A_15 = arith.cmpi slt, %jit3A, %sign3A_14 : i32
    %sign3A_16 = arith.extui %sign3A_15 : i1 to i32
    %sign3A_17 = arith.subi %sign3A_13, %sign3A_16 : i32
    %ne3A = arith.cmpi ne, %sign3A_10, %sign3A_17 : i32
    %rem3A = arith.remsi %mul3A_4, %jit3A : i32
    %ne3A_18 = arith.constant 0 : i32
    %ne3A_19 = arith.cmpi ne, %rem3A, %ne3A_18 : i32
    %and3A = arith.andi %ne3A, %ne3A_19 : i1
    %sub3A = arith.constant 1 : i32
    %sub3A_20 = arith.subi %div3A, %sub3A : i32
    %select_n3A = arith.select %and3A, %sub3A_20, %div3A : i32
    %add3A_21 = arith.constant 90 : i32
    %add3A_22 = arith.addi %mul3A_4, %add3A_21 : i32
    %sub3A_23 = arith.constant 1 : i32
    %sub3A_24 = arith.subi %add3A_22, %sub3A_23 : i32
    %jit3A_25 = arith.constant 120 : i32
    %div3A_26 = arith.divsi %sub3A_24, %jit3A_25 : i32
    %sign3A_27 = arith.constant 0 : i32
    %sign3A_28 = arith.cmpi sgt, %sub3A_24, %sign3A_27 : i32
    %sign3A_29 = arith.extui %sign3A_28 : i1 to i32
    %sign3A_30 = arith.constant 0 : i32
    %sign3A_31 = arith.cmpi slt, %sub3A_24, %sign3A_30 : i32
    %sign3A_32 = arith.extui %sign3A_31 : i1 to i32
    %sign3A_33 = arith.subi %sign3A_29, %sign3A_32 : i32
    %sign3A_34 = arith.constant 0 : i32
    %sign3A_35 = arith.cmpi sgt, %jit3A_25, %sign3A_34 : i32
    %sign3A_36 = arith.extui %sign3A_35 : i1 to i32
    %sign3A_37 = arith.constant 0 : i32
    %sign3A_38 = arith.cmpi slt, %jit3A_25, %sign3A_37 : i32
    %sign3A_39 = arith.extui %sign3A_38 : i1 to i32
    %sign3A_40 = arith.subi %sign3A_36, %sign3A_39 : i32
    %ne3A_41 = arith.cmpi ne, %sign3A_33, %sign3A_40 : i32
    %rem3A_42 = arith.remsi %sub3A_24, %jit3A_25 : i32
    %ne3A_43 = arith.constant 0 : i32
    %ne3A_44 = arith.cmpi ne, %rem3A_42, %ne3A_43 : i32
    %and3A_45 = arith.andi %ne3A_41, %ne3A_44 : i1
    %sub3A_46 = arith.constant 1 : i32
    %sub3A_47 = arith.subi %div3A_26, %sub3A_46 : i32
    %select_n3A_48 = arith.select %and3A_45, %sub3A_47, %div3A_26 : i32
    %add3A_49 = arith.constant 0 : i32
    %add3A_50 = arith.addi %select_n3A, %add3A_49 : i32
    %min3A = arith.minsi %add3A_50, %select_n3A_48 : i32
    %jit3A_51 = arith.constant 6 : i32
    %div3A_52 = arith.divsi %min3A, %jit3A_51 : i32
    %sign3A_53 = arith.constant 0 : i32
    %sign3A_54 = arith.cmpi sgt, %min3A, %sign3A_53 : i32
    %sign3A_55 = arith.extui %sign3A_54 : i1 to i32
    %sign3A_56 = arith.constant 0 : i32
    %sign3A_57 = arith.cmpi slt, %min3A, %sign3A_56 : i32
    %sign3A_58 = arith.extui %sign3A_57 : i1 to i32
    %sign3A_59 = arith.subi %sign3A_55, %sign3A_58 : i32
    %sign3A_60 = arith.constant 0 : i32
    %sign3A_61 = arith.cmpi sgt, %jit3A_51, %sign3A_60 : i32
    %sign3A_62 = arith.extui %sign3A_61 : i1 to i32
    %sign3A_63 = arith.constant 0 : i32
    %sign3A_64 = arith.cmpi slt, %jit3A_51, %sign3A_63 : i32
    %sign3A_65 = arith.extui %sign3A_64 : i1 to i32
    %sign3A_66 = arith.subi %sign3A_62, %sign3A_65 : i32
    %ne3A_67 = arith.cmpi ne, %sign3A_59, %sign3A_66 : i32
    %rem3A_68 = arith.remsi %min3A, %jit3A_51 : i32
    %ne3A_69 = arith.constant 0 : i32
    %ne3A_70 = arith.cmpi ne, %rem3A_68, %ne3A_69 : i32
    %and3A_71 = arith.andi %ne3A_67, %ne3A_70 : i1
    %sub3A_72 = arith.constant 1 : i32
    %sub3A_73 = arith.subi %div3A_52, %sub3A_72 : i32
    %select_n3A_74 = arith.select %and3A_71, %sub3A_73, %div3A_52 : i32
    %mul3A_75 = arith.constant 1920 : i32
    %mul3A_76 = arith.muli %select_n3A_74, %mul3A_75 : i32
    %add3A_77 = arith.constant 0 : i32
    %add3A_78 = arith.addi %add3A_77, %mul3A_76 : i32
    %dma_start3A = arith.constant 0 : i32
    %dma_start3A_79 = tpu.memref_slice %arg21[%dma_start3A] : memref<23040xf32, #tpu.memory_space<vmem>> -> memref<1920xf32, #tpu.memory_space<vmem>>
    %dma_start3A_80 = tpu.memref_slice %arg5[%add3A_78] : memref<46080xf32, #tpu.memory_space<hbm>> -> memref<1920xf32, #tpu.memory_space<hbm>>
    %dma_start3A_81 = arith.constant 0 : i32
    %dma_start3A_82 = tpu.memref_slice %arg21[%dma_start3A_81] : memref<23040xf32, #tpu.memory_space<vmem>> -> memref<1920xf32, #tpu.memory_space<vmem>>
    %dma_start3A_83 = tpu.memref_slice %arg5[%add3A_78] : memref<46080xf32, #tpu.memory_space<hbm>> -> memref<1920xf32, #tpu.memory_space<hbm>>
    tpu.enqueue_dma source(%dma_start3A_83 : memref<1920xf32, #tpu.memory_space<hbm>>) target(%dma_start3A_82 : memref<1920xf32, #tpu.memory_space<vmem>>) target_semaphore(%arg28 : memref<!tpu.dma_semaphore, #tpu.memory_space<semaphore_mem>>)
    %mul3A_84 = arith.constant 1920 : i32
    %mul3A_85 = arith.muli %select_n3A_74, %mul3A_84 : i32
    %add3A_86 = arith.constant 7680 : i32
    %add3A_87 = arith.addi %add3A_86, %mul3A_85 : i32
    %dma_start3A_88 = arith.constant 1920 : i32
    %dma_start3A_89 = tpu.memref_slice %arg21[%dma_start3A_88] : memref<23040xf32, #tpu.memory_space<vmem>> -> memref<1920xf32, #tpu.memory_space<vmem>>
    %dma_start3A_90 = tpu.memref_slice %arg5[%add3A_87] : memref<46080xf32, #tpu.memory_space<hbm>> -> memref<1920xf32, #tpu.memory_space<hbm>>
    %dma_start3A_91 = arith.constant 1920 : i32
    %dma_start3A_92 = tpu.memref_slice %arg21[%dma_start3A_91] : memref<23040xf32, #tpu.memory_space<vmem>> -> memref<1920xf32, #tpu.memory_space<vmem>>
    %dma_start3A_93 = tpu.memref_slice %arg5[%add3A_87] : memref<46080xf32, #tpu.memory_space<hbm>> -> memref<1920xf32, #tpu.memory_space<hbm>>
    tpu.enqueue_dma source(%dma_start3A_93 : memref<1920xf32, #tpu.memory_space<hbm>>) target(%dma_start3A_92 : memref<1920xf32, #tpu.memory_space<vmem>>) target_semaphore(%arg28 : memref<!tpu.dma_semaphore, #tpu.memory_space<semaphore_mem>>)
    %mul3A_94 = arith.constant 1920 : i32
    %mul3A_95 = arith.muli %select_n3A_74, %mul3A_94 : i32
    %add3A_96 = arith.constant 15360 : i32
    %add3A_97 = arith.addi %add3A_96, %mul3A_95 : i32
    %dma_start3A_98 = arith.constant 3840 : i32
    %dma_start3A_99 = tpu.memref_slice %arg21[%dma_start3A_98] : memref<23040xf32, #tpu.memory_space<vmem>> -> memref<1920xf32, #tpu.memory_space<vmem>>
    %dma_start3A_100 = tpu.memref_slice %arg5[%add3A_97] : memref<46080xf32, #tpu.memory_space<hbm>> -> memref<1920xf32, #tpu.memory_space<hbm>>
    %dma_start3A_101 = arith.constant 3840 : i32
    %dma_start3A_102 = tpu.memref_slice %arg21[%dma_start3A_101] : memref<23040xf32, #tpu.memory_space<vmem>> -> memref<1920xf32, #tpu.memory_space<vmem>>
    %dma_start3A_103 = tpu.memref_slice %arg5[%add3A_97] : memref<46080xf32, #tpu.memory_space<hbm>> -> memref<1920xf32, #tpu.memory_space<hbm>>
    tpu.enqueue_dma source(%dma_start3A_103 : memref<1920xf32, #tpu.memory_space<hbm>>) target(%dma_start3A_102 : memref<1920xf32, #tpu.memory_space<vmem>>) target_semaphore(%arg28 : memref<!tpu.dma_semaphore, #tpu.memory_space<semaphore_mem>>)
    %mul3A_104 = arith.constant 1920 : i32
    %mul3A_105 = arith.muli %select_n3A_74, %mul3A_104 : i32
    %add3A_106 = arith.constant 23040 : i32
    %add3A_107 = arith.addi %add3A_106, %mul3A_105 : i32
    %dma_start3A_108 = arith.constant 5760 : i32
    %dma_start3A_109 = tpu.memref_slice %arg21[%dma_start3A_108] : memref<23040xf32, #tpu.memory_space<vmem>> -> memref<1920xf32, #tpu.memory_space<vmem>>
    %dma_start3A_110 = tpu.memref_slice %arg5[%add3A_107] : memref<46080xf32, #tpu.memory_space<hbm>> -> memref<1920xf32, #tpu.memory_space<hbm>>
    %dma_start3A_111 = arith.constant 5760 : i32
    %dma_start3A_112 = tpu.memref_slice %arg21[%dma_start3A_111] : memref<23040xf32, #tpu.memory_space<vmem>> -> memref<1920xf32, #tpu.memory_space<vmem>>
    %dma_start3A_113 = tpu.memref_slice %arg5[%add3A_107] : memref<46080xf32, #tpu.memory_space<hbm>> -> memref<1920xf32, #tpu.memory_space<hbm>>
    tpu.enqueue_dma source(%dma_start3A_113 : memref<1920xf32, #tpu.memory_space<hbm>>) target(%dma_start3A_112 : memref<1920xf32, #tpu.memory_space<vmem>>) target_semaphore(%arg28 : memref<!tpu.dma_semaphore, #tpu.memory_space<semaphore_mem>>)
    %mul3A_114 = arith.constant 1920 : i32
    %mul3A_115 = arith.muli %select_n3A_74, %mul3A_114 : i32
    %add3A_116 = arith.constant 30720 : i32
    %add3A_117 = arith.addi %add3A_116, %mul3A_115 : i32
    %dma_start3A_118 = arith.constant 7680 : i32
    %dma_start3A_119 = tpu.memref_slice %arg21[%dma_start3A_118] : memref<23040xf32, #tpu.memory_space<vmem>> -> memref<1920xf32, #tpu.memory_space<vmem>>
    %dma_start3A_120 = tpu.memref_slice %arg5[%add3A_117] : memref<46080xf32, #tpu.memory_space<hbm>> -> memref<1920xf32, #tpu.memory_space<hbm>>
    %dma_start3A_121 = arith.constant 7680 : i32
    %dma_start3A_122 = tpu.memref_slice %arg21[%dma_start3A_121] : memref<23040xf32, #tpu.memory_space<vmem>> -> memref<1920xf32, #tpu.memory_space<vmem>>
    %dma_start3A_123 = tpu.memref_slice %arg5[%add3A_117] : memref<46080xf32, #tpu.memory_space<hbm>> -> memref<1920xf32, #tpu.memory_space<hbm>>
    tpu.enqueue_dma source(%dma_start3A_123 : memref<1920xf32, #tpu.memory_space<hbm>>) target(%dma_start3A_122 : memref<1920xf32, #tpu.memory_space<vmem>>) target_semaphore(%arg28 : memref<!tpu.dma_semaphore, #tpu.memory_space<semaphore_mem>>)
    %mul3A_124 = arith.constant 1920 : i32
    %mul3A_125 = arith.muli %select_n3A_74, %mul3A_124 : i32
    %add3A_126 = arith.constant 38400 : i32
    %add3A_127 = arith.addi %add3A_126, %mul3A_125 : i32
    %dma_start3A_128 = arith.constant 9600 : i32
    %dma_start3A_129 = tpu.memref_slice %arg21[%dma_start3A_128] : memref<23040xf32, #tpu.memory_space<vmem>> -> memref<1920xf32, #tpu.memory_space<vmem>>
    %dma_start3A_130 = tpu.memref_slice %arg5[%add3A_127] : memref<46080xf32, #tpu.memory_space<hbm>> -> memref<1920xf32, #tpu.memory_space<hbm>>
    %dma_start3A_131 = arith.constant 9600 : i32
    %dma_start3A_132 = tpu.memref_slice %arg21[%dma_start3A_131] : memref<23040xf32, #tpu.memory_space<vmem>> -> memref<1920xf32, #tpu.memory_space<vmem>>
    %dma_start3A_133 = tpu.memref_slice %arg5[%add3A_127] : memref<46080xf32, #tpu.memory_space<hbm>> -> memref<1920xf32, #tpu.memory_space<hbm>>
    tpu.enqueue_dma source(%dma_start3A_133 : memref<1920xf32, #tpu.memory_space<hbm>>) target(%dma_start3A_132 : memref<1920xf32, #tpu.memory_space<vmem>>) target_semaphore(%arg28 : memref<!tpu.dma_semaphore, #tpu.memory_space<semaphore_mem>>)
    %add3A_134 = arith.constant 1 : i32
    %add3A_135 = arith.addi %select_n3A, %add3A_134 : i32
    %min3A_136 = arith.minsi %add3A_135, %select_n3A_48 : i32
    %jit3A_137 = arith.constant 6 : i32
    %div3A_138 = arith.divsi %min3A_136, %jit3A_137 : i32
    %sign3A_139 = arith.constant 0 : i32
    %sign3A_140 = arith.cmpi sgt, %min3A_136, %sign3A_139 : i32
    %sign3A_141 = arith.extui %sign3A_140 : i1 to i32
    %sign3A_142 = arith.constant 0 : i32
    %sign3A_143 = arith.cmpi slt, %min3A_136, %sign3A_142 : i32
    %sign3A_144 = arith.extui %sign3A_143 : i1 to i32
    %sign3A_145 = arith.subi %sign3A_141, %sign3A_144 : i32
    %sign3A_146 = arith.constant 0 : i32
    %sign3A_147 = arith.cmpi sgt, %jit3A_137, %sign3A_146 : i32
    %sign3A_148 = arith.extui %sign3A_147 : i1 to i32
    %sign3A_149 = arith.constant 0 : i32
    %sign3A_150 = arith.cmpi slt, %jit3A_137, %sign3A_149 : i32
    %sign3A_151 = arith.extui %sign3A_150 : i1 to i32
    %sign3A_152 = arith.subi %sign3A_148, %sign3A_151 : i32
    %ne3A_153 = arith.cmpi ne, %sign3A_145, %sign3A_152 : i32
    %rem3A_154 = arith.remsi %min3A_136, %jit3A_137 : i32
    %ne3A_155 = arith.constant 0 : i32
    %ne3A_156 = arith.cmpi ne, %rem3A_154, %ne3A_155 : i32
    %and3A_157 = arith.andi %ne3A_153, %ne3A_156 : i1
    %sub3A_158 = arith.constant 1 : i32
    %sub3A_159 = arith.subi %div3A_138, %sub3A_158 : i32
    %select_n3A_160 = arith.select %and3A_157, %sub3A_159, %div3A_138 : i32
    %mul3A_161 = arith.constant 1920 : i32
    %mul3A_162 = arith.muli %select_n3A_160, %mul3A_161 : i32
    %add3A_163 = arith.constant 0 : i32
    %add3A_164 = arith.addi %add3A_163, %mul3A_162 : i32
    %dma_start3A_165 = arith.constant 11520 : i32
    %dma_start3A_166 = tpu.memref_slice %arg21[%dma_start3A_165] : memref<23040xf32, #tpu.memory_space<vmem>> -> memref<1920xf32, #tpu.memory_space<vmem>>
    %dma_start3A_167 = tpu.memref_slice %arg5[%add3A_164] : memref<46080xf32, #tpu.memory_space<hbm>> -> memref<1920xf32, #tpu.memory_space<hbm>>
    %dma_start3A_168 = arith.constant 11520 : i32
    %dma_start3A_169 = tpu.memref_slice %arg21[%dma_start3A_168] : memref<23040xf32, #tpu.memory_space<vmem>> -> memref<1920xf32, #tpu.memory_space<vmem>>
    %dma_start3A_170 = tpu.memref_slice %arg5[%add3A_164] : memref<46080xf32, #tpu.memory_space<hbm>> -> memref<1920xf32, #tpu.memory_space<hbm>>
    tpu.enqueue_dma source(%dma_start3A_170 : memref<1920xf32, #tpu.memory_space<hbm>>) target(%dma_start3A_169 : memref<1920xf32, #tpu.memory_space<vmem>>) target_semaphore(%arg28 : memref<!tpu.dma_semaphore, #tpu.memory_space<semaphore_mem>>)
    %mul3A_171 = arith.constant 1920 : i32
    %mul3A_172 = arith.muli %select_n3A_160, %mul3A_171 : i32
    %add3A_173 = arith.constant 7680 : i32
    %add3A_174 = arith.addi %add3A_173, %mul3A_172 : i32
    %dma_start3A_175 = arith.constant 13440 : i32
    %dma_start3A_176 = tpu.memref_slice %arg21[%dma_start3A_175] : memref<23040xf32, #tpu.memory_space<vmem>> -> memref<1920xf32, #tpu.memory_space<vmem>>
    %dma_start3A_177 = tpu.memref_slice %arg5[%add3A_174] : memref<46080xf32, #tpu.memory_space<hbm>> -> memref<1920xf32, #tpu.memory_space<hbm>>
    %dma_start3A_178 = arith.constant 13440 : i32
    %dma_start3A_179 = tpu.memref_slice %arg21[%dma_start3A_178] : memref<23040xf32, #tpu.memory_space<vmem>> -> memref<1920xf32, #tpu.memory_space<vmem>>
    %dma_start3A_180 = tpu.memref_slice %arg5[%add3A_174] : memref<46080xf32, #tpu.memory_space<hbm>> -> memref<1920xf32, #tpu.memory_space<hbm>>
    tpu.enqueue_dma source(%dma_start3A_180 : memref<1920xf32, #tpu.memory_space<hbm>>) target(%dma_start3A_179 : memref<1920xf32, #tpu.memory_space<vmem>>) target_semaphore(%arg28 : memref<!tpu.dma_semaphore, #tpu.memory_space<semaphore_mem>>)
    %mul3A_181 = arith.constant 1920 : i32
    %mul3A_182 = arith.muli %select_n3A_160, %mul3A_181 : i32
    %add3A_183 = arith.constant 15360 : i32
    %add3A_184 = arith.addi %add3A_183, %mul3A_182 : i32
    %dma_start3A_185 = arith.constant 15360 : i32
    %dma_start3A_186 = tpu.memref_slice %arg21[%dma_start3A_185] : memref<23040xf32, #tpu.memory_space<vmem>> -> memref<1920xf32, #tpu.memory_space<vmem>>
    %dma_start3A_187 = tpu.memref_slice %arg5[%add3A_184] : memref<46080xf32, #tpu.memory_space<hbm>> -> memref<1920xf32, #tpu.memory_space<hbm>>
    %dma_start3A_188 = arith.constant 15360 : i32
    %dma_start3A_189 = tpu.memref_slice %arg21[%dma_start3A_188] : memref<23040xf32, #tpu.memory_space<vmem>> -> memref<1920xf32, #tpu.memory_space<vmem>>
    %dma_start3A_190 = tpu.memref_slice %arg5[%add3A_184] : memref<46080xf32, #tpu.memory_space<hbm>> -> memref<1920xf32, #tpu.memory_space<hbm>>
    tpu.enqueue_dma source(%dma_start3A_190 : memref<1920xf32, #tpu.memory_space<hbm>>) target(%dma_start3A_189 : memref<1920xf32, #tpu.memory_space<vmem>>) target_semaphore(%arg28 : memref<!tpu.dma_semaphore, #tpu.memory_space<semaphore_mem>>)
    %mul3A_191 = arith.constant 1920 : i32
    %mul3A_192 = arith.muli %select_n3A_160, %mul3A_191 : i32
    %add3A_193 = arith.constant 23040 : i32
    %add3A_194 = arith.addi %add3A_193, %mul3A_192 : i32
    %dma_start3A_195 = arith.constant 17280 : i32
    %dma_start3A_196 = tpu.memref_slice %arg21[%dma_start3A_195] : memref<23040xf32, #tpu.memory_space<vmem>> -> memref<1920xf32, #tpu.memory_space<vmem>>
    %dma_start3A_197 = tpu.memref_slice %arg5[%add3A_194] : memref<46080xf32, #tpu.memory_space<hbm>> -> memref<1920xf32, #tpu.memory_space<hbm>>
    %dma_start3A_198 = arith.constant 17280 : i32
    %dma_start3A_199 = tpu.memref_slice %arg21[%dma_start3A_198] : memref<23040xf32, #tpu.memory_space<vmem>> -> memref<1920xf32, #tpu.memory_space<vmem>>
    %dma_start3A_200 = tpu.memref_slice %arg5[%add3A_194] : memref<46080xf32, #tpu.memory_space<hbm>> -> memref<1920xf32, #tpu.memory_space<hbm>>
    tpu.enqueue_dma source(%dma_start3A_200 : memref<1920xf32, #tpu.memory_space<hbm>>) target(%dma_start3A_199 : memref<1920xf32, #tpu.memory_space<vmem>>) target_semaphore(%arg28 : memref<!tpu.dma_semaphore, #tpu.memory_space<semaphore_mem>>)
    %mul3A_201 = arith.constant 1920 : i32
    %mul3A_202 = arith.muli %select_n3A_160, %mul3A_201 : i32
    %add3A_203 = arith.constant 30720 : i32
    %add3A_204 = arith.addi %add3A_203, %mul3A_202 : i32
    %dma_start3A_205 = arith.constant 19200 : i32
    %dma_start3A_206 = tpu.memref_slice %arg21[%dma_start3A_205] : memref<23040xf32, #tpu.memory_space<vmem>> -> memref<1920xf32, #tpu.memory_space<vmem>>
    %dma_start3A_207 = tpu.memref_slice %arg5[%add3A_204] : memref<46080xf32, #tpu.memory_space<hbm>> -> memref<1920xf32, #tpu.memory_space<hbm>>
    %dma_start3A_208 = arith.constant 19200 : i32
    %dma_start3A_209 = tpu.memref_slice %arg21[%dma_start3A_208] : memref<23040xf32, #tpu.memory_space<vmem>> -> memref<1920xf32, #tpu.memory_space<vmem>>
    %dma_start3A_210 = tpu.memref_slice %arg5[%add3A_204] : memref<46080xf32, #tpu.memory_space<hbm>> -> memref<1920xf32, #tpu.memory_space<hbm>>
    tpu.enqueue_dma source(%dma_start3A_210 : memref<1920xf32, #tpu.memory_space<hbm>>) target(%dma_start3A_209 : memref<1920xf32, #tpu.memory_space<vmem>>) target_semaphore(%arg28 : memref<!tpu.dma_semaphore, #tpu.memory_space<semaphore_mem>>)
    %mul3A_211 = arith.constant 1920 : i32
    %mul3A_212 = arith.muli %select_n3A_160, %mul3A_211 : i32
    %add3A_213 = arith.constant 38400 : i32
    %add3A_214 = arith.addi %add3A_213, %mul3A_212 : i32
    %dma_start3A_215 = arith.constant 21120 : i32
    %dma_start3A_216 = tpu.memref_slice %arg21[%dma_start3A_215] : memref<23040xf32, #tpu.memory_space<vmem>> -> memref<1920xf32, #tpu.memory_space<vmem>>
    %dma_start3A_217 = tpu.memref_slice %arg5[%add3A_214] : memref<46080xf32, #tpu.memory_space<hbm>> -> memref<1920xf32, #tpu.memory_space<hbm>>
    %dma_start3A_218 = arith.constant 21120 : i32
    %dma_start3A_219 = tpu.memref_slice %arg21[%dma_start3A_218] : memref<23040xf32, #tpu.memory_space<vmem>> -> memref<1920xf32, #tpu.memory_space<vmem>>
    %dma_start3A_220 = tpu.memref_slice %arg5[%add3A_214] : memref<46080xf32, #tpu.memory_space<hbm>> -> memref<1920xf32, #tpu.memory_space<hbm>>
    tpu.enqueue_dma source(%dma_start3A_220 : memref<1920xf32, #tpu.memory_space<hbm>>) target(%dma_start3A_219 : memref<1920xf32, #tpu.memory_space<vmem>>) target_semaphore(%arg28 : memref<!tpu.dma_semaphore, #tpu.memory_space<semaphore_mem>>)
    %dma_start3A_221 = tpu.memref_slice %arg6[%mul3A_2] : memref<138240xf32, #tpu.memory_space<hbm>> -> memref<1440xf32, #tpu.memory_space<hbm>>
    %dma_start3A_222 = tpu.memref_slice %arg6[%mul3A_2] : memref<138240xf32, #tpu.memory_space<hbm>> -> memref<1440xf32, #tpu.memory_space<hbm>>
    tpu.enqueue_dma source(%dma_start3A_222 : memref<1440xf32, #tpu.memory_space<hbm>>) target(%arg22 : memref<1440xf32, #tpu.memory_space<vmem>>) target_semaphore(%arg28 : memref<!tpu.dma_semaphore, #tpu.memory_space<semaphore_mem>>)
    %add3A_223 = arith.constant 46080 : i32
    %add3A_224 = arith.addi %add3A_223, %mul3A_2 : i32
    %dma_start3A_225 = tpu.memref_slice %arg6[%add3A_224] : memref<138240xf32, #tpu.memory_space<hbm>> -> memref<1440xf32, #tpu.memory_space<hbm>>
    %dma_start3A_226 = tpu.memref_slice %arg6[%add3A_224] : memref<138240xf32, #tpu.memory_space<hbm>> -> memref<1440xf32, #tpu.memory_space<hbm>>
    tpu.enqueue_dma source(%dma_start3A_226 : memref<1440xf32, #tpu.memory_space<hbm>>) target(%arg23 : memref<1440xf32, #tpu.memory_space<vmem>>) target_semaphore(%arg28 : memref<!tpu.dma_semaphore, #tpu.memory_space<semaphore_mem>>)
    %add3A_227 = arith.constant 92160 : i32
    %add3A_228 = arith.addi %add3A_227, %mul3A_2 : i32
    %dma_start3A_229 = tpu.memref_slice %arg6[%add3A_228] : memref<138240xf32, #tpu.memory_space<hbm>> -> memref<1440xf32, #tpu.memory_space<hbm>>
    %dma_start3A_230 = tpu.memref_slice %arg6[%add3A_228] : memref<138240xf32, #tpu.memory_space<hbm>> -> memref<1440xf32, #tpu.memory_space<hbm>>
    tpu.enqueue_dma source(%dma_start3A_230 : memref<1440xf32, #tpu.memory_space<hbm>>) target(%arg24 : memref<1440xf32, #tpu.memory_space<vmem>>) target_semaphore(%arg28 : memref<!tpu.dma_semaphore, #tpu.memory_space<semaphore_mem>>)
    tpu.enqueue_dma source(%arg7 : memref<64xf32, #tpu.memory_space<hbm>>) target(%arg25 : memref<64xf32, #tpu.memory_space<vmem>>) target_semaphore(%arg28 : memref<!tpu.dma_semaphore, #tpu.memory_space<semaphore_mem>>)
    "tpu.region"() ({
      %run_scoped3A = tpu.sem_alloc : memref<!tpu.dma_semaphore, #tpu.memory_space<semaphore_mem>>
      tpu.enqueue_dma source(%arg4 : memref<32xi32, #tpu.memory_space<hbm>>) target(%arg9 : memref<32xi32, #tpu.memory_space<vmem>>) target_semaphore(%run_scoped3A : memref<!tpu.dma_semaphore, #tpu.memory_space<semaphore_mem>>)
      tpu.wait_dma2 semaphore(%run_scoped3A : memref<!tpu.dma_semaphore, #tpu.memory_space<semaphore_mem>>) src(%arg4 : memref<32xi32, #tpu.memory_space<hbm>>) dst(%arg9 : memref<32xi32, #tpu.memory_space<vmem>>)
      tpu.yield
    }) : () -> ()
    %iota3A = tpu.iota {dimensions = array<i32: 0>} : vector<16xi32>
    %add3A_231 = arith.constant 0 : i32
    %add3A_232 = vector.broadcast %add3A_231 : i32 to vector<16xi32>
    %add3A_233 = arith.addi %iota3A, %add3A_232 : vector<16xi32>
    %get3A = arith.constant 0 : index
    %get3A_234 = tpu.vector_load %arg9[%get3A] {strides = array<i32>} : memref<32xi32, #tpu.memory_space<vmem>>, vector<16xi32>,
    %jit3A_235 = arith.constant 6 : i32
    %div3A_236 = vector.broadcast %jit3A_235 : i32 to vector<16xi32>
    %div3A_237 = arith.divsi %add3A_233, %div3A_236 : vector<16xi32>
    %sign3A_238 = arith.constant 0 : i32
    %sign3A_239 = vector.broadcast %sign3A_238 : i32 to vector<16xi32>
    %sign3A_240 = arith.cmpi sgt, %add3A_233, %sign3A_239 : vector<16xi32>
    %sign3A_241 = arith.extui %sign3A_240 : vector<16xi1> to vector<16xi32>
    %sign3A_242 = arith.constant 0 : i32
    %sign3A_243 = vector.broadcast %sign3A_242 : i32 to vector<16xi32>
    %sign3A_244 = arith.cmpi slt, %add3A_233, %sign3A_243 : vector<16xi32>
    %sign3A_245 = arith.extui %sign3A_244 : vector<16xi1> to vector<16xi32>
    %sign3A_246 = arith.subi %sign3A_241, %sign3A_245 : vector<16xi32>
    %sign3A_247 = arith.constant 0 : i32
    %sign3A_248 = arith.cmpi sgt, %jit3A_235, %sign3A_247 : i32
    %sign3A_249 = arith.extui %sign3A_248 : i1 to i32
    %sign3A_250 = arith.constant 0 : i32
    %sign3A_251 = arith.cmpi slt, %jit3A_235, %sign3A_250 : i32
    %sign3A_252 = arith.extui %sign3A_251 : i1 to i32
    %sign3A_253 = arith.subi %sign3A_249, %sign3A_252 : i32
    %ne3A_254 = vector.broadcast %sign3A_253 : i32 to vector<16xi32>
    %ne3A_255 = arith.cmpi ne, %sign3A_246, %ne3A_254 : vector<16xi32>
    %rem3A_256 = vector.broadcast %jit3A_235 : i32 to vector<16xi32>
    %rem3A_257 = arith.remsi %add3A_233, %rem3A_256 : vector<16xi32>
    %ne3A_258 = arith.constant 0 : i32
    %ne3A_259 = vector.broadcast %ne3A_258 : i32 to vector<16xi32>
    %ne3A_260 = arith.cmpi ne, %rem3A_257, %ne3A_259 : vector<16xi32>
    %and3A_261 = arith.andi %ne3A_255, %ne3A_260 : vector<16xi1>
    %sub3A_262 = arith.constant 1 : i32
    %sub3A_263 = vector.broadcast %sub3A_262 : i32 to vector<16xi32>
    %sub3A_264 = arith.subi %div3A_237, %sub3A_263 : vector<16xi32>
    %select_n3A_265 = arith.select %and3A_261, %sub3A_264, %div3A_237 : vector<16xi1>, vector<16xi32>
    %mul3A_266 = arith.constant 256 : i32
    %mul3A_267 = vector.broadcast %mul3A_266 : i32 to vector<16xi32>
    %mul3A_268 = arith.muli %select_n3A_265, %mul3A_267 : vector<16xi32>
    %add3A_269 = arith.addi %get3A_234, %mul3A_268 : vector<16xi32>
    %min3A_270 = arith.constant 1023 : i32
    %min3A_271 = vector.broadcast %min3A_270 : i32 to vector<16xi32>
    %min3A_272 = arith.minsi %add3A_269, %min3A_271 : vector<16xi32>
    %swap3A = arith.constant 0 : index
    %swap3A_273 = tpu.vector_load %arg10[%swap3A] {strides = array<i32>} : memref<32xi32, #tpu.memory_space<vmem>>, vector<16xi32>,
    tpu.vector_store %arg10[%swap3A], %min3A_272 {strides = array<i32>} : memref<32xi32, #tpu.memory_space<vmem>>, vector<16xi32>,
    %iota3A_274 = tpu.iota {dimensions = array<i32: 0>} : vector<16xi32>
    %add3A_275 = arith.constant 16 : i32
    %add3A_276 = vector.broadcast %add3A_275 : i32 to vector<16xi32>
    %add3A_277 = arith.addi %iota3A_274, %add3A_276 : vector<16xi32>
    %get3A_278 = arith.constant 16 : index
    %get3A_279 = tpu.vector_load %arg9[%get3A_278] {strides = array<i32>} : memref<32xi32, #tpu.memory_space<vmem>>, vector<16xi32>,
    %jit3A_280 = arith.constant 6 : i32
    %div3A_281 = vector.broadcast %jit3A_280 : i32 to vector<16xi32>
    %div3A_282 = arith.divsi %add3A_277, %div3A_281 : vector<16xi32>
    %sign3A_283 = arith.constant 0 : i32
    %sign3A_284 = vector.broadcast %sign3A_283 : i32 to vector<16xi32>
    %sign3A_285 = arith.cmpi sgt, %add3A_277, %sign3A_284 : vector<16xi32>
    %sign3A_286 = arith.extui %sign3A_285 : vector<16xi1> to vector<16xi32>
    %sign3A_287 = arith.constant 0 : i32
    %sign3A_288 = vector.broadcast %sign3A_287 : i32 to vector<16xi32>
    %sign3A_289 = arith.cmpi slt, %add3A_277, %sign3A_288 : vector<16xi32>
    %sign3A_290 = arith.extui %sign3A_289 : vector<16xi1> to vector<16xi32>
    %sign3A_291 = arith.subi %sign3A_286, %sign3A_290 : vector<16xi32>
    %sign3A_292 = arith.constant 0 : i32
    %sign3A_293 = arith.cmpi sgt, %jit3A_280, %sign3A_292 : i32
    %sign3A_294 = arith.extui %sign3A_293 : i1 to i32
    %sign3A_295 = arith.constant 0 : i32
    %sign3A_296 = arith.cmpi slt, %jit3A_280, %sign3A_295 : i32
    %sign3A_297 = arith.extui %sign3A_296 : i1 to i32
    %sign3A_298 = arith.subi %sign3A_294, %sign3A_297 : i32
    %ne3A_299 = vector.broadcast %sign3A_298 : i32 to vector<16xi32>
    %ne3A_300 = arith.cmpi ne, %sign3A_291, %ne3A_299 : vector<16xi32>
    %rem3A_301 = vector.broadcast %jit3A_280 : i32 to vector<16xi32>
    %rem3A_302 = arith.remsi %add3A_277, %rem3A_301 : vector<16xi32>
    %ne3A_303 = arith.constant 0 : i32
    %ne3A_304 = vector.broadcast %ne3A_303 : i32 to vector<16xi32>
    %ne3A_305 = arith.cmpi ne, %rem3A_302, %ne3A_304 : vector<16xi32>
    %and3A_306 = arith.andi %ne3A_300, %ne3A_305 : vector<16xi1>
    %sub3A_307 = arith.constant 1 : i32
    %sub3A_308 = vector.broadcast %sub3A_307 : i32 to vector<16xi32>
    %sub3A_309 = arith.subi %div3A_282, %sub3A_308 : vector<16xi32>
    %select_n3A_310 = arith.select %and3A_306, %sub3A_309, %div3A_282 : vector<16xi1>, vector<16xi32>
    %mul3A_311 = arith.constant 256 : i32
    %mul3A_312 = vector.broadcast %mul3A_311 : i32 to vector<16xi32>
    %mul3A_313 = arith.muli %select_n3A_310, %mul3A_312 : vector<16xi32>
    %add3A_314 = arith.addi %get3A_279, %mul3A_313 : vector<16xi32>
    %min3A_315 = arith.constant 1023 : i32
    %min3A_316 = vector.broadcast %min3A_315 : i32 to vector<16xi32>
    %min3A_317 = arith.minsi %add3A_314, %min3A_316 : vector<16xi32>
    %swap3A_318 = arith.constant 16 : index
    %swap3A_319 = tpu.vector_load %arg10[%swap3A_318] {strides = array<i32>} : memref<32xi32, #tpu.memory_space<vmem>>, vector<16xi32>,
    tpu.vector_store %arg10[%swap3A_318], %min3A_317 {strides = array<i32>} : memref<32xi32, #tpu.memory_space<vmem>>, vector<16xi32>,
    %dma_start3A_320 = arith.constant 0 : i32
    %dma_start3A_321 = arith.constant 0 : i32
    %dma_start3A_322 = tpu.memref_slice %arg2[%dma_start3A_320, %dma_start3A_321] : memref<1024x128xf32, #tpu.memory_space<hbm>> -> memref<1024x128xf32, #tpu.memory_space<hbm>>
    tpu.enqueue_indirect_dma source(%dma_start3A_322 : memref<1024x128xf32, #tpu.memory_space<hbm>>) target(%arg11 : memref<32x128xf32, #tpu.memory_space<vmem>>) offsets(%arg10 : memref<32xi32, #tpu.memory_space<vmem>>) semaphore(%arg27 : memref<!tpu.dma_semaphore, #tpu.memory_space<semaphore_mem>>)
    %dma_start3A_323 = arith.constant 0 : i32
    %dma_start3A_324 = arith.constant 0 : i32
    %dma_start3A_325 = tpu.memref_slice %arg3[%dma_start3A_323, %dma_start3A_324] : memref<1024x128xf32, #tpu.memory_space<hbm>> -> memref<1024x128xf32, #tpu.memory_space<hbm>>
    tpu.enqueue_indirect_dma source(%dma_start3A_325 : memref<1024x128xf32, #tpu.memory_space<hbm>>) target(%arg12 : memref<32x128xf32, #tpu.memory_space<vmem>>) offsets(%arg10 : memref<32xi32, #tpu.memory_space<vmem>>) semaphore(%arg27 : memref<!tpu.dma_semaphore, #tpu.memory_space<semaphore_mem>>)
    %dma_wait3A = arith.constant 0 : i32
    %dma_wait3A_326 = arith.constant 0 : i32
    %dma_wait3A_327 = tpu.memref_slice %arg2[%dma_wait3A, %dma_wait3A_326] : memref<1024x128xf32, #tpu.memory_space<hbm>> -> memref<1024x128xf32, #tpu.memory_space<hbm>>
    tpu.wait_indirect_dma semaphore(%arg27 : memref<!tpu.dma_semaphore, #tpu.memory_space<semaphore_mem>>) src(%dma_wait3A_327 : memref<1024x128xf32, #tpu.memory_space<hbm>>) dst(%arg11 : memref<32x128xf32, #tpu.memory_space<vmem>>)
    %dma_wait3A_328 = arith.constant 0 : i32
    %dma_wait3A_329 = arith.constant 0 : i32
    %dma_wait3A_330 = tpu.memref_slice %arg3[%dma_wait3A_328, %dma_wait3A_329] : memref<1024x128xf32, #tpu.memory_space<hbm>> -> memref<1024x128xf32, #tpu.memory_space<hbm>>
    tpu.wait_indirect_dma semaphore(%arg27 : memref<!tpu.dma_semaphore, #tpu.memory_space<semaphore_mem>>) src(%dma_wait3A_330 : memref<1024x128xf32, #tpu.memory_space<hbm>>) dst(%arg12 : memref<32x128xf32, #tpu.memory_space<vmem>>)
    %scan3A = arith.constant 0 : i32
    %scan3A_331 = arith.constant 0 : i32
    %scan3A_332 = arith.constant 2 : i32
    %scan3A_333 = arith.addi %scan3A_331, %scan3A_332 : i32
    %scan3A_334 = arith.constant 1 : i32
    scf.for %scan3A_420 = %scan3A_331 to %scan3A_333 step %scan3A_334  : i32 {
      %add3A_421 = arith.addi %select_n3A, %scan3A_420 : i32
      %min3A_422 = arith.minsi %add3A_421, %select_n3A_48 : i32
      %get3A_423 = arith.index_cast %min3A_422 : i32 to index
      %get3A_424 = arith.constant 0 : index
      %get3A_425 = tpu.vector_load %arg11[%get3A_423, %get3A_424] {strides = array<i32>} : memref<32x128xf32, #tpu.memory_space<vmem>>, vector<16xf32>,
      %get3A_426 = arith.index_cast %min3A_422 : i32 to index
      %get3A_427 = arith.constant 1 : index
      %get3A_428 = tpu.vector_load %arg11[%get3A_426, %get3A_427] {strides = array<i32>} : memref<32x128xf32, #tpu.memory_space<vmem>>, vector<16xf32>,
      %get3A_429 = arith.index_cast %min3A_422 : i32 to index
      %get3A_430 = arith.constant 0 : index
      %get3A_431 = tpu.vector_load %arg12[%get3A_429, %get3A_430] {strides = array<i32>} : memref<32x128xf32, #tpu.memory_space<vmem>>, vector<16xf32>,
      %get3A_432 = arith.index_cast %min3A_422 : i32 to index
      %get3A_433 = arith.constant 1 : index
      %get3A_434 = tpu.vector_load %arg12[%get3A_432, %get3A_433] {strides = array<i32>} : memref<32x128xf32, #tpu.memory_space<vmem>>, vector<16xf32>,
      %sub3A_435 = arith.subf %get3A_428, %get3A_425 : vector<16xf32>
      %sub3A_436 = arith.subf %get3A_434, %get3A_431 : vector<16xf32>
      %mul3A_437 = arith.mulf %sub3A_435, %sub3A_435 : vector<16xf32>
      %mul3A_438 = arith.mulf %sub3A_436, %sub3A_436 : vector<16xf32>
      %add3A_439 = arith.addf %mul3A_437, %mul3A_438 : vector<16xf32>
      %max3A = arith.constant 9.99999993E-9 : f32
      %max3A_440 = vector.broadcast %max3A : f32 to vector<16xf32>
      %max3A_441 = arith.maximumf %add3A_439, %max3A_440 : vector<16xf32>
      %bitcast_convert_type3A = tpu.bitcast %max3A_441 : vector<16xf32> -> vector<16xi32>
      %shift_right_logical3A = arith.constant 1 : i32
      %shift_right_logical3A_442 = vector.broadcast %shift_right_logical3A : i32 to vector<16xi32>
      %shift_right_logical3A_443 = arith.shrui %bitcast_convert_type3A, %shift_right_logical3A_442 : vector<16xi32>
      %sub3A_444 = arith.constant 1597463007 : i32
      %sub3A_445 = vector.broadcast %sub3A_444 : i32 to vector<16xi32>
      %sub3A_446 = arith.subi %sub3A_445, %shift_right_logical3A_443 : vector<16xi32>
      %bitcast_convert_type3A_447 = tpu.bitcast %sub3A_446 : vector<16xi32> -> vector<16xf32>
      %mul3A_448 = arith.constant 5.000000e-01 : f32
      %mul3A_449 = vector.broadcast %mul3A_448 : f32 to vector<16xf32>
      %mul3A_450 = arith.mulf %mul3A_449, %max3A_441 : vector<16xf32>
      %mul3A_451 = arith.mulf %mul3A_450, %bitcast_convert_type3A_447 : vector<16xf32>
      %mul3A_452 = arith.mulf %mul3A_451, %bitcast_convert_type3A_447 : vector<16xf32>
      %sub3A_453 = arith.constant 1.500000e+00 : f32
      %sub3A_454 = vector.broadcast %sub3A_453 : f32 to vector<16xf32>
      %sub3A_455 = arith.subf %sub3A_454, %mul3A_452 : vector<16xf32>
      %mul3A_456 = arith.mulf %bitcast_convert_type3A_447, %sub3A_455 : vector<16xf32>
      %mul3A_457 = arith.constant 5.000000e-01 : f32
      %mul3A_458 = vector.broadcast %mul3A_457 : f32 to vector<16xf32>
      %mul3A_459 = arith.mulf %mul3A_458, %max3A_441 : vector<16xf32>
      %mul3A_460 = arith.mulf %mul3A_459, %mul3A_456 : vector<16xf32>
      %mul3A_461 = arith.mulf %mul3A_460, %mul3A_456 : vector<16xf32>
      %sub3A_462 = arith.constant 1.500000e+00 : f32
      %sub3A_463 = vector.broadcast %sub3A_462 : f32 to vector<16xf32>
      %sub3A_464 = arith.subf %sub3A_463, %mul3A_461 : vector<16xf32>
      %mul3A_465 = arith.mulf %mul3A_456, %sub3A_464 : vector<16xf32>
      %mul3A_466 = arith.constant 5.000000e-01 : f32
      %mul3A_467 = vector.broadcast %mul3A_466 : f32 to vector<16xf32>
      %mul3A_468 = arith.mulf %mul3A_467, %max3A_441 : vector<16xf32>
      %mul3A_469 = arith.mulf %mul3A_468, %mul3A_465 : vector<16xf32>
      %mul3A_470 = arith.mulf %mul3A_469, %mul3A_465 : vector<16xf32>
      %sub3A_471 = arith.constant 1.500000e+00 : f32
      %sub3A_472 = vector.broadcast %sub3A_471 : f32 to vector<16xf32>
      %sub3A_473 = arith.subf %sub3A_472, %mul3A_470 : vector<16xf32>
      %mul3A_474 = arith.mulf %mul3A_465, %sub3A_473 : vector<16xf32>
      %mul3A_475 = arith.mulf %max3A_441, %mul3A_474 : vector<16xf32>
      %broadcast_in_dim3A = arith.constant true
      %broadcast_in_dim3A_476 = vector.broadcast %broadcast_in_dim3A : i1 to vector<16xi1>
      %masked_cumsum3A = tpu.scan <sum>, %mul3A_475 masked %broadcast_in_dim3A_476 : vector<16xf32>, vector<16xi1> -> vector<16xf32>
      %div3A_477 = arith.constant 1.000000e+00 : f32
      %div3A_478 = vector.broadcast %div3A_477 : f32 to vector<16xf32>
      %div3A_479 = arith.divf %div3A_478, %max3A_441 : vector<16xf32>
      %mul3A_480 = arith.constant 64 : i32
      %mul3A_481 = arith.muli %scan3A_420, %mul3A_480 : i32
      %add3A_482 = arith.constant 0 : i32
      %add3A_483 = arith.addi %mul3A_481, %add3A_482 : i32
      %swap3A_484 = arith.index_cast %add3A_483 : i32 to index
      %swap3A_485 = tpu.vector_load %arg13[%swap3A_484] {strides = array<i32>} : memref<128xf32, #tpu.memory_space<vmem>>, vector<16xf32>,
      tpu.vector_store %arg13[%swap3A_484], %get3A_425 {strides = array<i32>} : memref<128xf32, #tpu.memory_space<vmem>>, vector<16xf32>,
      %swap3A_486 = arith.index_cast %add3A_483 : i32 to index
      %swap3A_487 = tpu.vector_load %arg14[%swap3A_486] {strides = array<i32>} : memref<128xf32, #tpu.memory_space<vmem>>, vector<16xf32>,
      tpu.vector_store %arg14[%swap3A_486], %get3A_431 {strides = array<i32>} : memref<128xf32, #tpu.memory_space<vmem>>, vector<16xf32>,
      %swap3A_488 = arith.index_cast %add3A_483 : i32 to index
      %swap3A_489 = tpu.vector_load %arg15[%swap3A_488] {strides = array<i32>} : memref<128xf32, #tpu.memory_space<vmem>>, vector<16xf32>,
      tpu.vector_store %arg15[%swap3A_488], %sub3A_435 {strides = array<i32>} : memref<128xf32, #tpu.memory_space<vmem>>, vector<16xf32>,
      %swap3A_490 = arith.index_cast %add3A_483 : i32 to index
      %swap3A_491 = tpu.vector_load %arg16[%swap3A_490] {strides = array<i32>} : memref<128xf32, #tpu.memory_space<vmem>>, vector<16xf32>,
      tpu.vector_store %arg16[%swap3A_490], %sub3A_436 {strides = array<i32>} : memref<128xf32, #tpu.memory_space<vmem>>, vector<16xf32>,
      %swap3A_492 = arith.index_cast %add3A_483 : i32 to index
      %swap3A_493 = tpu.vector_load %arg17[%swap3A_492] {strides = array<i32>} : memref<128xf32, #tpu.memory_space<vmem>>, vector<16xf32>,
      tpu.vector_store %arg17[%swap3A_492], %div3A_479 {strides = array<i32>} : memref<128xf32, #tpu.memory_space<vmem>>, vector<16xf32>,
      %swap3A_494 = arith.index_cast %add3A_483 : i32 to index
      %swap3A_495 = tpu.vector_load %arg18[%swap3A_494] {strides = array<i32>} : memref<128xf32, #tpu.memory_space<vmem>>, vector<16xf32>,
      tpu.vector_store %arg18[%swap3A_494], %mul3A_475 {strides = array<i32>} : memref<128xf32, #tpu.memory_space<vmem>>, vector<16xf32>,
      %add3A_496 = arith.constant 0.000000e+00 : f32
      %add3A_497 = vector.broadcast %add3A_496 : f32 to vector<16xf32>
      %add3A_498 = arith.addf %add3A_497, %masked_cumsum3A : vector<16xf32>
      %sub3A_499 = arith.subf %add3A_498, %mul3A_475 : vector<16xf32>
      %swap3A_500 = arith.index_cast %add3A_483 : i32 to index
      %swap3A_501 = tpu.vector_load %arg19[%swap3A_500] {strides = array<i32>} : memref<128xf32, #tpu.memory_space<vmem>>, vector<16xf32>,
      tpu.vector_store %arg19[%swap3A_500], %sub3A_499 {strides = array<i32>} : memref<128xf32, #tpu.memory_space<vmem>>, vector<16xf32>,
      %max3A_502 = arith.constant 9.99999993E-9 : f32
      %max3A_503 = vector.broadcast %max3A_502 : f32 to vector<16xf32>
      %max3A_504 = arith.maximumf %mul3A_475, %max3A_503 : vector<16xf32>
      %div3A_505 = arith.constant 1.000000e+00 : f32
      %div3A_506 = vector.broadcast %div3A_505 : f32 to vector<16xf32>
      %div3A_507 = arith.divf %div3A_506, %max3A_504 : vector<16xf32>
      %swap3A_508 = arith.index_cast %add3A_483 : i32 to index
      %swap3A_509 = tpu.vector_load %arg20[%swap3A_508] {strides = array<i32>} : memref<128xf32, #tpu.memory_space<vmem>>, vector<16xf32>,
      tpu.vector_store %arg20[%swap3A_508], %div3A_507 {strides = array<i32>} : memref<128xf32, #tpu.memory_space<vmem>>, vector<16xf32>,
      %reduce_sum3A = arith.constant true
      %reduce_sum3A_510 = vector.broadcast %reduce_sum3A : i1 to vector<16xi1>
      %reduce_sum3A_511 = tpu.scan <sum>, %mul3A_475 masked %reduce_sum3A_510 : vector<16xf32>, vector<16xi1> -> vector<16xf32>
      %reduce_sum3A_512 = vector.extract %reduce_sum3A_511[15] : f32 from vector<16xf32>
      %add3A_513 = arith.constant 0.000000e+00 : f32
      %add3A_514 = arith.addf %add3A_513, %reduce_sum3A_512 : f32
      %get3A_515 = arith.index_cast %min3A_422 : i32 to index
      %get3A_516 = arith.constant 16 : index
      %get3A_517 = tpu.vector_load %arg11[%get3A_515, %get3A_516] {strides = array<i32>} : memref<32x128xf32, #tpu.memory_space<vmem>>, vector<16xf32>,
      %get3A_518 = arith.index_cast %min3A_422 : i32 to index
      %get3A_519 = arith.constant 17 : index
      %get3A_520 = tpu.vector_load %arg11[%get3A_518, %get3A_519] {strides = array<i32>} : memref<32x128xf32, #tpu.memory_space<vmem>>, vector<16xf32>,
      %get3A_521 = arith.index_cast %min3A_422 : i32 to index
      %get3A_522 = arith.constant 16 : index
      %get3A_523 = tpu.vector_load %arg12[%get3A_521, %get3A_522] {strides = array<i32>} : memref<32x128xf32, #tpu.memory_space<vmem>>, vector<16xf32>,
      %get3A_524 = arith.index_cast %min3A_422 : i32 to index
      %get3A_525 = arith.constant 17 : index
      %get3A_526 = tpu.vector_load %arg12[%get3A_524, %get3A_525] {strides = array<i32>} : memref<32x128xf32, #tpu.memory_space<vmem>>, vector<16xf32>,
      %sub3A_527 = arith.subf %get3A_520, %get3A_517 : vector<16xf32>
      %sub3A_528 = arith.subf %get3A_526, %get3A_523 : vector<16xf32>
      %mul3A_529 = arith.mulf %sub3A_527, %sub3A_527 : vector<16xf32>
      %mul3A_530 = arith.mulf %sub3A_528, %sub3A_528 : vector<16xf32>
      %add3A_531 = arith.addf %mul3A_529, %mul3A_530 : vector<16xf32>
      %max3A_532 = arith.constant 9.99999993E-9 : f32
      %max3A_533 = vector.broadcast %max3A_532 : f32 to vector<16xf32>
      %max3A_534 = arith.maximumf %add3A_531, %max3A_533 : vector<16xf32>
      %bitcast_convert_type3A_535 = tpu.bitcast %max3A_534 : vector<16xf32> -> vector<16xi32>
      %shift_right_logical3A_536 = arith.constant 1 : i32
      %shift_right_logical3A_537 = vector.broadcast %shift_right_logical3A_536 : i32 to vector<16xi32>
      %shift_right_logical3A_538 = arith.shrui %bitcast_convert_type3A_535, %shift_right_logical3A_537 : vector<16xi32>
      %sub3A_539 = arith.constant 1597463007 : i32
      %sub3A_540 = vector.broadcast %sub3A_539 : i32 to vector<16xi32>
      %sub3A_541 = arith.subi %sub3A_540, %shift_right_logical3A_538 : vector<16xi32>
      %bitcast_convert_type3A_542 = tpu.bitcast %sub3A_541 : vector<16xi32> -> vector<16xf32>
      %mul3A_543 = arith.constant 5.000000e-01 : f32
      %mul3A_544 = vector.broadcast %mul3A_543 : f32 to vector<16xf32>
      %mul3A_545 = arith.mulf %mul3A_544, %max3A_534 : vector<16xf32>
      %mul3A_546 = arith.mulf %mul3A_545, %bitcast_convert_type3A_542 : vector<16xf32>
      %mul3A_547 = arith.mulf %mul3A_546, %bitcast_convert_type3A_542 : vector<16xf32>
      %sub3A_548 = arith.constant 1.500000e+00 : f32
      %sub3A_549 = vector.broadcast %sub3A_548 : f32 to vector<16xf32>
      %sub3A_550 = arith.subf %sub3A_549, %mul3A_547 : vector<16xf32>
      %mul3A_551 = arith.mulf %bitcast_convert_type3A_542, %sub3A_550 : vector<16xf32>
      %mul3A_552 = arith.constant 5.000000e-01 : f32
      %mul3A_553 = vector.broadcast %mul3A_552 : f32 to vector<16xf32>
      %mul3A_554 = arith.mulf %mul3A_553, %max3A_534 : vector<16xf32>
      %mul3A_555 = arith.mulf %mul3A_554, %mul3A_551 : vector<16xf32>
      %mul3A_556 = arith.mulf %mul3A_555, %mul3A_551 : vector<16xf32>
      %sub3A_557 = arith.constant 1.500000e+00 : f32
      %sub3A_558 = vector.broadcast %sub3A_557 : f32 to vector<16xf32>
      %sub3A_559 = arith.subf %sub3A_558, %mul3A_556 : vector<16xf32>
      %mul3A_560 = arith.mulf %mul3A_551, %sub3A_559 : vector<16xf32>
      %mul3A_561 = arith.constant 5.000000e-01 : f32
      %mul3A_562 = vector.broadcast %mul3A_561 : f32 to vector<16xf32>
      %mul3A_563 = arith.mulf %mul3A_562, %max3A_534 : vector<16xf32>
      %mul3A_564 = arith.mulf %mul3A_563, %mul3A_560 : vector<16xf32>
      %mul3A_565 = arith.mulf %mul3A_564, %mul3A_560 : vector<16xf32>
      %sub3A_566 = arith.constant 1.500000e+00 : f32
      %sub3A_567 = vector.broadcast %sub3A_566 : f32 to vector<16xf32>
      %sub3A_568 = arith.subf %sub3A_567, %mul3A_565 : vector<16xf32>
      %mul3A_569 = arith.mulf %mul3A_560, %sub3A_568 : vector<16xf32>
      %mul3A_570 = arith.mulf %max3A_534, %mul3A_569 : vector<16xf32>
      %broadcast_in_dim3A_571 = arith.constant true
      %broadcast_in_dim3A_572 = vector.broadcast %broadcast_in_dim3A_571 : i1 to vector<16xi1>
      %masked_cumsum3A_573 = tpu.scan <sum>, %mul3A_570 masked %broadcast_in_dim3A_572 : vector<16xf32>, vector<16xi1> -> vector<16xf32>
      %div3A_574 = arith.constant 1.000000e+00 : f32
      %div3A_575 = vector.broadcast %div3A_574 : f32 to vector<16xf32>
      %div3A_576 = arith.divf %div3A_575, %max3A_534 : vector<16xf32>
      %mul3A_577 = arith.constant 64 : i32
      %mul3A_578 = arith.muli %scan3A_420, %mul3A_577 : i32
      %add3A_579 = arith.constant 16 : i32
      %add3A_580 = arith.addi %mul3A_578, %add3A_579 : i32
      %swap3A_581 = arith.index_cast %add3A_580 : i32 to index
      %swap3A_582 = tpu.vector_load %arg13[%swap3A_581] {strides = array<i32>} : memref<128xf32, #tpu.memory_space<vmem>>, vector<16xf32>,
      tpu.vector_store %arg13[%swap3A_581], %get3A_517 {strides = array<i32>} : memref<128xf32, #tpu.memory_space<vmem>>, vector<16xf32>,
      %swap3A_583 = arith.index_cast %add3A_580 : i32 to index
      %swap3A_584 = tpu.vector_load %arg14[%swap3A_583] {strides = array<i32>} : memref<128xf32, #tpu.memory_space<vmem>>, vector<16xf32>,
      tpu.vector_store %arg14[%swap3A_583], %get3A_523 {strides = array<i32>} : memref<128xf32, #tpu.memory_space<vmem>>, vector<16xf32>,
      %swap3A_585 = arith.index_cast %add3A_580 : i32 to index
      %swap3A_586 = tpu.vector_load %arg15[%swap3A_585] {strides = array<i32>} : memref<128xf32, #tpu.memory_space<vmem>>, vector<16xf32>,
      tpu.vector_store %arg15[%swap3A_585], %sub3A_527 {strides = array<i32>} : memref<128xf32, #tpu.memory_space<vmem>>, vector<16xf32>,
      %swap3A_587 = arith.index_cast %add3A_580 : i32 to index
      %swap3A_588 = tpu.vector_load %arg16[%swap3A_587] {strides = array<i32>} : memref<128xf32, #tpu.memory_space<vmem>>, vector<16xf32>,
      tpu.vector_store %arg16[%swap3A_587], %sub3A_528 {strides = array<i32>} : memref<128xf32, #tpu.memory_space<vmem>>, vector<16xf32>,
      %swap3A_589 = arith.index_cast %add3A_580 : i32 to index
      %swap3A_590 = tpu.vector_load %arg17[%swap3A_589] {strides = array<i32>} : memref<128xf32, #tpu.memory_space<vmem>>, vector<16xf32>,
      tpu.vector_store %arg17[%swap3A_589], %div3A_576 {strides = array<i32>} : memref<128xf32, #tpu.memory_space<vmem>>, vector<16xf32>,
      %swap3A_591 = arith.index_cast %add3A_580 : i32 to index
      %swap3A_592 = tpu.vector_load %arg18[%swap3A_591] {strides = array<i32>} : memref<128xf32, #tpu.memory_space<vmem>>, vector<16xf32>,
      tpu.vector_store %arg18[%swap3A_591], %mul3A_570 {strides = array<i32>} : memref<128xf32, #tpu.memory_space<vmem>>, vector<16xf32>,
      %add3A_593 = vector.broadcast %add3A_514 : f32 to vector<16xf32>
      %add3A_594 = arith.addf %add3A_593, %masked_cumsum3A_573 : vector<16xf32>
      %sub3A_595 = arith.subf %add3A_594, %mul3A_570 : vector<16xf32>
      %swap3A_596 = arith.index_cast %add3A_580 : i32 to index
      %swap3A_597 = tpu.vector_load %arg19[%swap3A_596] {strides = array<i32>} : memref<128xf32, #tpu.memory_space<vmem>>, vector<16xf32>,
      tpu.vector_store %arg19[%swap3A_596], %sub3A_595 {strides = array<i32>} : memref<128xf32, #tpu.memory_space<vmem>>, vector<16xf32>,
      %max3A_598 = arith.constant 9.99999993E-9 : f32
      %max3A_599 = vector.broadcast %max3A_598 : f32 to vector<16xf32>
      %max3A_600 = arith.maximumf %mul3A_570, %max3A_599 : vector<16xf32>
      %div3A_601 = arith.constant 1.000000e+00 : f32
      %div3A_602 = vector.broadcast %div3A_601 : f32 to vector<16xf32>
      %div3A_603 = arith.divf %div3A_602, %max3A_600 : vector<16xf32>
      %swap3A_604 = arith.index_cast %add3A_580 : i32 to index
      %swap3A_605 = tpu.vector_load %arg20[%swap3A_604] {strides = array<i32>} : memref<128xf32, #tpu.memory_space<vmem>>, vector<16xf32>,
      tpu.vector_store %arg20[%swap3A_604], %div3A_603 {strides = array<i32>} : memref<128xf32, #tpu.memory_space<vmem>>, vector<16xf32>,
      %reduce_sum3A_606 = arith.constant true
      %reduce_sum3A_607 = vector.broadcast %reduce_sum3A_606 : i1 to vector<16xi1>
      %reduce_sum3A_608 = tpu.scan <sum>, %mul3A_570 masked %reduce_sum3A_607 : vector<16xf32>, vector<16xi1> -> vector<16xf32>
      %reduce_sum3A_609 = vector.extract %reduce_sum3A_608[15] : f32 from vector<16xf32>
      %add3A_610 = arith.addf %add3A_514, %reduce_sum3A_609 : f32
      %get3A_611 = arith.index_cast %min3A_422 : i32 to index
      %get3A_612 = arith.constant 32 : index
      %get3A_613 = tpu.vector_load %arg11[%get3A_611, %get3A_612] {strides = array<i32>} : memref<32x128xf32, #tpu.memory_space<vmem>>, vector<16xf32>,
      %get3A_614 = arith.index_cast %min3A_422 : i32 to index
      %get3A_615 = arith.constant 33 : index
      %get3A_616 = tpu.vector_load %arg11[%get3A_614, %get3A_615] {strides = array<i32>} : memref<32x128xf32, #tpu.memory_space<vmem>>, vector<16xf32>,
      %get3A_617 = arith.index_cast %min3A_422 : i32 to index
      %get3A_618 = arith.constant 32 : index
      %get3A_619 = tpu.vector_load %arg12[%get3A_617, %get3A_618] {strides = array<i32>} : memref<32x128xf32, #tpu.memory_space<vmem>>, vector<16xf32>,
      %get3A_620 = arith.index_cast %min3A_422 : i32 to index
      %get3A_621 = arith.constant 33 : index
      %get3A_622 = tpu.vector_load %arg12[%get3A_620, %get3A_621] {strides = array<i32>} : memref<32x128xf32, #tpu.memory_space<vmem>>, vector<16xf32>,
      %sub3A_623 = arith.subf %get3A_616, %get3A_613 : vector<16xf32>
      %sub3A_624 = arith.subf %get3A_622, %get3A_619 : vector<16xf32>
      %mul3A_625 = arith.mulf %sub3A_623, %sub3A_623 : vector<16xf32>
      %mul3A_626 = arith.mulf %sub3A_624, %sub3A_624 : vector<16xf32>
      %add3A_627 = arith.addf %mul3A_625, %mul3A_626 : vector<16xf32>
      %max3A_628 = arith.constant 9.99999993E-9 : f32
      %max3A_629 = vector.broadcast %max3A_628 : f32 to vector<16xf32>
      %max3A_630 = arith.maximumf %add3A_627, %max3A_629 : vector<16xf32>
      %bitcast_convert_type3A_631 = tpu.bitcast %max3A_630 : vector<16xf32> -> vector<16xi32>
      %shift_right_logical3A_632 = arith.constant 1 : i32
      %shift_right_logical3A_633 = vector.broadcast %shift_right_logical3A_632 : i32 to vector<16xi32>
      %shift_right_logical3A_634 = arith.shrui %bitcast_convert_type3A_631, %shift_right_logical3A_633 : vector<16xi32>
      %sub3A_635 = arith.constant 1597463007 : i32
      %sub3A_636 = vector.broadcast %sub3A_635 : i32 to vector<16xi32>
      %sub3A_637 = arith.subi %sub3A_636, %shift_right_logical3A_634 : vector<16xi32>
      %bitcast_convert_type3A_638 = tpu.bitcast %sub3A_637 : vector<16xi32> -> vector<16xf32>
      %mul3A_639 = arith.constant 5.000000e-01 : f32
      %mul3A_640 = vector.broadcast %mul3A_639 : f32 to vector<16xf32>
      %mul3A_641 = arith.mulf %mul3A_640, %max3A_630 : vector<16xf32>
      %mul3A_642 = arith.mulf %mul3A_641, %bitcast_convert_type3A_638 : vector<16xf32>
      %mul3A_643 = arith.mulf %mul3A_642, %bitcast_convert_type3A_638 : vector<16xf32>
      %sub3A_644 = arith.constant 1.500000e+00 : f32
      %sub3A_645 = vector.broadcast %sub3A_644 : f32 to vector<16xf32>
      %sub3A_646 = arith.subf %sub3A_645, %mul3A_643 : vector<16xf32>
      %mul3A_647 = arith.mulf %bitcast_convert_type3A_638, %sub3A_646 : vector<16xf32>
      %mul3A_648 = arith.constant 5.000000e-01 : f32
      %mul3A_649 = vector.broadcast %mul3A_648 : f32 to vector<16xf32>
      %mul3A_650 = arith.mulf %mul3A_649, %max3A_630 : vector<16xf32>
      %mul3A_651 = arith.mulf %mul3A_650, %mul3A_647 : vector<16xf32>
      %mul3A_652 = arith.mulf %mul3A_651, %mul3A_647 : vector<16xf32>
      %sub3A_653 = arith.constant 1.500000e+00 : f32
      %sub3A_654 = vector.broadcast %sub3A_653 : f32 to vector<16xf32>
      %sub3A_655 = arith.subf %sub3A_654, %mul3A_652 : vector<16xf32>
      %mul3A_656 = arith.mulf %mul3A_647, %sub3A_655 : vector<16xf32>
      %mul3A_657 = arith.constant 5.000000e-01 : f32
      %mul3A_658 = vector.broadcast %mul3A_657 : f32 to vector<16xf32>
      %mul3A_659 = arith.mulf %mul3A_658, %max3A_630 : vector<16xf32>
      %mul3A_660 = arith.mulf %mul3A_659, %mul3A_656 : vector<16xf32>
      %mul3A_661 = arith.mulf %mul3A_660, %mul3A_656 : vector<16xf32>
      %sub3A_662 = arith.constant 1.500000e+00 : f32
      %sub3A_663 = vector.broadcast %sub3A_662 : f32 to vector<16xf32>
      %sub3A_664 = arith.subf %sub3A_663, %mul3A_661 : vector<16xf32>
      %mul3A_665 = arith.mulf %mul3A_656, %sub3A_664 : vector<16xf32>
      %mul3A_666 = arith.mulf %max3A_630, %mul3A_665 : vector<16xf32>
      %broadcast_in_dim3A_667 = arith.constant true
      %broadcast_in_dim3A_668 = vector.broadcast %broadcast_in_dim3A_667 : i1 to vector<16xi1>
      %masked_cumsum3A_669 = tpu.scan <sum>, %mul3A_666 masked %broadcast_in_dim3A_668 : vector<16xf32>, vector<16xi1> -> vector<16xf32>
      %div3A_670 = arith.constant 1.000000e+00 : f32
      %div3A_671 = vector.broadcast %div3A_670 : f32 to vector<16xf32>
      %div3A_672 = arith.divf %div3A_671, %max3A_630 : vector<16xf32>
      %mul3A_673 = arith.constant 64 : i32
      %mul3A_674 = arith.muli %scan3A_420, %mul3A_673 : i32
      %add3A_675 = arith.constant 32 : i32
      %add3A_676 = arith.addi %mul3A_674, %add3A_675 : i32
      %swap3A_677 = arith.index_cast %add3A_676 : i32 to index
      %swap3A_678 = tpu.vector_load %arg13[%swap3A_677] {strides = array<i32>} : memref<128xf32, #tpu.memory_space<vmem>>, vector<16xf32>,
      tpu.vector_store %arg13[%swap3A_677], %get3A_613 {strides = array<i32>} : memref<128xf32, #tpu.memory_space<vmem>>, vector<16xf32>,
      %swap3A_679 = arith.index_cast %add3A_676 : i32 to index
      %swap3A_680 = tpu.vector_load %arg14[%swap3A_679] {strides = array<i32>} : memref<128xf32, #tpu.memory_space<vmem>>, vector<16xf32>,
      tpu.vector_store %arg14[%swap3A_679], %get3A_619 {strides = array<i32>} : memref<128xf32, #tpu.memory_space<vmem>>, vector<16xf32>,
      %swap3A_681 = arith.index_cast %add3A_676 : i32 to index
      %swap3A_682 = tpu.vector_load %arg15[%swap3A_681] {strides = array<i32>} : memref<128xf32, #tpu.memory_space<vmem>>, vector<16xf32>,
      tpu.vector_store %arg15[%swap3A_681], %sub3A_623 {strides = array<i32>} : memref<128xf32, #tpu.memory_space<vmem>>, vector<16xf32>,
      %swap3A_683 = arith.index_cast %add3A_676 : i32 to index
      %swap3A_684 = tpu.vector_load %arg16[%swap3A_683] {strides = array<i32>} : memref<128xf32, #tpu.memory_space<vmem>>, vector<16xf32>,
      tpu.vector_store %arg16[%swap3A_683], %sub3A_624 {strides = array<i32>} : memref<128xf32, #tpu.memory_space<vmem>>, vector<16xf32>,
      %swap3A_685 = arith.index_cast %add3A_676 : i32 to index
      %swap3A_686 = tpu.vector_load %arg17[%swap3A_685] {strides = array<i32>} : memref<128xf32, #tpu.memory_space<vmem>>, vector<16xf32>,
      tpu.vector_store %arg17[%swap3A_685], %div3A_672 {strides = array<i32>} : memref<128xf32, #tpu.memory_space<vmem>>, vector<16xf32>,
      %swap3A_687 = arith.index_cast %add3A_676 : i32 to index
      %swap3A_688 = tpu.vector_load %arg18[%swap3A_687] {strides = array<i32>} : memref<128xf32, #tpu.memory_space<vmem>>, vector<16xf32>,
      tpu.vector_store %arg18[%swap3A_687], %mul3A_666 {strides = array<i32>} : memref<128xf32, #tpu.memory_space<vmem>>, vector<16xf32>,
      %add3A_689 = vector.broadcast %add3A_610 : f32 to vector<16xf32>
      %add3A_690 = arith.addf %add3A_689, %masked_cumsum3A_669 : vector<16xf32>
      %sub3A_691 = arith.subf %add3A_690, %mul3A_666 : vector<16xf32>
      %swap3A_692 = arith.index_cast %add3A_676 : i32 to index
      %swap3A_693 = tpu.vector_load %arg19[%swap3A_692] {strides = array<i32>} : memref<128xf32, #tpu.memory_space<vmem>>, vector<16xf32>,
      tpu.vector_store %arg19[%swap3A_692], %sub3A_691 {strides = array<i32>} : memref<128xf32, #tpu.memory_space<vmem>>, vector<16xf32>,
      %max3A_694 = arith.constant 9.99999993E-9 : f32
      %max3A_695 = vector.broadcast %max3A_694 : f32 to vector<16xf32>
      %max3A_696 = arith.maximumf %mul3A_666, %max3A_695 : vector<16xf32>
      %div3A_697 = arith.constant 1.000000e+00 : f32
      %div3A_698 = vector.broadcast %div3A_697 : f32 to vector<16xf32>
      %div3A_699 = arith.divf %div3A_698, %max3A_696 : vector<16xf32>
      %swap3A_700 = arith.index_cast %add3A_676 : i32 to index
      %swap3A_701 = tpu.vector_load %arg20[%swap3A_700] {strides = array<i32>} : memref<128xf32, #tpu.memory_space<vmem>>, vector<16xf32>,
      tpu.vector_store %arg20[%swap3A_700], %div3A_699 {strides = array<i32>} : memref<128xf32, #tpu.memory_space<vmem>>, vector<16xf32>,
      %reduce_sum3A_702 = arith.constant true
      %reduce_sum3A_703 = vector.broadcast %reduce_sum3A_702 : i1 to vector<16xi1>
      %reduce_sum3A_704 = tpu.scan <sum>, %mul3A_666 masked %reduce_sum3A_703 : vector<16xf32>, vector<16xi1> -> vector<16xf32>
      %reduce_sum3A_705 = vector.extract %reduce_sum3A_704[15] : f32 from vector<16xf32>
      %add3A_706 = arith.addf %add3A_610, %reduce_sum3A_705 : f32
      %get3A_707 = arith.index_cast %min3A_422 : i32 to index
      %get3A_708 = arith.constant 48 : index
      %get3A_709 = tpu.vector_load %arg11[%get3A_707, %get3A_708] {strides = array<i32>} : memref<32x128xf32, #tpu.memory_space<vmem>>, vector<16xf32>,
      %get3A_710 = arith.index_cast %min3A_422 : i32 to index
      %get3A_711 = arith.constant 49 : index
      %get3A_712 = tpu.vector_load %arg11[%get3A_710, %get3A_711] {strides = array<i32>} : memref<32x128xf32, #tpu.memory_space<vmem>>, vector<16xf32>,
      %get3A_713 = arith.index_cast %min3A_422 : i32 to index
      %get3A_714 = arith.constant 48 : index
      %get3A_715 = tpu.vector_load %arg12[%get3A_713, %get3A_714] {strides = array<i32>} : memref<32x128xf32, #tpu.memory_space<vmem>>, vector<16xf32>,
      %get3A_716 = arith.index_cast %min3A_422 : i32 to index
      %get3A_717 = arith.constant 49 : index
      %get3A_718 = tpu.vector_load %arg12[%get3A_716, %get3A_717] {strides = array<i32>} : memref<32x128xf32, #tpu.memory_space<vmem>>, vector<16xf32>,
      %sub3A_719 = arith.subf %get3A_712, %get3A_709 : vector<16xf32>
      %sub3A_720 = arith.subf %get3A_718, %get3A_715 : vector<16xf32>
      %mul3A_721 = arith.mulf %sub3A_719, %sub3A_719 : vector<16xf32>
      %mul3A_722 = arith.mulf %sub3A_720, %sub3A_720 : vector<16xf32>
      %add3A_723 = arith.addf %mul3A_721, %mul3A_722 : vector<16xf32>
      %max3A_724 = arith.constant 9.99999993E-9 : f32
      %max3A_725 = vector.broadcast %max3A_724 : f32 to vector<16xf32>
      %max3A_726 = arith.maximumf %add3A_723, %max3A_725 : vector<16xf32>
      %bitcast_convert_type3A_727 = tpu.bitcast %max3A_726 : vector<16xf32> -> vector<16xi32>
      %shift_right_logical3A_728 = arith.constant 1 : i32
      %shift_right_logical3A_729 = vector.broadcast %shift_right_logical3A_728 : i32 to vector<16xi32>
      %shift_right_logical3A_730 = arith.shrui %bitcast_convert_type3A_727, %shift_right_logical3A_729 : vector<16xi32>
      %sub3A_731 = arith.constant 1597463007 : i32
      %sub3A_732 = vector.broadcast %sub3A_731 : i32 to vector<16xi32>
      %sub3A_733 = arith.subi %sub3A_732, %shift_right_logical3A_730 : vector<16xi32>
      %bitcast_convert_type3A_734 = tpu.bitcast %sub3A_733 : vector<16xi32> -> vector<16xf32>
      %mul3A_735 = arith.constant 5.000000e-01 : f32
      %mul3A_736 = vector.broadcast %mul3A_735 : f32 to vector<16xf32>
      %mul3A_737 = arith.mulf %mul3A_736, %max3A_726 : vector<16xf32>
      %mul3A_738 = arith.mulf %mul3A_737, %bitcast_convert_type3A_734 : vector<16xf32>
      %mul3A_739 = arith.mulf %mul3A_738, %bitcast_convert_type3A_734 : vector<16xf32>
      %sub3A_740 = arith.constant 1.500000e+00 : f32
      %sub3A_741 = vector.broadcast %sub3A_740 : f32 to vector<16xf32>
      %sub3A_742 = arith.subf %sub3A_741, %mul3A_739 : vector<16xf32>
      %mul3A_743 = arith.mulf %bitcast_convert_type3A_734, %sub3A_742 : vector<16xf32>
      %mul3A_744 = arith.constant 5.000000e-01 : f32
      %mul3A_745 = vector.broadcast %mul3A_744 : f32 to vector<16xf32>
      %mul3A_746 = arith.mulf %mul3A_745, %max3A_726 : vector<16xf32>
      %mul3A_747 = arith.mulf %mul3A_746, %mul3A_743 : vector<16xf32>
      %mul3A_748 = arith.mulf %mul3A_747, %mul3A_743 : vector<16xf32>
      %sub3A_749 = arith.constant 1.500000e+00 : f32
      %sub3A_750 = vector.broadcast %sub3A_749 : f32 to vector<16xf32>
      %sub3A_751 = arith.subf %sub3A_750, %mul3A_748 : vector<16xf32>
      %mul3A_752 = arith.mulf %mul3A_743, %sub3A_751 : vector<16xf32>
      %mul3A_753 = arith.constant 5.000000e-01 : f32
      %mul3A_754 = vector.broadcast %mul3A_753 : f32 to vector<16xf32>
      %mul3A_755 = arith.mulf %mul3A_754, %max3A_726 : vector<16xf32>
      %mul3A_756 = arith.mulf %mul3A_755, %mul3A_752 : vector<16xf32>
      %mul3A_757 = arith.mulf %mul3A_756, %mul3A_752 : vector<16xf32>
      %sub3A_758 = arith.constant 1.500000e+00 : f32
      %sub3A_759 = vector.broadcast %sub3A_758 : f32 to vector<16xf32>
      %sub3A_760 = arith.subf %sub3A_759, %mul3A_757 : vector<16xf32>
      %mul3A_761 = arith.mulf %mul3A_752, %sub3A_760 : vector<16xf32>
      %mul3A_762 = arith.mulf %max3A_726, %mul3A_761 : vector<16xf32>
      %broadcast_in_dim3A_763 = arith.constant true
      %broadcast_in_dim3A_764 = vector.broadcast %broadcast_in_dim3A_763 : i1 to vector<16xi1>
      %masked_cumsum3A_765 = tpu.scan <sum>, %mul3A_762 masked %broadcast_in_dim3A_764 : vector<16xf32>, vector<16xi1> -> vector<16xf32>
      %div3A_766 = arith.constant 1.000000e+00 : f32
      %div3A_767 = vector.broadcast %div3A_766 : f32 to vector<16xf32>
      %div3A_768 = arith.divf %div3A_767, %max3A_726 : vector<16xf32>
      %mul3A_769 = arith.constant 64 : i32
      %mul3A_770 = arith.muli %scan3A_420, %mul3A_769 : i32
      %add3A_771 = arith.constant 48 : i32
      %add3A_772 = arith.addi %mul3A_770, %add3A_771 : i32
      %swap3A_773 = arith.index_cast %add3A_772 : i32 to index
      %swap3A_774 = tpu.vector_load %arg13[%swap3A_773] {strides = array<i32>} : memref<128xf32, #tpu.memory_space<vmem>>, vector<16xf32>,
      tpu.vector_store %arg13[%swap3A_773], %get3A_709 {strides = array<i32>} : memref<128xf32, #tpu.memory_space<vmem>>, vector<16xf32>,
      %swap3A_775 = arith.index_cast %add3A_772 : i32 to index
      %swap3A_776 = tpu.vector_load %arg14[%swap3A_775] {strides = array<i32>} : memref<128xf32, #tpu.memory_space<vmem>>, vector<16xf32>,
      tpu.vector_store %arg14[%swap3A_775], %get3A_715 {strides = array<i32>} : memref<128xf32, #tpu.memory_space<vmem>>, vector<16xf32>,
      %swap3A_777 = arith.index_cast %add3A_772 : i32 to index
      %swap3A_778 = tpu.vector_load %arg15[%swap3A_777] {strides = array<i32>} : memref<128xf32, #tpu.memory_space<vmem>>, vector<16xf32>,
      tpu.vector_store %arg15[%swap3A_777], %sub3A_719 {strides = array<i32>} : memref<128xf32, #tpu.memory_space<vmem>>, vector<16xf32>,
      %swap3A_779 = arith.index_cast %add3A_772 : i32 to index
      %swap3A_780 = tpu.vector_load %arg16[%swap3A_779] {strides = array<i32>} : memref<128xf32, #tpu.memory_space<vmem>>, vector<16xf32>,
      tpu.vector_store %arg16[%swap3A_779], %sub3A_720 {strides = array<i32>} : memref<128xf32, #tpu.memory_space<vmem>>, vector<16xf32>,
      %swap3A_781 = arith.index_cast %add3A_772 : i32 to index
      %swap3A_782 = tpu.vector_load %arg17[%swap3A_781] {strides = array<i32>} : memref<128xf32, #tpu.memory_space<vmem>>, vector<16xf32>,
      tpu.vector_store %arg17[%swap3A_781], %div3A_768 {strides = array<i32>} : memref<128xf32, #tpu.memory_space<vmem>>, vector<16xf32>,
      %swap3A_783 = arith.index_cast %add3A_772 : i32 to index
      %swap3A_784 = tpu.vector_load %arg18[%swap3A_783] {strides = array<i32>} : memref<128xf32, #tpu.memory_space<vmem>>, vector<16xf32>,
      tpu.vector_store %arg18[%swap3A_783], %mul3A_762 {strides = array<i32>} : memref<128xf32, #tpu.memory_space<vmem>>, vector<16xf32>,
      %add3A_785 = vector.broadcast %add3A_706 : f32 to vector<16xf32>
      %add3A_786 = arith.addf %add3A_785, %masked_cumsum3A_765 : vector<16xf32>
      %sub3A_787 = arith.subf %add3A_786, %mul3A_762 : vector<16xf32>
      %swap3A_788 = arith.index_cast %add3A_772 : i32 to index
      %swap3A_789 = tpu.vector_load %arg19[%swap3A_788] {strides = array<i32>} : memref<128xf32, #tpu.memory_space<vmem>>, vector<16xf32>,
      tpu.vector_store %arg19[%swap3A_788], %sub3A_787 {strides = array<i32>} : memref<128xf32, #tpu.memory_space<vmem>>, vector<16xf32>,
      %max3A_790 = arith.constant 9.99999993E-9 : f32
      %max3A_791 = vector.broadcast %max3A_790 : f32 to vector<16xf32>
      %max3A_792 = arith.maximumf %mul3A_762, %max3A_791 : vector<16xf32>
      %div3A_793 = arith.constant 1.000000e+00 : f32
      %div3A_794 = vector.broadcast %div3A_793 : f32 to vector<16xf32>
      %div3A_795 = arith.divf %div3A_794, %max3A_792 : vector<16xf32>
      %swap3A_796 = arith.index_cast %add3A_772 : i32 to index
      %swap3A_797 = tpu.vector_load %arg20[%swap3A_796] {strides = array<i32>} : memref<128xf32, #tpu.memory_space<vmem>>, vector<16xf32>,
      tpu.vector_store %arg20[%swap3A_796], %div3A_795 {strides = array<i32>} : memref<128xf32, #tpu.memory_space<vmem>>, vector<16xf32>,
      %reduce_sum3A_798 = arith.constant true
      %reduce_sum3A_799 = vector.broadcast %reduce_sum3A_798 : i1 to vector<16xi1>
      %reduce_sum3A_800 = tpu.scan <sum>, %mul3A_762 masked %reduce_sum3A_799 : vector<16xf32>, vector<16xi1> -> vector<16xf32>
      %reduce_sum3A_801 = vector.extract %reduce_sum3A_800[15] : f32 from vector<16xf32>
      %add3A_802 = arith.addf %add3A_706, %reduce_sum3A_801 : f32
    }
    %scan3A_335 = arith.constant 2 : i32
    %dma_wait3A_336 = arith.constant 0 : i32
    %dma_wait3A_337 = tpu.memref_slice %arg21[%dma_wait3A_336] : memref<23040xf32, #tpu.memory_space<vmem>> -> memref<1920xf32, #tpu.memory_space<vmem>>
    %dma_wait3A_338 = tpu.memref_slice %arg5[%add3A_78] : memref<46080xf32, #tpu.memory_space<hbm>> -> memref<1920xf32, #tpu.memory_space<hbm>>
    %dma_wait3A_339 = arith.constant 0 : i32
    %dma_wait3A_340 = tpu.memref_slice %arg21[%dma_wait3A_339] : memref<23040xf32, #tpu.memory_space<vmem>> -> memref<1920xf32, #tpu.memory_space<vmem>>
    %dma_wait3A_341 = tpu.memref_slice %arg5[%add3A_78] : memref<46080xf32, #tpu.memory_space<hbm>> -> memref<1920xf32, #tpu.memory_space<hbm>>
    tpu.wait_dma2 semaphore(%arg28 : memref<!tpu.dma_semaphore, #tpu.memory_space<semaphore_mem>>) src(%dma_wait3A_341 : memref<1920xf32, #tpu.memory_space<hbm>>) dst(%dma_wait3A_340 : memref<1920xf32, #tpu.memory_space<vmem>>)
    %dma_wait3A_342 = arith.constant 1920 : i32
    %dma_wait3A_343 = tpu.memref_slice %arg21[%dma_wait3A_342] : memref<23040xf32, #tpu.memory_space<vmem>> -> memref<1920xf32, #tpu.memory_space<vmem>>
    %dma_wait3A_344 = tpu.memref_slice %arg5[%add3A_87] : memref<46080xf32, #tpu.memory_space<hbm>> -> memref<1920xf32, #tpu.memory_space<hbm>>
    %dma_wait3A_345 = arith.constant 1920 : i32
    %dma_wait3A_346 = tpu.memref_slice %arg21[%dma_wait3A_345] : memref<23040xf32, #tpu.memory_space<vmem>> -> memref<1920xf32, #tpu.memory_space<vmem>>
    %dma_wait3A_347 = tpu.memref_slice %arg5[%add3A_87] : memref<46080xf32, #tpu.memory_space<hbm>> -> memref<1920xf32, #tpu.memory_space<hbm>>
    tpu.wait_dma2 semaphore(%arg28 : memref<!tpu.dma_semaphore, #tpu.memory_space<semaphore_mem>>) src(%dma_wait3A_347 : memref<1920xf32, #tpu.memory_space<hbm>>) dst(%dma_wait3A_346 : memref<1920xf32, #tpu.memory_space<vmem>>)
    %dma_wait3A_348 = arith.constant 3840 : i32
    %dma_wait3A_349 = tpu.memref_slice %arg21[%dma_wait3A_348] : memref<23040xf32, #tpu.memory_space<vmem>> -> memref<1920xf32, #tpu.memory_space<vmem>>
    %dma_wait3A_350 = tpu.memref_slice %arg5[%add3A_97] : memref<46080xf32, #tpu.memory_space<hbm>> -> memref<1920xf32, #tpu.memory_space<hbm>>
    %dma_wait3A_351 = arith.constant 3840 : i32
    %dma_wait3A_352 = tpu.memref_slice %arg21[%dma_wait3A_351] : memref<23040xf32, #tpu.memory_space<vmem>> -> memref<1920xf32, #tpu.memory_space<vmem>>
    %dma_wait3A_353 = tpu.memref_slice %arg5[%add3A_97] : memref<46080xf32, #tpu.memory_space<hbm>> -> memref<1920xf32, #tpu.memory_space<hbm>>
    tpu.wait_dma2 semaphore(%arg28 : memref<!tpu.dma_semaphore, #tpu.memory_space<semaphore_mem>>) src(%dma_wait3A_353 : memref<1920xf32, #tpu.memory_space<hbm>>) dst(%dma_wait3A_352 : memref<1920xf32, #tpu.memory_space<vmem>>)
    %dma_wait3A_354 = arith.constant 5760 : i32
    %dma_wait3A_355 = tpu.memref_slice %arg21[%dma_wait3A_354] : memref<23040xf32, #tpu.memory_space<vmem>> -> memref<1920xf32, #tpu.memory_space<vmem>>
    %dma_wait3A_356 = tpu.memref_slice %arg5[%add3A_107] : memref<46080xf32, #tpu.memory_space<hbm>> -> memref<1920xf32, #tpu.memory_space<hbm>>
    %dma_wait3A_357 = arith.constant 5760 : i32
    %dma_wait3A_358 = tpu.memref_slice %arg21[%dma_wait3A_357] : memref<23040xf32, #tpu.memory_space<vmem>> -> memref<1920xf32, #tpu.memory_space<vmem>>
    %dma_wait3A_359 = tpu.memref_slice %arg5[%add3A_107] : memref<46080xf32, #tpu.memory_space<hbm>> -> memref<1920xf32, #tpu.memory_space<hbm>>
    tpu.wait_dma2 semaphore(%arg28 : memref<!tpu.dma_semaphore, #tpu.memory_space<semaphore_mem>>) src(%dma_wait3A_359 : memref<1920xf32, #tpu.memory_space<hbm>>) dst(%dma_wait3A_358 : memref<1920xf32, #tpu.memory_space<vmem>>)
    %dma_wait3A_360 = arith.constant 7680 : i32
    %dma_wait3A_361 = tpu.memref_slice %arg21[%dma_wait3A_360] : memref<23040xf32, #tpu.memory_space<vmem>> -> memref<1920xf32, #tpu.memory_space<vmem>>
    %dma_wait3A_362 = tpu.memref_slice %arg5[%add3A_117] : memref<46080xf32, #tpu.memory_space<hbm>> -> memref<1920xf32, #tpu.memory_space<hbm>>
    %dma_wait3A_363 = arith.constant 7680 : i32
    %dma_wait3A_364 = tpu.memref_slice %arg21[%dma_wait3A_363] : memref<23040xf32, #tpu.memory_space<vmem>> -> memref<1920xf32, #tpu.memory_space<vmem>>
    %dma_wait3A_365 = tpu.memref_slice %arg5[%add3A_117] : memref<46080xf32, #tpu.memory_space<hbm>> -> memref<1920xf32, #tpu.memory_space<hbm>>
    tpu.wait_dma2 semaphore(%arg28 : memref<!tpu.dma_semaphore, #tpu.memory_space<semaphore_mem>>) src(%dma_wait3A_365 : memref<1920xf32, #tpu.memory_space<hbm>>) dst(%dma_wait3A_364 : memref<1920xf32, #tpu.memory_space<vmem>>)
    %dma_wait3A_366 = arith.constant 9600 : i32
    %dma_wait3A_367 = tpu.memref_slice %arg21[%dma_wait3A_366] : memref<23040xf32, #tpu.memory_space<vmem>> -> memref<1920xf32, #tpu.memory_space<vmem>>
    %dma_wait3A_368 = tpu.memref_slice %arg5[%add3A_127] : memref<46080xf32, #tpu.memory_space<hbm>> -> memref<1920xf32, #tpu.memory_space<hbm>>
    %dma_wait3A_369 = arith.constant 9600 : i32
    %dma_wait3A_370 = tpu.memref_slice %arg21[%dma_wait3A_369] : memref<23040xf32, #tpu.memory_space<vmem>> -> memref<1920xf32, #tpu.memory_space<vmem>>
    %dma_wait3A_371 = tpu.memref_slice %arg5[%add3A_127] : memref<46080xf32, #tpu.memory_space<hbm>> -> memref<1920xf32, #tpu.memory_space<hbm>>
    tpu.wait_dma2 semaphore(%arg28 : memref<!tpu.dma_semaphore, #tpu.memory_space<semaphore_mem>>) src(%dma_wait3A_371 : memref<1920xf32, #tpu.memory_space<hbm>>) dst(%dma_wait3A_370 : memref<1920xf32, #tpu.memory_space<vmem>>)
    %dma_wait3A_372 = arith.constant 11520 : i32
    %dma_wait3A_373 = tpu.memref_slice %arg21[%dma_wait3A_372] : memref<23040xf32, #tpu.memory_space<vmem>> -> memref<1920xf32, #tpu.memory_space<vmem>>
    %dma_wait3A_374 = tpu.memref_slice %arg5[%add3A_164] : memref<46080xf32, #tpu.memory_space<hbm>> -> memref<1920xf32, #tpu.memory_space<hbm>>
    %dma_wait3A_375 = arith.constant 11520 : i32
    %dma_wait3A_376 = tpu.memref_slice %arg21[%dma_wait3A_375] : memref<23040xf32, #tpu.memory_space<vmem>> -> memref<1920xf32, #tpu.memory_space<vmem>>
    %dma_wait3A_377 = tpu.memref_slice %arg5[%add3A_164] : memref<46080xf32, #tpu.memory_space<hbm>> -> memref<1920xf32, #tpu.memory_space<hbm>>
    tpu.wait_dma2 semaphore(%arg28 : memref<!tpu.dma_semaphore, #tpu.memory_space<semaphore_mem>>) src(%dma_wait3A_377 : memref<1920xf32, #tpu.memory_space<hbm>>) dst(%dma_wait3A_376 : memref<1920xf32, #tpu.memory_space<vmem>>)
    %dma_wait3A_378 = arith.constant 13440 : i32
    %dma_wait3A_379 = tpu.memref_slice %arg21[%dma_wait3A_378] : memref<23040xf32, #tpu.memory_space<vmem>> -> memref<1920xf32, #tpu.memory_space<vmem>>
    %dma_wait3A_380 = tpu.memref_slice %arg5[%add3A_174] : memref<46080xf32, #tpu.memory_space<hbm>> -> memref<1920xf32, #tpu.memory_space<hbm>>
    %dma_wait3A_381 = arith.constant 13440 : i32
    %dma_wait3A_382 = tpu.memref_slice %arg21[%dma_wait3A_381] : memref<23040xf32, #tpu.memory_space<vmem>> -> memref<1920xf32, #tpu.memory_space<vmem>>
    %dma_wait3A_383 = tpu.memref_slice %arg5[%add3A_174] : memref<46080xf32, #tpu.memory_space<hbm>> -> memref<1920xf32, #tpu.memory_space<hbm>>
    tpu.wait_dma2 semaphore(%arg28 : memref<!tpu.dma_semaphore, #tpu.memory_space<semaphore_mem>>) src(%dma_wait3A_383 : memref<1920xf32, #tpu.memory_space<hbm>>) dst(%dma_wait3A_382 : memref<1920xf32, #tpu.memory_space<vmem>>)
    %dma_wait3A_384 = arith.constant 15360 : i32
    %dma_wait3A_385 = tpu.memref_slice %arg21[%dma_wait3A_384] : memref<23040xf32, #tpu.memory_space<vmem>> -> memref<1920xf32, #tpu.memory_space<vmem>>
    %dma_wait3A_386 = tpu.memref_slice %arg5[%add3A_184] : memref<46080xf32, #tpu.memory_space<hbm>> -> memref<1920xf32, #tpu.memory_space<hbm>>
    %dma_wait3A_387 = arith.constant 15360 : i32
    %dma_wait3A_388 = tpu.memref_slice %arg21[%dma_wait3A_387] : memref<23040xf32, #tpu.memory_space<vmem>> -> memref<1920xf32, #tpu.memory_space<vmem>>
    %dma_wait3A_389 = tpu.memref_slice %arg5[%add3A_184] : memref<46080xf32, #tpu.memory_space<hbm>> -> memref<1920xf32, #tpu.memory_space<hbm>>
    tpu.wait_dma2 semaphore(%arg28 : memref<!tpu.dma_semaphore, #tpu.memory_space<semaphore_mem>>) src(%dma_wait3A_389 : memref<1920xf32, #tpu.memory_space<hbm>>) dst(%dma_wait3A_388 : memref<1920xf32, #tpu.memory_space<vmem>>)
    %dma_wait3A_390 = arith.constant 17280 : i32
    %dma_wait3A_391 = tpu.memref_slice %arg21[%dma_wait3A_390] : memref<23040xf32, #tpu.memory_space<vmem>> -> memref<1920xf32, #tpu.memory_space<vmem>>
    %dma_wait3A_392 = tpu.memref_slice %arg5[%add3A_194] : memref<46080xf32, #tpu.memory_space<hbm>> -> memref<1920xf32, #tpu.memory_space<hbm>>
    %dma_wait3A_393 = arith.constant 17280 : i32
    %dma_wait3A_394 = tpu.memref_slice %arg21[%dma_wait3A_393] : memref<23040xf32, #tpu.memory_space<vmem>> -> memref<1920xf32, #tpu.memory_space<vmem>>
    %dma_wait3A_395 = tpu.memref_slice %arg5[%add3A_194] : memref<46080xf32, #tpu.memory_space<hbm>> -> memref<1920xf32, #tpu.memory_space<hbm>>
    tpu.wait_dma2 semaphore(%arg28 : memref<!tpu.dma_semaphore, #tpu.memory_space<semaphore_mem>>) src(%dma_wait3A_395 : memref<1920xf32, #tpu.memory_space<hbm>>) dst(%dma_wait3A_394 : memref<1920xf32, #tpu.memory_space<vmem>>)
    %dma_wait3A_396 = arith.constant 19200 : i32
    %dma_wait3A_397 = tpu.memref_slice %arg21[%dma_wait3A_396] : memref<23040xf32, #tpu.memory_space<vmem>> -> memref<1920xf32, #tpu.memory_space<vmem>>
    %dma_wait3A_398 = tpu.memref_slice %arg5[%add3A_204] : memref<46080xf32, #tpu.memory_space<hbm>> -> memref<1920xf32, #tpu.memory_space<hbm>>
    %dma_wait3A_399 = arith.constant 19200 : i32
    %dma_wait3A_400 = tpu.memref_slice %arg21[%dma_wait3A_399] : memref<23040xf32, #tpu.memory_space<vmem>> -> memref<1920xf32, #tpu.memory_space<vmem>>
    %dma_wait3A_401 = tpu.memref_slice %arg5[%add3A_204] : memref<46080xf32, #tpu.memory_space<hbm>> -> memref<1920xf32, #tpu.memory_space<hbm>>
    tpu.wait_dma2 semaphore(%arg28 : memref<!tpu.dma_semaphore, #tpu.memory_space<semaphore_mem>>) src(%dma_wait3A_401 : memref<1920xf32, #tpu.memory_space<hbm>>) dst(%dma_wait3A_400 : memref<1920xf32, #tpu.memory_space<vmem>>)
    %dma_wait3A_402 = arith.constant 21120 : i32
    %dma_wait3A_403 = tpu.memref_slice %arg21[%dma_wait3A_402] : memref<23040xf32, #tpu.memory_space<vmem>> -> memref<1920xf32, #tpu.memory_space<vmem>>
    %dma_wait3A_404 = tpu.memref_slice %arg5[%add3A_214] : memref<46080xf32, #tpu.memory_space<hbm>> -> memref<1920xf32, #tpu.memory_space<hbm>>
    %dma_wait3A_405 = arith.constant 21120 : i32
    %dma_wait3A_406 = tpu.memref_slice %arg21[%dma_wait3A_405] : memref<23040xf32, #tpu.memory_space<vmem>> -> memref<1920xf32, #tpu.memory_space<vmem>>
    %dma_wait3A_407 = tpu.memref_slice %arg5[%add3A_214] : memref<46080xf32, #tpu.memory_space<hbm>> -> memref<1920xf32, #tpu.memory_space<hbm>>
    tpu.wait_dma2 semaphore(%arg28 : memref<!tpu.dma_semaphore, #tpu.memory_space<semaphore_mem>>) src(%dma_wait3A_407 : memref<1920xf32, #tpu.memory_space<hbm>>) dst(%dma_wait3A_406 : memref<1920xf32, #tpu.memory_space<vmem>>)
    %dma_wait3A_408 = tpu.memref_slice %arg6[%mul3A_2] : memref<138240xf32, #tpu.memory_space<hbm>> -> memref<1440xf32, #tpu.memory_space<hbm>>
    %dma_wait3A_409 = tpu.memref_slice %arg6[%mul3A_2] : memref<138240xf32, #tpu.memory_space<hbm>> -> memref<1440xf32, #tpu.memory_space<hbm>>
    tpu.wait_dma2 semaphore(%arg28 : memref<!tpu.dma_semaphore, #tpu.memory_space<semaphore_mem>>) src(%dma_wait3A_409 : memref<1440xf32, #tpu.memory_space<hbm>>) dst(%arg22 : memref<1440xf32, #tpu.memory_space<vmem>>)
    %dma_wait3A_410 = tpu.memref_slice %arg6[%add3A_224] : memref<138240xf32, #tpu.memory_space<hbm>> -> memref<1440xf32, #tpu.memory_space<hbm>>
    %dma_wait3A_411 = tpu.memref_slice %arg6[%add3A_224] : memref<138240xf32, #tpu.memory_space<hbm>> -> memref<1440xf32, #tpu.memory_space<hbm>>
    tpu.wait_dma2 semaphore(%arg28 : memref<!tpu.dma_semaphore, #tpu.memory_space<semaphore_mem>>) src(%dma_wait3A_411 : memref<1440xf32, #tpu.memory_space<hbm>>) dst(%arg23 : memref<1440xf32, #tpu.memory_space<vmem>>)
    %dma_wait3A_412 = tpu.memref_slice %arg6[%add3A_228] : memref<138240xf32, #tpu.memory_space<hbm>> -> memref<1440xf32, #tpu.memory_space<hbm>>
    %dma_wait3A_413 = tpu.memref_slice %arg6[%add3A_228] : memref<138240xf32, #tpu.memory_space<hbm>> -> memref<1440xf32, #tpu.memory_space<hbm>>
    tpu.wait_dma2 semaphore(%arg28 : memref<!tpu.dma_semaphore, #tpu.memory_space<semaphore_mem>>) src(%dma_wait3A_413 : memref<1440xf32, #tpu.memory_space<hbm>>) dst(%arg24 : memref<1440xf32, #tpu.memory_space<vmem>>)
    tpu.wait_dma2 semaphore(%arg28 : memref<!tpu.dma_semaphore, #tpu.memory_space<semaphore_mem>>) src(%arg7 : memref<64xf32, #tpu.memory_space<hbm>>) dst(%arg25 : memref<64xf32, #tpu.memory_space<vmem>>)
    %scan3A_414 = arith.constant 0 : i32
    %scan3A_415 = arith.constant 0 : i32
    %scan3A_416 = arith.constant 45 : i32
    %scan3A_417 = arith.addi %scan3A_415, %scan3A_416 : i32
    %scan3A_418 = arith.constant 1 : i32
    scf.for %scan3A_420 = %scan3A_415 to %scan3A_417 step %scan3A_418  : i32 {
      %mul3A_421 = arith.constant 2 : i32
      %mul3A_422 = arith.muli %mul3A_421, %scan3A_420 : i32
      %add3A_423 = arith.addi %mul3A_4, %mul3A_422 : i32
      %jit3A_424 = arith.constant 120 : i32
      %div3A_425 = arith.divsi %add3A_423, %jit3A_424 : i32
      %sign3A_426 = arith.constant 0 : i32
      %sign3A_427 = arith.cmpi sgt, %add3A_423, %sign3A_426 : i32
      %sign3A_428 = arith.extui %sign3A_427 : i1 to i32
      %sign3A_429 = arith.constant 0 : i32
      %sign3A_430 = arith.cmpi slt, %add3A_423, %sign3A_429 : i32
      %sign3A_431 = arith.extui %sign3A_430 : i1 to i32
      %sign3A_432 = arith.subi %sign3A_428, %sign3A_431 : i32
      %sign3A_433 = arith.constant 0 : i32
      %sign3A_434 = arith.cmpi sgt, %jit3A_424, %sign3A_433 : i32
      %sign3A_435 = arith.extui %sign3A_434 : i1 to i32
      %sign3A_436 = arith.constant 0 : i32
      %sign3A_437 = arith.cmpi slt, %jit3A_424, %sign3A_436 : i32
      %sign3A_438 = arith.extui %sign3A_437 : i1 to i32
      %sign3A_439 = arith.subi %sign3A_435, %sign3A_438 : i32
      %ne3A_440 = arith.cmpi ne, %sign3A_432, %sign3A_439 : i32
      %rem3A_441 = arith.remsi %add3A_423, %jit3A_424 : i32
      %ne3A_442 = arith.constant 0 : i32
      %ne3A_443 = arith.cmpi ne, %rem3A_441, %ne3A_442 : i32
      %and3A_444 = arith.andi %ne3A_440, %ne3A_443 : i1
      %sub3A_445 = arith.constant 1 : i32
      %sub3A_446 = arith.subi %div3A_425, %sub3A_445 : i32
      %select_n3A_447 = arith.select %and3A_444, %sub3A_446, %div3A_425 : i32
      %mul3A_448 = arith.constant 120 : i32
      %mul3A_449 = arith.muli %select_n3A_447, %mul3A_448 : i32
      %sub3A_450 = arith.subi %add3A_423, %mul3A_449 : i32
      %jit3A_451 = arith.constant 6 : i32
      %div3A_452 = arith.divsi %select_n3A_447, %jit3A_451 : i32
      %sign3A_453 = arith.constant 0 : i32
      %sign3A_454 = arith.cmpi sgt, %select_n3A_447, %sign3A_453 : i32
      %sign3A_455 = arith.extui %sign3A_454 : i1 to i32
      %sign3A_456 = arith.constant 0 : i32
      %sign3A_457 = arith.cmpi slt, %select_n3A_447, %sign3A_456 : i32
      %sign3A_458 = arith.extui %sign3A_457 : i1 to i32
      %sign3A_459 = arith.subi %sign3A_455, %sign3A_458 : i32
      %sign3A_460 = arith.constant 0 : i32
      %sign3A_461 = arith.cmpi sgt, %jit3A_451, %sign3A_460 : i32
      %sign3A_462 = arith.extui %sign3A_461 : i1 to i32
      %sign3A_463 = arith.constant 0 : i32
      %sign3A_464 = arith.cmpi slt, %jit3A_451, %sign3A_463 : i32
      %sign3A_465 = arith.extui %sign3A_464 : i1 to i32
      %sign3A_466 = arith.subi %sign3A_462, %sign3A_465 : i32
      %ne3A_467 = arith.cmpi ne, %sign3A_459, %sign3A_466 : i32
      %rem3A_468 = arith.remsi %select_n3A_447, %jit3A_451 : i32
      %ne3A_469 = arith.constant 0 : i32
      %ne3A_470 = arith.cmpi ne, %rem3A_468, %ne3A_469 : i32
      %and3A_471 = arith.andi %ne3A_467, %ne3A_470 : i1
      %sub3A_472 = arith.constant 1 : i32
      %sub3A_473 = arith.subi %div3A_452, %sub3A_472 : i32
      %select_n3A_474 = arith.select %and3A_471, %sub3A_473, %div3A_452 : i32
      %mul3A_475 = arith.constant 6 : i32
      %mul3A_476 = arith.muli %select_n3A_474, %mul3A_475 : i32
      %sub3A_477 = arith.subi %select_n3A_447, %mul3A_476 : i32
      %sub3A_478 = arith.subi %select_n3A_447, %select_n3A : i32
      %mul3A_479 = arith.constant 64 : i32
      %mul3A_480 = arith.muli %sub3A_478, %mul3A_479 : i32
      %mul3A_481 = arith.constant 11520 : i32
      %mul3A_482 = arith.muli %sub3A_478, %mul3A_481 : i32
      %mul3A_483 = arith.constant 16 : i32
      %mul3A_484 = arith.muli %sub3A_450, %mul3A_483 : i32
      %add3A_485 = arith.addi %mul3A_482, %mul3A_484 : i32
      %add3A_486 = arith.constant 0 : i32
      %add3A_487 = arith.addi %add3A_486, %add3A_485 : i32
      %add3A_488 = arith.constant 0 : i32
      %add3A_489 = arith.addi %add3A_487, %add3A_488 : i32
      %get3A_490 = arith.index_cast %add3A_489 : i32 to index
      %get3A_491 = tpu.vector_load %arg21[%get3A_490] {strides = array<i32>} : memref<23040xf32, #tpu.memory_space<vmem>>, vector<16xf32>,
      %add3A_492 = arith.constant 1920 : i32
      %add3A_493 = arith.addi %add3A_492, %add3A_485 : i32
      %add3A_494 = arith.constant 0 : i32
      %add3A_495 = arith.addi %add3A_493, %add3A_494 : i32
      %get3A_496 = arith.index_cast %add3A_495 : i32 to index
      %get3A_497 = tpu.vector_load %arg21[%get3A_496] {strides = array<i32>} : memref<23040xf32, #tpu.memory_space<vmem>>, vector<16xf32>,
      %add3A_498 = arith.constant 3840 : i32
      %add3A_499 = arith.addi %add3A_498, %add3A_485 : i32
      %add3A_500 = arith.constant 0 : i32
      %add3A_501 = arith.addi %add3A_499, %add3A_500 : i32
      %get3A_502 = arith.index_cast %add3A_501 : i32 to index
      %get3A_503 = tpu.vector_load %arg21[%get3A_502] {strides = array<i32>} : memref<23040xf32, #tpu.memory_space<vmem>>, vector<16xf32>,
      %add3A_504 = arith.addf %get3A_491, %get3A_503 : vector<16xf32>
      %add3A_505 = arith.constant 5760 : i32
      %add3A_506 = arith.addi %add3A_505, %add3A_485 : i32
      %add3A_507 = arith.constant 0 : i32
      %add3A_508 = arith.addi %add3A_506, %add3A_507 : i32
      %get3A_509 = arith.index_cast %add3A_508 : i32 to index
      %get3A_510 = tpu.vector_load %arg21[%get3A_509] {strides = array<i32>} : memref<23040xf32, #tpu.memory_space<vmem>>, vector<16xf32>,
      %add3A_511 = arith.addf %get3A_497, %get3A_510 : vector<16xf32>
      %add3A_512 = arith.constant 7680 : i32
      %add3A_513 = arith.addi %add3A_512, %add3A_485 : i32
      %add3A_514 = arith.constant 0 : i32
      %add3A_515 = arith.addi %add3A_513, %add3A_514 : i32
      %get3A_516 = arith.index_cast %add3A_515 : i32 to index
      %get3A_517 = tpu.vector_load %arg21[%get3A_516] {strides = array<i32>} : memref<23040xf32, #tpu.memory_space<vmem>>, vector<16xf32>,
      %add3A_518 = arith.constant 9600 : i32
      %add3A_519 = arith.addi %add3A_518, %add3A_485 : i32
      %add3A_520 = arith.constant 0 : i32
      %add3A_521 = arith.addi %add3A_519, %add3A_520 : i32
      %get3A_522 = arith.index_cast %add3A_521 : i32 to index
      %get3A_523 = tpu.vector_load %arg21[%get3A_522] {strides = array<i32>} : memref<23040xf32, #tpu.memory_space<vmem>>, vector<16xf32>,
      %add3A_524 = arith.constant 0 : i32
      %add3A_525 = arith.addi %add3A_524, %add3A_485 : i32
      %add3A_526 = arith.constant 16 : i32
      %add3A_527 = arith.addi %add3A_525, %add3A_526 : i32
      %get3A_528 = arith.index_cast %add3A_527 : i32 to index
      %get3A_529 = tpu.vector_load %arg21[%get3A_528] {strides = array<i32>} : memref<23040xf32, #tpu.memory_space<vmem>>, vector<16xf32>,
      %add3A_530 = arith.constant 1920 : i32
      %add3A_531 = arith.addi %add3A_530, %add3A_485 : i32
      %add3A_532 = arith.constant 16 : i32
      %add3A_533 = arith.addi %add3A_531, %add3A_532 : i32
      %get3A_534 = arith.index_cast %add3A_533 : i32 to index
      %get3A_535 = tpu.vector_load %arg21[%get3A_534] {strides = array<i32>} : memref<23040xf32, #tpu.memory_space<vmem>>, vector<16xf32>,
      %add3A_536 = arith.constant 3840 : i32
      %add3A_537 = arith.addi %add3A_536, %add3A_485 : i32
      %add3A_538 = arith.constant 16 : i32
      %add3A_539 = arith.addi %add3A_537, %add3A_538 : i32
      %get3A_540 = arith.index_cast %add3A_539 : i32 to index
      %get3A_541 = tpu.vector_load %arg21[%get3A_540] {strides = array<i32>} : memref<23040xf32, #tpu.memory_space<vmem>>, vector<16xf32>,
      %add3A_542 = arith.addf %get3A_529, %get3A_541 : vector<16xf32>
      %add3A_543 = arith.constant 5760 : i32
      %add3A_544 = arith.addi %add3A_543, %add3A_485 : i32
      %add3A_545 = arith.constant 16 : i32
      %add3A_546 = arith.addi %add3A_544, %add3A_545 : i32
      %get3A_547 = arith.index_cast %add3A_546 : i32 to index
      %get3A_548 = tpu.vector_load %arg21[%get3A_547] {strides = array<i32>} : memref<23040xf32, #tpu.memory_space<vmem>>, vector<16xf32>,
      %add3A_549 = arith.addf %get3A_535, %get3A_548 : vector<16xf32>
      %add3A_550 = arith.constant 7680 : i32
      %add3A_551 = arith.addi %add3A_550, %add3A_485 : i32
      %add3A_552 = arith.constant 16 : i32
      %add3A_553 = arith.addi %add3A_551, %add3A_552 : i32
      %get3A_554 = arith.index_cast %add3A_553 : i32 to index
      %get3A_555 = tpu.vector_load %arg21[%get3A_554] {strides = array<i32>} : memref<23040xf32, #tpu.memory_space<vmem>>, vector<16xf32>,
      %add3A_556 = arith.constant 9600 : i32
      %add3A_557 = arith.addi %add3A_556, %add3A_485 : i32
      %add3A_558 = arith.constant 16 : i32
      %add3A_559 = arith.addi %add3A_557, %add3A_558 : i32
      %get3A_560 = arith.index_cast %add3A_559 : i32 to index
      %get3A_561 = tpu.vector_load %arg21[%get3A_560] {strides = array<i32>} : memref<23040xf32, #tpu.memory_space<vmem>>, vector<16xf32>,
      %mul3A_562 = arith.mulf %get3A_517, %get3A_517 : vector<16xf32>
      %mul3A_563 = arith.mulf %get3A_523, %get3A_523 : vector<16xf32>
      %add3A_564 = arith.addf %mul3A_562, %mul3A_563 : vector<16xf32>
      %add3A_565 = arith.constant 9.99999996E-13 : f32
      %add3A_566 = vector.broadcast %add3A_565 : f32 to vector<16xf32>
      %add3A_567 = arith.addf %add3A_564, %add3A_566 : vector<16xf32>
      %bitcast_convert_type3A = tpu.bitcast %add3A_567 : vector<16xf32> -> vector<16xi32>
      %shift_right_logical3A = arith.constant 1 : i32
      %shift_right_logical3A_568 = vector.broadcast %shift_right_logical3A : i32 to vector<16xi32>
      %shift_right_logical3A_569 = arith.shrui %bitcast_convert_type3A, %shift_right_logical3A_568 : vector<16xi32>
      %sub3A_570 = arith.constant 1597463007 : i32
      %sub3A_571 = vector.broadcast %sub3A_570 : i32 to vector<16xi32>
      %sub3A_572 = arith.subi %sub3A_571, %shift_right_logical3A_569 : vector<16xi32>
      %bitcast_convert_type3A_573 = tpu.bitcast %sub3A_572 : vector<16xi32> -> vector<16xf32>
      %mul3A_574 = arith.constant 5.000000e-01 : f32
      %mul3A_575 = vector.broadcast %mul3A_574 : f32 to vector<16xf32>
      %mul3A_576 = arith.mulf %mul3A_575, %add3A_567 : vector<16xf32>
      %mul3A_577 = arith.mulf %mul3A_576, %bitcast_convert_type3A_573 : vector<16xf32>
      %mul3A_578 = arith.mulf %mul3A_577, %bitcast_convert_type3A_573 : vector<16xf32>
      %sub3A_579 = arith.constant 1.500000e+00 : f32
      %sub3A_580 = vector.broadcast %sub3A_579 : f32 to vector<16xf32>
      %sub3A_581 = arith.subf %sub3A_580, %mul3A_578 : vector<16xf32>
      %mul3A_582 = arith.mulf %bitcast_convert_type3A_573, %sub3A_581 : vector<16xf32>
      %mul3A_583 = arith.constant 5.000000e-01 : f32
      %mul3A_584 = vector.broadcast %mul3A_583 : f32 to vector<16xf32>
      %mul3A_585 = arith.mulf %mul3A_584, %add3A_567 : vector<16xf32>
      %mul3A_586 = arith.mulf %mul3A_585, %mul3A_582 : vector<16xf32>
      %mul3A_587 = arith.mulf %mul3A_586, %mul3A_582 : vector<16xf32>
      %sub3A_588 = arith.constant 1.500000e+00 : f32
      %sub3A_589 = vector.broadcast %sub3A_588 : f32 to vector<16xf32>
      %sub3A_590 = arith.subf %sub3A_589, %mul3A_587 : vector<16xf32>
      %mul3A_591 = arith.mulf %mul3A_582, %sub3A_590 : vector<16xf32>
      %mul3A_592 = arith.constant 5.000000e-01 : f32
      %mul3A_593 = vector.broadcast %mul3A_592 : f32 to vector<16xf32>
      %mul3A_594 = arith.mulf %mul3A_593, %add3A_567 : vector<16xf32>
      %mul3A_595 = arith.mulf %mul3A_594, %mul3A_591 : vector<16xf32>
      %mul3A_596 = arith.mulf %mul3A_595, %mul3A_591 : vector<16xf32>
      %sub3A_597 = arith.constant 1.500000e+00 : f32
      %sub3A_598 = vector.broadcast %sub3A_597 : f32 to vector<16xf32>
      %sub3A_599 = arith.subf %sub3A_598, %mul3A_596 : vector<16xf32>
      %mul3A_600 = arith.mulf %mul3A_591, %sub3A_599 : vector<16xf32>
      %mul3A_601 = arith.mulf %add3A_567, %mul3A_600 : vector<16xf32>
      %mul3A_602 = arith.mulf %get3A_555, %get3A_555 : vector<16xf32>
      %mul3A_603 = arith.mulf %get3A_561, %get3A_561 : vector<16xf32>
      %add3A_604 = arith.addf %mul3A_602, %mul3A_603 : vector<16xf32>
      %add3A_605 = arith.constant 9.99999996E-13 : f32
      %add3A_606 = vector.broadcast %add3A_605 : f32 to vector<16xf32>
      %add3A_607 = arith.addf %add3A_604, %add3A_606 : vector<16xf32>
      %bitcast_convert_type3A_608 = tpu.bitcast %add3A_607 : vector<16xf32> -> vector<16xi32>
      %shift_right_logical3A_609 = arith.constant 1 : i32
      %shift_right_logical3A_610 = vector.broadcast %shift_right_logical3A_609 : i32 to vector<16xi32>
      %shift_right_logical3A_611 = arith.shrui %bitcast_convert_type3A_608, %shift_right_logical3A_610 : vector<16xi32>
      %sub3A_612 = arith.constant 1597463007 : i32
      %sub3A_613 = vector.broadcast %sub3A_612 : i32 to vector<16xi32>
      %sub3A_614 = arith.subi %sub3A_613, %shift_right_logical3A_611 : vector<16xi32>
      %bitcast_convert_type3A_615 = tpu.bitcast %sub3A_614 : vector<16xi32> -> vector<16xf32>
      %mul3A_616 = arith.constant 5.000000e-01 : f32
      %mul3A_617 = vector.broadcast %mul3A_616 : f32 to vector<16xf32>
      %mul3A_618 = arith.mulf %mul3A_617, %add3A_607 : vector<16xf32>
      %mul3A_619 = arith.mulf %mul3A_618, %bitcast_convert_type3A_615 : vector<16xf32>
      %mul3A_620 = arith.mulf %mul3A_619, %bitcast_convert_type3A_615 : vector<16xf32>
      %sub3A_621 = arith.constant 1.500000e+00 : f32
      %sub3A_622 = vector.broadcast %sub3A_621 : f32 to vector<16xf32>
      %sub3A_623 = arith.subf %sub3A_622, %mul3A_620 : vector<16xf32>
      %mul3A_624 = arith.mulf %bitcast_convert_type3A_615, %sub3A_623 : vector<16xf32>
      %mul3A_625 = arith.constant 5.000000e-01 : f32
      %mul3A_626 = vector.broadcast %mul3A_625 : f32 to vector<16xf32>
      %mul3A_627 = arith.mulf %mul3A_626, %add3A_607 : vector<16xf32>
      %mul3A_628 = arith.mulf %mul3A_627, %mul3A_624 : vector<16xf32>
      %mul3A_629 = arith.mulf %mul3A_628, %mul3A_624 : vector<16xf32>
      %sub3A_630 = arith.constant 1.500000e+00 : f32
      %sub3A_631 = vector.broadcast %sub3A_630 : f32 to vector<16xf32>
      %sub3A_632 = arith.subf %sub3A_631, %mul3A_629 : vector<16xf32>
      %mul3A_633 = arith.mulf %mul3A_624, %sub3A_632 : vector<16xf32>
      %mul3A_634 = arith.constant 5.000000e-01 : f32
      %mul3A_635 = vector.broadcast %mul3A_634 : f32 to vector<16xf32>
      %mul3A_636 = arith.mulf %mul3A_635, %add3A_607 : vector<16xf32>
      %mul3A_637 = arith.mulf %mul3A_636, %mul3A_633 : vector<16xf32>
      %mul3A_638 = arith.mulf %mul3A_637, %mul3A_633 : vector<16xf32>
      %sub3A_639 = arith.constant 1.500000e+00 : f32
      %sub3A_640 = vector.broadcast %sub3A_639 : f32 to vector<16xf32>
      %sub3A_641 = arith.subf %sub3A_640, %mul3A_638 : vector<16xf32>
      %mul3A_642 = arith.mulf %mul3A_633, %sub3A_641 : vector<16xf32>
      %mul3A_643 = arith.mulf %add3A_607, %mul3A_642 : vector<16xf32>
      %broadcast_in_dim3A = vector.broadcast %mul3A_480 : i32 to vector<16xi32>
      %broadcast_in_dim3A_644 = arith.constant 2113929216 : i32
      %broadcast_in_dim3A_645 = vector.broadcast %broadcast_in_dim3A_644 : i32 to vector<16xi32>
      %broadcast_in_dim3A_646 = arith.constant 0 : i32
      %broadcast_in_dim3A_647 = vector.broadcast %broadcast_in_dim3A_646 : i32 to vector<16xi32>
      %scan3A_648 = arith.constant 0 : i32
      %scan3A_649 = arith.constant 63 : i32
      %scan3A_650 = arith.addi %scan3A_648, %scan3A_649 : i32
      %scan3A_651 = arith.constant 3 : i32
      %scan3A_652:6 = scf.for %scan3A_998 = %scan3A_648 to %scan3A_650 step %scan3A_651 iter_args(%scan3A_999 = %broadcast_in_dim3A_645, %scan3A_1000 = %broadcast_in_dim3A_645, %scan3A_1001 = %broadcast_in_dim3A_645, %scan3A_1002 = %broadcast_in_dim3A_645, %scan3A_1003 = %broadcast_in_dim3A, %scan3A_1004 = %broadcast_in_dim3A_647) -> (vector<16xi32>, vector<16xi32>, vector<16xi32>, vector<16xi32>, vector<16xi32>, vector<16xi32>)  : i32 {
        %gather3A_1005 = tpu.vector_load_idx %arg13[%scan3A_1003] : memref<128xf32, #tpu.memory_space<vmem>>[vector<16xi32>], vector<16xf32>,
        %gather3A_1006 = tpu.vector_load_idx %arg14[%scan3A_1003] : memref<128xf32, #tpu.memory_space<vmem>>[vector<16xi32>], vector<16xf32>,
        %gather3A_1007 = tpu.vector_load_idx %arg15[%scan3A_1003] : memref<128xf32, #tpu.memory_space<vmem>>[vector<16xi32>], vector<16xf32>,
        %gather3A_1008 = tpu.vector_load_idx %arg16[%scan3A_1003] : memref<128xf32, #tpu.memory_space<vmem>>[vector<16xi32>], vector<16xf32>,
        %gather3A_1009 = tpu.vector_load_idx %arg17[%scan3A_1003] : memref<128xf32, #tpu.memory_space<vmem>>[vector<16xi32>], vector<16xf32>,
        %sub3A_1010 = arith.subf %get3A_491, %gather3A_1005 : vector<16xf32>
        %sub3A_1011 = arith.subf %get3A_497, %gather3A_1006 : vector<16xf32>
        %mul3A_1012 = arith.mulf %sub3A_1010, %gather3A_1007 : vector<16xf32>
        %mul3A_1013 = arith.mulf %sub3A_1011, %gather3A_1008 : vector<16xf32>
        %add3A_1014 = arith.addf %mul3A_1012, %mul3A_1013 : vector<16xf32>
        %mul3A_1015 = arith.mulf %add3A_1014, %gather3A_1009 : vector<16xf32>
        %jit3A_1016 = arith.constant 0.000000e+00 : f32
        %jit3A_1017 = arith.constant 1.000000e+00 : f32
        %max3A_1018 = vector.broadcast %jit3A_1016 : f32 to vector<16xf32>
        %max3A_1019 = arith.maximumf %max3A_1018, %mul3A_1015 : vector<16xf32>
        %min3A_1020 = vector.broadcast %jit3A_1017 : f32 to vector<16xf32>
        %min3A_1021 = arith.minimumf %min3A_1020, %max3A_1019 : vector<16xf32>
        %mul3A_1022 = arith.mulf %min3A_1021, %gather3A_1007 : vector<16xf32>
        %sub3A_1023 = arith.subf %sub3A_1010, %mul3A_1022 : vector<16xf32>
        %mul3A_1024 = arith.mulf %min3A_1021, %gather3A_1008 : vector<16xf32>
        %sub3A_1025 = arith.subf %sub3A_1011, %mul3A_1024 : vector<16xf32>
        %mul3A_1026 = arith.mulf %sub3A_1023, %sub3A_1023 : vector<16xf32>
        %mul3A_1027 = arith.mulf %sub3A_1025, %sub3A_1025 : vector<16xf32>
        %add3A_1028 = arith.addf %mul3A_1026, %mul3A_1027 : vector<16xf32>
        %bitcast_convert_type3A_1029 = tpu.bitcast %add3A_1028 : vector<16xf32> -> vector<16xi32>
        %and3A_1030 = arith.constant -64 : i32
        %and3A_1031 = vector.broadcast %and3A_1030 : i32 to vector<16xi32>
        %and3A_1032 = arith.andi %bitcast_convert_type3A_1029, %and3A_1031 : vector<16xi32>
        %or3A = arith.ori %and3A_1032, %scan3A_1004 : vector<16xi32>
        %min3A_1033 = arith.minsi %scan3A_999, %or3A : vector<16xi32>
        %sub3A_1034 = arith.subf %add3A_504, %gather3A_1005 : vector<16xf32>
        %sub3A_1035 = arith.subf %add3A_511, %gather3A_1006 : vector<16xf32>
        %mul3A_1036 = arith.mulf %sub3A_1034, %gather3A_1007 : vector<16xf32>
        %mul3A_1037 = arith.mulf %sub3A_1035, %gather3A_1008 : vector<16xf32>
        %add3A_1038 = arith.addf %mul3A_1036, %mul3A_1037 : vector<16xf32>
        %mul3A_1039 = arith.mulf %add3A_1038, %gather3A_1009 : vector<16xf32>
        %jit3A_1040 = arith.constant 0.000000e+00 : f32
        %jit3A_1041 = arith.constant 1.000000e+00 : f32
        %max3A_1042 = vector.broadcast %jit3A_1040 : f32 to vector<16xf32>
        %max3A_1043 = arith.maximumf %max3A_1042, %mul3A_1039 : vector<16xf32>
        %min3A_1044 = vector.broadcast %jit3A_1041 : f32 to vector<16xf32>
        %min3A_1045 = arith.minimumf %min3A_1044, %max3A_1043 : vector<16xf32>
        %mul3A_1046 = arith.mulf %min3A_1045, %gather3A_1007 : vector<16xf32>
        %sub3A_1047 = arith.subf %sub3A_1034, %mul3A_1046 : vector<16xf32>
        %mul3A_1048 = arith.mulf %min3A_1045, %gather3A_1008 : vector<16xf32>
        %sub3A_1049 = arith.subf %sub3A_1035, %mul3A_1048 : vector<16xf32>
        %mul3A_1050 = arith.mulf %sub3A_1047, %sub3A_1047 : vector<16xf32>
        %mul3A_1051 = arith.mulf %sub3A_1049, %sub3A_1049 : vector<16xf32>
        %add3A_1052 = arith.addf %mul3A_1050, %mul3A_1051 : vector<16xf32>
        %bitcast_convert_type3A_1053 = tpu.bitcast %add3A_1052 : vector<16xf32> -> vector<16xi32>
        %and3A_1054 = arith.constant -64 : i32
        %and3A_1055 = vector.broadcast %and3A_1054 : i32 to vector<16xi32>
        %and3A_1056 = arith.andi %bitcast_convert_type3A_1053, %and3A_1055 : vector<16xi32>
        %or3A_1057 = arith.ori %and3A_1056, %scan3A_1004 : vector<16xi32>
        %min3A_1058 = arith.minsi %scan3A_1000, %or3A_1057 : vector<16xi32>
        %sub3A_1059 = arith.subf %get3A_529, %gather3A_1005 : vector<16xf32>
        %sub3A_1060 = arith.subf %get3A_535, %gather3A_1006 : vector<16xf32>
        %mul3A_1061 = arith.mulf %sub3A_1059, %gather3A_1007 : vector<16xf32>
        %mul3A_1062 = arith.mulf %sub3A_1060, %gather3A_1008 : vector<16xf32>
        %add3A_1063 = arith.addf %mul3A_1061, %mul3A_1062 : vector<16xf32>
        %mul3A_1064 = arith.mulf %add3A_1063, %gather3A_1009 : vector<16xf32>
        %jit3A_1065 = arith.constant 0.000000e+00 : f32
        %jit3A_1066 = arith.constant 1.000000e+00 : f32
        %max3A_1067 = vector.broadcast %jit3A_1065 : f32 to vector<16xf32>
        %max3A_1068 = arith.maximumf %max3A_1067, %mul3A_1064 : vector<16xf32>
        %min3A_1069 = vector.broadcast %jit3A_1066 : f32 to vector<16xf32>
        %min3A_1070 = arith.minimumf %min3A_1069, %max3A_1068 : vector<16xf32>
        %mul3A_1071 = arith.mulf %min3A_1070, %gather3A_1007 : vector<16xf32>
        %sub3A_1072 = arith.subf %sub3A_1059, %mul3A_1071 : vector<16xf32>
        %mul3A_1073 = arith.mulf %min3A_1070, %gather3A_1008 : vector<16xf32>
        %sub3A_1074 = arith.subf %sub3A_1060, %mul3A_1073 : vector<16xf32>
        %mul3A_1075 = arith.mulf %sub3A_1072, %sub3A_1072 : vector<16xf32>
        %mul3A_1076 = arith.mulf %sub3A_1074, %sub3A_1074 : vector<16xf32>
        %add3A_1077 = arith.addf %mul3A_1075, %mul3A_1076 : vector<16xf32>
        %bitcast_convert_type3A_1078 = tpu.bitcast %add3A_1077 : vector<16xf32> -> vector<16xi32>
        %and3A_1079 = arith.constant -64 : i32
        %and3A_1080 = vector.broadcast %and3A_1079 : i32 to vector<16xi32>
        %and3A_1081 = arith.andi %bitcast_convert_type3A_1078, %and3A_1080 : vector<16xi32>
        %or3A_1082 = arith.ori %and3A_1081, %scan3A_1004 : vector<16xi32>
        %min3A_1083 = arith.minsi %scan3A_1001, %or3A_1082 : vector<16xi32>
        %sub3A_1084 = arith.subf %add3A_542, %gather3A_1005 : vector<16xf32>
        %sub3A_1085 = arith.subf %add3A_549, %gather3A_1006 : vector<16xf32>
        %mul3A_1086 = arith.mulf %sub3A_1084, %gather3A_1007 : vector<16xf32>
        %mul3A_1087 = arith.mulf %sub3A_1085, %gather3A_1008 : vector<16xf32>
        %add3A_1088 = arith.addf %mul3A_1086, %mul3A_1087 : vector<16xf32>
        %mul3A_1089 = arith.mulf %add3A_1088, %gather3A_1009 : vector<16xf32>
        %jit3A_1090 = arith.constant 0.000000e+00 : f32
        %jit3A_1091 = arith.constant 1.000000e+00 : f32
        %max3A_1092 = vector.broadcast %jit3A_1090 : f32 to vector<16xf32>
        %max3A_1093 = arith.maximumf %max3A_1092, %mul3A_1089 : vector<16xf32>
        %min3A_1094 = vector.broadcast %jit3A_1091 : f32 to vector<16xf32>
        %min3A_1095 = arith.minimumf %min3A_1094, %max3A_1093 : vector<16xf32>
        %mul3A_1096 = arith.mulf %min3A_1095, %gather3A_1007 : vector<16xf32>
        %sub3A_1097 = arith.subf %sub3A_1084, %mul3A_1096 : vector<16xf32>
        %mul3A_1098 = arith.mulf %min3A_1095, %gather3A_1008 : vector<16xf32>
        %sub3A_1099 = arith.subf %sub3A_1085, %mul3A_1098 : vector<16xf32>
        %mul3A_1100 = arith.mulf %sub3A_1097, %sub3A_1097 : vector<16xf32>
        %mul3A_1101 = arith.mulf %sub3A_1099, %sub3A_1099 : vector<16xf32>
        %add3A_1102 = arith.addf %mul3A_1100, %mul3A_1101 : vector<16xf32>
        %bitcast_convert_type3A_1103 = tpu.bitcast %add3A_1102 : vector<16xf32> -> vector<16xi32>
        %and3A_1104 = arith.constant -64 : i32
        %and3A_1105 = vector.broadcast %and3A_1104 : i32 to vector<16xi32>
        %and3A_1106 = arith.andi %bitcast_convert_type3A_1103, %and3A_1105 : vector<16xi32>
        %or3A_1107 = arith.ori %and3A_1106, %scan3A_1004 : vector<16xi32>
        %min3A_1108 = arith.minsi %scan3A_1002, %or3A_1107 : vector<16xi32>
        %add3A_1109 = arith.constant 1 : i32
        %add3A_1110 = vector.broadcast %add3A_1109 : i32 to vector<16xi32>
        %add3A_1111 = arith.addi %scan3A_1003, %add3A_1110 : vector<16xi32>
        %add3A_1112 = arith.constant 1 : i32
        %add3A_1113 = vector.broadcast %add3A_1112 : i32 to vector<16xi32>
        %add3A_1114 = arith.addi %scan3A_1004, %add3A_1113 : vector<16xi32>
        %scan3A_1115 = arith.constant 1 : i32
        %scan3A_1116 = arith.addi %scan3A_998, %scan3A_1115 : i32
        %gather3A_1117 = tpu.vector_load_idx %arg13[%add3A_1111] : memref<128xf32, #tpu.memory_space<vmem>>[vector<16xi32>], vector<16xf32>,
        %gather3A_1118 = tpu.vector_load_idx %arg14[%add3A_1111] : memref<128xf32, #tpu.memory_space<vmem>>[vector<16xi32>], vector<16xf32>,
        %gather3A_1119 = tpu.vector_load_idx %arg15[%add3A_1111] : memref<128xf32, #tpu.memory_space<vmem>>[vector<16xi32>], vector<16xf32>,
        %gather3A_1120 = tpu.vector_load_idx %arg16[%add3A_1111] : memref<128xf32, #tpu.memory_space<vmem>>[vector<16xi32>], vector<16xf32>,
        %gather3A_1121 = tpu.vector_load_idx %arg17[%add3A_1111] : memref<128xf32, #tpu.memory_space<vmem>>[vector<16xi32>], vector<16xf32>,
        %sub3A_1122 = arith.subf %get3A_491, %gather3A_1117 : vector<16xf32>
        %sub3A_1123 = arith.subf %get3A_497, %gather3A_1118 : vector<16xf32>
        %mul3A_1124 = arith.mulf %sub3A_1122, %gather3A_1119 : vector<16xf32>
        %mul3A_1125 = arith.mulf %sub3A_1123, %gather3A_1120 : vector<16xf32>
        %add3A_1126 = arith.addf %mul3A_1124, %mul3A_1125 : vector<16xf32>
        %mul3A_1127 = arith.mulf %add3A_1126, %gather3A_1121 : vector<16xf32>
        %jit3A_1128 = arith.constant 0.000000e+00 : f32
        %jit3A_1129 = arith.constant 1.000000e+00 : f32
        %max3A_1130 = vector.broadcast %jit3A_1128 : f32 to vector<16xf32>
        %max3A_1131 = arith.maximumf %max3A_1130, %mul3A_1127 : vector<16xf32>
        %min3A_1132 = vector.broadcast %jit3A_1129 : f32 to vector<16xf32>
        %min3A_1133 = arith.minimumf %min3A_1132, %max3A_1131 : vector<16xf32>
        %mul3A_1134 = arith.mulf %min3A_1133, %gather3A_1119 : vector<16xf32>
        %sub3A_1135 = arith.subf %sub3A_1122, %mul3A_1134 : vector<16xf32>
        %mul3A_1136 = arith.mulf %min3A_1133, %gather3A_1120 : vector<16xf32>
        %sub3A_1137 = arith.subf %sub3A_1123, %mul3A_1136 : vector<16xf32>
        %mul3A_1138 = arith.mulf %sub3A_1135, %sub3A_1135 : vector<16xf32>
        %mul3A_1139 = arith.mulf %sub3A_1137, %sub3A_1137 : vector<16xf32>
        %add3A_1140 = arith.addf %mul3A_1138, %mul3A_1139 : vector<16xf32>
        %bitcast_convert_type3A_1141 = tpu.bitcast %add3A_1140 : vector<16xf32> -> vector<16xi32>
        %and3A_1142 = arith.constant -64 : i32
        %and3A_1143 = vector.broadcast %and3A_1142 : i32 to vector<16xi32>
        %and3A_1144 = arith.andi %bitcast_convert_type3A_1141, %and3A_1143 : vector<16xi32>
        %or3A_1145 = arith.ori %and3A_1144, %add3A_1114 : vector<16xi32>
        %min3A_1146 = arith.minsi %min3A_1033, %or3A_1145 : vector<16xi32>
        %sub3A_1147 = arith.subf %add3A_504, %gather3A_1117 : vector<16xf32>
        %sub3A_1148 = arith.subf %add3A_511, %gather3A_1118 : vector<16xf32>
        %mul3A_1149 = arith.mulf %sub3A_1147, %gather3A_1119 : vector<16xf32>
        %mul3A_1150 = arith.mulf %sub3A_1148, %gather3A_1120 : vector<16xf32>
        %add3A_1151 = arith.addf %mul3A_1149, %mul3A_1150 : vector<16xf32>
        %mul3A_1152 = arith.mulf %add3A_1151, %gather3A_1121 : vector<16xf32>
        %jit3A_1153 = arith.constant 0.000000e+00 : f32
        %jit3A_1154 = arith.constant 1.000000e+00 : f32
        %max3A_1155 = vector.broadcast %jit3A_1153 : f32 to vector<16xf32>
        %max3A_1156 = arith.maximumf %max3A_1155, %mul3A_1152 : vector<16xf32>
        %min3A_1157 = vector.broadcast %jit3A_1154 : f32 to vector<16xf32>
        %min3A_1158 = arith.minimumf %min3A_1157, %max3A_1156 : vector<16xf32>
        %mul3A_1159 = arith.mulf %min3A_1158, %gather3A_1119 : vector<16xf32>
        %sub3A_1160 = arith.subf %sub3A_1147, %mul3A_1159 : vector<16xf32>
        %mul3A_1161 = arith.mulf %min3A_1158, %gather3A_1120 : vector<16xf32>
        %sub3A_1162 = arith.subf %sub3A_1148, %mul3A_1161 : vector<16xf32>
        %mul3A_1163 = arith.mulf %sub3A_1160, %sub3A_1160 : vector<16xf32>
        %mul3A_1164 = arith.mulf %sub3A_1162, %sub3A_1162 : vector<16xf32>
        %add3A_1165 = arith.addf %mul3A_1163, %mul3A_1164 : vector<16xf32>
        %bitcast_convert_type3A_1166 = tpu.bitcast %add3A_1165 : vector<16xf32> -> vector<16xi32>
        %and3A_1167 = arith.constant -64 : i32
        %and3A_1168 = vector.broadcast %and3A_1167 : i32 to vector<16xi32>
        %and3A_1169 = arith.andi %bitcast_convert_type3A_1166, %and3A_1168 : vector<16xi32>
        %or3A_1170 = arith.ori %and3A_1169, %add3A_1114 : vector<16xi32>
        %min3A_1171 = arith.minsi %min3A_1058, %or3A_1170 : vector<16xi32>
        %sub3A_1172 = arith.subf %get3A_529, %gather3A_1117 : vector<16xf32>
        %sub3A_1173 = arith.subf %get3A_535, %gather3A_1118 : vector<16xf32>
        %mul3A_1174 = arith.mulf %sub3A_1172, %gather3A_1119 : vector<16xf32>
        %mul3A_1175 = arith.mulf %sub3A_1173, %gather3A_1120 : vector<16xf32>
        %add3A_1176 = arith.addf %mul3A_1174, %mul3A_1175 : vector<16xf32>
        %mul3A_1177 = arith.mulf %add3A_1176, %gather3A_1121 : vector<16xf32>
        %jit3A_1178 = arith.constant 0.000000e+00 : f32
        %jit3A_1179 = arith.constant 1.000000e+00 : f32
        %max3A_1180 = vector.broadcast %jit3A_1178 : f32 to vector<16xf32>
        %max3A_1181 = arith.maximumf %max3A_1180, %mul3A_1177 : vector<16xf32>
        %min3A_1182 = vector.broadcast %jit3A_1179 : f32 to vector<16xf32>
        %min3A_1183 = arith.minimumf %min3A_1182, %max3A_1181 : vector<16xf32>
        %mul3A_1184 = arith.mulf %min3A_1183, %gather3A_1119 : vector<16xf32>
        %sub3A_1185 = arith.subf %sub3A_1172, %mul3A_1184 : vector<16xf32>
        %mul3A_1186 = arith.mulf %min3A_1183, %gather3A_1120 : vector<16xf32>
        %sub3A_1187 = arith.subf %sub3A_1173, %mul3A_1186 : vector<16xf32>
        %mul3A_1188 = arith.mulf %sub3A_1185, %sub3A_1185 : vector<16xf32>
        %mul3A_1189 = arith.mulf %sub3A_1187, %sub3A_1187 : vector<16xf32>
        %add3A_1190 = arith.addf %mul3A_1188, %mul3A_1189 : vector<16xf32>
        %bitcast_convert_type3A_1191 = tpu.bitcast %add3A_1190 : vector<16xf32> -> vector<16xi32>
        %and3A_1192 = arith.constant -64 : i32
        %and3A_1193 = vector.broadcast %and3A_1192 : i32 to vector<16xi32>
        %and3A_1194 = arith.andi %bitcast_convert_type3A_1191, %and3A_1193 : vector<16xi32>
        %or3A_1195 = arith.ori %and3A_1194, %add3A_1114 : vector<16xi32>
        %min3A_1196 = arith.minsi %min3A_1083, %or3A_1195 : vector<16xi32>
        %sub3A_1197 = arith.subf %add3A_542, %gather3A_1117 : vector<16xf32>
        %sub3A_1198 = arith.subf %add3A_549, %gather3A_1118 : vector<16xf32>
        %mul3A_1199 = arith.mulf %sub3A_1197, %gather3A_1119 : vector<16xf32>
        %mul3A_1200 = arith.mulf %sub3A_1198, %gather3A_1120 : vector<16xf32>
        %add3A_1201 = arith.addf %mul3A_1199, %mul3A_1200 : vector<16xf32>
        %mul3A_1202 = arith.mulf %add3A_1201, %gather3A_1121 : vector<16xf32>
        %jit3A_1203 = arith.constant 0.000000e+00 : f32
        %jit3A_1204 = arith.constant 1.000000e+00 : f32
        %max3A_1205 = vector.broadcast %jit3A_1203 : f32 to vector<16xf32>
        %max3A_1206 = arith.maximumf %max3A_1205, %mul3A_1202 : vector<16xf32>
        %min3A_1207 = vector.broadcast %jit3A_1204 : f32 to vector<16xf32>
        %min3A_1208 = arith.minimumf %min3A_1207, %max3A_1206 : vector<16xf32>
        %mul3A_1209 = arith.mulf %min3A_1208, %gather3A_1119 : vector<16xf32>
        %sub3A_1210 = arith.subf %sub3A_1197, %mul3A_1209 : vector<16xf32>
        %mul3A_1211 = arith.mulf %min3A_1208, %gather3A_1120 : vector<16xf32>
        %sub3A_1212 = arith.subf %sub3A_1198, %mul3A_1211 : vector<16xf32>
        %mul3A_1213 = arith.mulf %sub3A_1210, %sub3A_1210 : vector<16xf32>
        %mul3A_1214 = arith.mulf %sub3A_1212, %sub3A_1212 : vector<16xf32>
        %add3A_1215 = arith.addf %mul3A_1213, %mul3A_1214 : vector<16xf32>
        %bitcast_convert_type3A_1216 = tpu.bitcast %add3A_1215 : vector<16xf32> -> vector<16xi32>
        %and3A_1217 = arith.constant -64 : i32
        %and3A_1218 = vector.broadcast %and3A_1217 : i32 to vector<16xi32>
        %and3A_1219 = arith.andi %bitcast_convert_type3A_1216, %and3A_1218 : vector<16xi32>
        %or3A_1220 = arith.ori %and3A_1219, %add3A_1114 : vector<16xi32>
        %min3A_1221 = arith.minsi %min3A_1108, %or3A_1220 : vector<16xi32>
        %add3A_1222 = arith.constant 1 : i32
        %add3A_1223 = vector.broadcast %add3A_1222 : i32 to vector<16xi32>
        %add3A_1224 = arith.addi %add3A_1111, %add3A_1223 : vector<16xi32>
        %add3A_1225 = arith.constant 1 : i32
        %add3A_1226 = vector.broadcast %add3A_1225 : i32 to vector<16xi32>
        %add3A_1227 = arith.addi %add3A_1114, %add3A_1226 : vector<16xi32>
        %scan3A_1228 = arith.constant 2 : i32
        %scan3A_1229 = arith.addi %scan3A_998, %scan3A_1228 : i32
        %gather3A_1230 = tpu.vector_load_idx %arg13[%add3A_1224] : memref<128xf32, #tpu.memory_space<vmem>>[vector<16xi32>], vector<16xf32>,
        %gather3A_1231 = tpu.vector_load_idx %arg14[%add3A_1224] : memref<128xf32, #tpu.memory_space<vmem>>[vector<16xi32>], vector<16xf32>,
        %gather3A_1232 = tpu.vector_load_idx %arg15[%add3A_1224] : memref<128xf32, #tpu.memory_space<vmem>>[vector<16xi32>], vector<16xf32>,
        %gather3A_1233 = tpu.vector_load_idx %arg16[%add3A_1224] : memref<128xf32, #tpu.memory_space<vmem>>[vector<16xi32>], vector<16xf32>,
        %gather3A_1234 = tpu.vector_load_idx %arg17[%add3A_1224] : memref<128xf32, #tpu.memory_space<vmem>>[vector<16xi32>], vector<16xf32>,
        %sub3A_1235 = arith.subf %get3A_491, %gather3A_1230 : vector<16xf32>
        %sub3A_1236 = arith.subf %get3A_497, %gather3A_1231 : vector<16xf32>
        %mul3A_1237 = arith.mulf %sub3A_1235, %gather3A_1232 : vector<16xf32>
        %mul3A_1238 = arith.mulf %sub3A_1236, %gather3A_1233 : vector<16xf32>
        %add3A_1239 = arith.addf %mul3A_1237, %mul3A_1238 : vector<16xf32>
        %mul3A_1240 = arith.mulf %add3A_1239, %gather3A_1234 : vector<16xf32>
        %jit3A_1241 = arith.constant 0.000000e+00 : f32
        %jit3A_1242 = arith.constant 1.000000e+00 : f32
        %max3A_1243 = vector.broadcast %jit3A_1241 : f32 to vector<16xf32>
        %max3A_1244 = arith.maximumf %max3A_1243, %mul3A_1240 : vector<16xf32>
        %min3A_1245 = vector.broadcast %jit3A_1242 : f32 to vector<16xf32>
        %min3A_1246 = arith.minimumf %min3A_1245, %max3A_1244 : vector<16xf32>
        %mul3A_1247 = arith.mulf %min3A_1246, %gather3A_1232 : vector<16xf32>
        %sub3A_1248 = arith.subf %sub3A_1235, %mul3A_1247 : vector<16xf32>
        %mul3A_1249 = arith.mulf %min3A_1246, %gather3A_1233 : vector<16xf32>
        %sub3A_1250 = arith.subf %sub3A_1236, %mul3A_1249 : vector<16xf32>
        %mul3A_1251 = arith.mulf %sub3A_1248, %sub3A_1248 : vector<16xf32>
        %mul3A_1252 = arith.mulf %sub3A_1250, %sub3A_1250 : vector<16xf32>
        %add3A_1253 = arith.addf %mul3A_1251, %mul3A_1252 : vector<16xf32>
        %bitcast_convert_type3A_1254 = tpu.bitcast %add3A_1253 : vector<16xf32> -> vector<16xi32>
        %and3A_1255 = arith.constant -64 : i32
        %and3A_1256 = vector.broadcast %and3A_1255 : i32 to vector<16xi32>
        %and3A_1257 = arith.andi %bitcast_convert_type3A_1254, %and3A_1256 : vector<16xi32>
        %or3A_1258 = arith.ori %and3A_1257, %add3A_1227 : vector<16xi32>
        %min3A_1259 = arith.minsi %min3A_1146, %or3A_1258 : vector<16xi32>
        %sub3A_1260 = arith.subf %add3A_504, %gather3A_1230 : vector<16xf32>
        %sub3A_1261 = arith.subf %add3A_511, %gather3A_1231 : vector<16xf32>
        %mul3A_1262 = arith.mulf %sub3A_1260, %gather3A_1232 : vector<16xf32>
        %mul3A_1263 = arith.mulf %sub3A_1261, %gather3A_1233 : vector<16xf32>
        %add3A_1264 = arith.addf %mul3A_1262, %mul3A_1263 : vector<16xf32>
        %mul3A_1265 = arith.mulf %add3A_1264, %gather3A_1234 : vector<16xf32>
        %jit3A_1266 = arith.constant 0.000000e+00 : f32
        %jit3A_1267 = arith.constant 1.000000e+00 : f32
        %max3A_1268 = vector.broadcast %jit3A_1266 : f32 to vector<16xf32>
        %max3A_1269 = arith.maximumf %max3A_1268, %mul3A_1265 : vector<16xf32>
        %min3A_1270 = vector.broadcast %jit3A_1267 : f32 to vector<16xf32>
        %min3A_1271 = arith.minimumf %min3A_1270, %max3A_1269 : vector<16xf32>
        %mul3A_1272 = arith.mulf %min3A_1271, %gather3A_1232 : vector<16xf32>
        %sub3A_1273 = arith.subf %sub3A_1260, %mul3A_1272 : vector<16xf32>
        %mul3A_1274 = arith.mulf %min3A_1271, %gather3A_1233 : vector<16xf32>
        %sub3A_1275 = arith.subf %sub3A_1261, %mul3A_1274 : vector<16xf32>
        %mul3A_1276 = arith.mulf %sub3A_1273, %sub3A_1273 : vector<16xf32>
        %mul3A_1277 = arith.mulf %sub3A_1275, %sub3A_1275 : vector<16xf32>
        %add3A_1278 = arith.addf %mul3A_1276, %mul3A_1277 : vector<16xf32>
        %bitcast_convert_type3A_1279 = tpu.bitcast %add3A_1278 : vector<16xf32> -> vector<16xi32>
        %and3A_1280 = arith.constant -64 : i32
        %and3A_1281 = vector.broadcast %and3A_1280 : i32 to vector<16xi32>
        %and3A_1282 = arith.andi %bitcast_convert_type3A_1279, %and3A_1281 : vector<16xi32>
        %or3A_1283 = arith.ori %and3A_1282, %add3A_1227 : vector<16xi32>
        %min3A_1284 = arith.minsi %min3A_1171, %or3A_1283 : vector<16xi32>
        %sub3A_1285 = arith.subf %get3A_529, %gather3A_1230 : vector<16xf32>
        %sub3A_1286 = arith.subf %get3A_535, %gather3A_1231 : vector<16xf32>
        %mul3A_1287 = arith.mulf %sub3A_1285, %gather3A_1232 : vector<16xf32>
        %mul3A_1288 = arith.mulf %sub3A_1286, %gather3A_1233 : vector<16xf32>
        %add3A_1289 = arith.addf %mul3A_1287, %mul3A_1288 : vector<16xf32>
        %mul3A_1290 = arith.mulf %add3A_1289, %gather3A_1234 : vector<16xf32>
        %jit3A_1291 = arith.constant 0.000000e+00 : f32
        %jit3A_1292 = arith.constant 1.000000e+00 : f32
        %max3A_1293 = vector.broadcast %jit3A_1291 : f32 to vector<16xf32>
        %max3A_1294 = arith.maximumf %max3A_1293, %mul3A_1290 : vector<16xf32>
        %min3A_1295 = vector.broadcast %jit3A_1292 : f32 to vector<16xf32>
        %min3A_1296 = arith.minimumf %min3A_1295, %max3A_1294 : vector<16xf32>
        %mul3A_1297 = arith.mulf %min3A_1296, %gather3A_1232 : vector<16xf32>
        %sub3A_1298 = arith.subf %sub3A_1285, %mul3A_1297 : vector<16xf32>
        %mul3A_1299 = arith.mulf %min3A_1296, %gather3A_1233 : vector<16xf32>
        %sub3A_1300 = arith.subf %sub3A_1286, %mul3A_1299 : vector<16xf32>
        %mul3A_1301 = arith.mulf %sub3A_1298, %sub3A_1298 : vector<16xf32>
        %mul3A_1302 = arith.mulf %sub3A_1300, %sub3A_1300 : vector<16xf32>
        %add3A_1303 = arith.addf %mul3A_1301, %mul3A_1302 : vector<16xf32>
        %bitcast_convert_type3A_1304 = tpu.bitcast %add3A_1303 : vector<16xf32> -> vector<16xi32>
        %and3A_1305 = arith.constant -64 : i32
        %and3A_1306 = vector.broadcast %and3A_1305 : i32 to vector<16xi32>
        %and3A_1307 = arith.andi %bitcast_convert_type3A_1304, %and3A_1306 : vector<16xi32>
        %or3A_1308 = arith.ori %and3A_1307, %add3A_1227 : vector<16xi32>
        %min3A_1309 = arith.minsi %min3A_1196, %or3A_1308 : vector<16xi32>
        %sub3A_1310 = arith.subf %add3A_542, %gather3A_1230 : vector<16xf32>
        %sub3A_1311 = arith.subf %add3A_549, %gather3A_1231 : vector<16xf32>
        %mul3A_1312 = arith.mulf %sub3A_1310, %gather3A_1232 : vector<16xf32>
        %mul3A_1313 = arith.mulf %sub3A_1311, %gather3A_1233 : vector<16xf32>
        %add3A_1314 = arith.addf %mul3A_1312, %mul3A_1313 : vector<16xf32>
        %mul3A_1315 = arith.mulf %add3A_1314, %gather3A_1234 : vector<16xf32>
        %jit3A_1316 = arith.constant 0.000000e+00 : f32
        %jit3A_1317 = arith.constant 1.000000e+00 : f32
        %max3A_1318 = vector.broadcast %jit3A_1316 : f32 to vector<16xf32>
        %max3A_1319 = arith.maximumf %max3A_1318, %mul3A_1315 : vector<16xf32>
        %min3A_1320 = vector.broadcast %jit3A_1317 : f32 to vector<16xf32>
        %min3A_1321 = arith.minimumf %min3A_1320, %max3A_1319 : vector<16xf32>
        %mul3A_1322 = arith.mulf %min3A_1321, %gather3A_1232 : vector<16xf32>
        %sub3A_1323 = arith.subf %sub3A_1310, %mul3A_1322 : vector<16xf32>
        %mul3A_1324 = arith.mulf %min3A_1321, %gather3A_1233 : vector<16xf32>
        %sub3A_1325 = arith.subf %sub3A_1311, %mul3A_1324 : vector<16xf32>
        %mul3A_1326 = arith.mulf %sub3A_1323, %sub3A_1323 : vector<16xf32>
        %mul3A_1327 = arith.mulf %sub3A_1325, %sub3A_1325 : vector<16xf32>
        %add3A_1328 = arith.addf %mul3A_1326, %mul3A_1327 : vector<16xf32>
        %bitcast_convert_type3A_1329 = tpu.bitcast %add3A_1328 : vector<16xf32> -> vector<16xi32>
        %and3A_1330 = arith.constant -64 : i32
        %and3A_1331 = vector.broadcast %and3A_1330 : i32 to vector<16xi32>
        %and3A_1332 = arith.andi %bitcast_convert_type3A_1329, %and3A_1331 : vector<16xi32>
        %or3A_1333 = arith.ori %and3A_1332, %add3A_1227 : vector<16xi32>
        %min3A_1334 = arith.minsi %min3A_1221, %or3A_1333 : vector<16xi32>
        %add3A_1335 = arith.constant 1 : i32
        %add3A_1336 = vector.broadcast %add3A_1335 : i32 to vector<16xi32>
        %add3A_1337 = arith.addi %add3A_1224, %add3A_1336 : vector<16xi32>
        %add3A_1338 = arith.constant 1 : i32
        %add3A_1339 = vector.broadcast %add3A_1338 : i32 to vector<16xi32>
        %add3A_1340 = arith.addi %add3A_1227, %add3A_1339 : vector<16xi32>
        scf.yield %min3A_1259, %min3A_1284, %min3A_1309, %min3A_1334, %add3A_1337, %add3A_1340 : vector<16xi32>, vector<16xi32>, vector<16xi32>, vector<16xi32>, vector<16xi32>, vector<16xi32>
      }
      %scan3A_653 = arith.constant 63 : i32
      %and3A_654 = arith.constant 63 : i32
      %and3A_655 = vector.broadcast %and3A_654 : i32 to vector<16xi32>
      %and3A_656 = arith.andi %scan3A_652#0, %and3A_655 : vector<16xi32>
      %and3A_657 = arith.constant 63 : i32
      %and3A_658 = vector.broadcast %and3A_657 : i32 to vector<16xi32>
      %and3A_659 = arith.andi %scan3A_652#1, %and3A_658 : vector<16xi32>
      %and3A_660 = arith.constant 63 : i32
      %and3A_661 = vector.broadcast %and3A_660 : i32 to vector<16xi32>
      %and3A_662 = arith.andi %scan3A_652#2, %and3A_661 : vector<16xi32>
      %and3A_663 = arith.constant 63 : i32
      %and3A_664 = vector.broadcast %and3A_663 : i32 to vector<16xi32>
      %and3A_665 = arith.andi %scan3A_652#3, %and3A_664 : vector<16xi32>
      %broadcast_in_dim3A_666 = vector.broadcast %sub3A_477 : i32 to vector<16xi32>
      %add3A_667 = arith.constant 40 : i32
      %add3A_668 = vector.broadcast %add3A_667 : i32 to vector<16xi32>
      %add3A_669 = arith.addi %broadcast_in_dim3A_666, %add3A_668 : vector<16xi32>
      %gather3A = tpu.vector_load_idx %arg25[%add3A_669] : memref<64xf32, #tpu.memory_space<vmem>>[vector<16xi32>], vector<16xf32>,
      %mul3A_670 = arith.constant 4 : i32
      %mul3A_671 = vector.broadcast %mul3A_670 : i32 to vector<16xi32>
      %mul3A_672 = arith.muli %broadcast_in_dim3A_666, %mul3A_671 : vector<16xi32>
      %gather3A_673 = tpu.vector_load_idx %arg25[%mul3A_672] : memref<64xf32, #tpu.memory_space<vmem>>[vector<16xi32>], vector<16xf32>,
      %add3A_674 = arith.constant 1 : i32
      %add3A_675 = vector.broadcast %add3A_674 : i32 to vector<16xi32>
      %add3A_676 = arith.addi %mul3A_672, %add3A_675 : vector<16xi32>
      %gather3A_677 = tpu.vector_load_idx %arg25[%add3A_676] : memref<64xf32, #tpu.memory_space<vmem>>[vector<16xi32>], vector<16xf32>,
      %add3A_678 = arith.constant 2 : i32
      %add3A_679 = vector.broadcast %add3A_678 : i32 to vector<16xi32>
      %add3A_680 = arith.addi %mul3A_672, %add3A_679 : vector<16xi32>
      %gather3A_681 = tpu.vector_load_idx %arg25[%add3A_680] : memref<64xf32, #tpu.memory_space<vmem>>[vector<16xi32>], vector<16xf32>,
      %add3A_682 = arith.constant 3 : i32
      %add3A_683 = vector.broadcast %add3A_682 : i32 to vector<16xi32>
      %add3A_684 = arith.addi %mul3A_672, %add3A_683 : vector<16xi32>
      %gather3A_685 = tpu.vector_load_idx %arg25[%add3A_684] : memref<64xf32, #tpu.memory_space<vmem>>[vector<16xi32>], vector<16xf32>,
      %add3A_686 = arith.constant 32 : i32
      %add3A_687 = vector.broadcast %add3A_686 : i32 to vector<16xi32>
      %add3A_688 = arith.addi %broadcast_in_dim3A_666, %add3A_687 : vector<16xi32>
      %gather3A_689 = tpu.vector_load_idx %arg25[%add3A_688] : memref<64xf32, #tpu.memory_space<vmem>>[vector<16xi32>], vector<16xf32>,
      %broadcast_in_dim3A_690 = arith.constant 0.000000e+00 : f32
      %broadcast_in_dim3A_691 = vector.broadcast %broadcast_in_dim3A_690 : f32 to vector<16xf32>
      %broadcast_in_dim3A_692 = arith.constant -1.500000e+00 : f32
      %broadcast_in_dim3A_693 = vector.broadcast %broadcast_in_dim3A_692 : f32 to vector<16xf32>
      %add3A_694 = arith.addi %broadcast_in_dim3A, %and3A_656 : vector<16xi32>
      %gather3A_695 = tpu.vector_load_idx %arg13[%add3A_694] : memref<128xf32, #tpu.memory_space<vmem>>[vector<16xi32>], vector<16xf32>,
      %gather3A_696 = tpu.vector_load_idx %arg14[%add3A_694] : memref<128xf32, #tpu.memory_space<vmem>>[vector<16xi32>], vector<16xf32>,
      %gather3A_697 = tpu.vector_load_idx %arg15[%add3A_694] : memref<128xf32, #tpu.memory_space<vmem>>[vector<16xi32>], vector<16xf32>,
      %gather3A_698 = tpu.vector_load_idx %arg16[%add3A_694] : memref<128xf32, #tpu.memory_space<vmem>>[vector<16xi32>], vector<16xf32>,
      %gather3A_699 = tpu.vector_load_idx %arg17[%add3A_694] : memref<128xf32, #tpu.memory_space<vmem>>[vector<16xi32>], vector<16xf32>,
      %gather3A_700 = tpu.vector_load_idx %arg18[%add3A_694] : memref<128xf32, #tpu.memory_space<vmem>>[vector<16xi32>], vector<16xf32>,
      %gather3A_701 = tpu.vector_load_idx %arg19[%add3A_694] : memref<128xf32, #tpu.memory_space<vmem>>[vector<16xi32>], vector<16xf32>,
      %sub3A_702 = arith.subf %get3A_491, %gather3A_695 : vector<16xf32>
      %mul3A_703 = arith.mulf %sub3A_702, %gather3A_697 : vector<16xf32>
      %sub3A_704 = arith.subf %get3A_497, %gather3A_696 : vector<16xf32>
      %mul3A_705 = arith.mulf %sub3A_704, %gather3A_698 : vector<16xf32>
      %add3A_706 = arith.addf %mul3A_703, %mul3A_705 : vector<16xf32>
      %mul3A_707 = arith.mulf %add3A_706, %gather3A_699 : vector<16xf32>
      %jit3A_708 = arith.constant 0.000000e+00 : f32
      %jit3A_709 = arith.constant 1.000000e+00 : f32
      %max3A = vector.broadcast %jit3A_708 : f32 to vector<16xf32>
      %max3A_710 = arith.maximumf %max3A, %mul3A_707 : vector<16xf32>
      %min3A_711 = vector.broadcast %jit3A_709 : f32 to vector<16xf32>
      %min3A_712 = arith.minimumf %min3A_711, %max3A_710 : vector<16xf32>
      %mul3A_713 = arith.mulf %min3A_712, %gather3A_700 : vector<16xf32>
      %add3A_714 = arith.addf %gather3A_701, %mul3A_713 : vector<16xf32>
      %add3A_715 = arith.addi %broadcast_in_dim3A, %and3A_659 : vector<16xi32>
      %gather3A_716 = tpu.vector_load_idx %arg13[%add3A_715] : memref<128xf32, #tpu.memory_space<vmem>>[vector<16xi32>], vector<16xf32>,
      %gather3A_717 = tpu.vector_load_idx %arg14[%add3A_715] : memref<128xf32, #tpu.memory_space<vmem>>[vector<16xi32>], vector<16xf32>,
      %gather3A_718 = tpu.vector_load_idx %arg15[%add3A_715] : memref<128xf32, #tpu.memory_space<vmem>>[vector<16xi32>], vector<16xf32>,
      %gather3A_719 = tpu.vector_load_idx %arg16[%add3A_715] : memref<128xf32, #tpu.memory_space<vmem>>[vector<16xi32>], vector<16xf32>,
      %gather3A_720 = tpu.vector_load_idx %arg17[%add3A_715] : memref<128xf32, #tpu.memory_space<vmem>>[vector<16xi32>], vector<16xf32>,
      %gather3A_721 = tpu.vector_load_idx %arg18[%add3A_715] : memref<128xf32, #tpu.memory_space<vmem>>[vector<16xi32>], vector<16xf32>,
      %gather3A_722 = tpu.vector_load_idx %arg19[%add3A_715] : memref<128xf32, #tpu.memory_space<vmem>>[vector<16xi32>], vector<16xf32>,
      %gather3A_723 = tpu.vector_load_idx %arg20[%add3A_715] : memref<128xf32, #tpu.memory_space<vmem>>[vector<16xi32>], vector<16xf32>,
      %sub3A_724 = arith.subf %add3A_504, %gather3A_716 : vector<16xf32>
      %sub3A_725 = arith.subf %add3A_511, %gather3A_717 : vector<16xf32>
      %mul3A_726 = arith.mulf %sub3A_724, %gather3A_718 : vector<16xf32>
      %mul3A_727 = arith.mulf %sub3A_725, %gather3A_719 : vector<16xf32>
      %add3A_728 = arith.addf %mul3A_726, %mul3A_727 : vector<16xf32>
      %mul3A_729 = arith.mulf %add3A_728, %gather3A_720 : vector<16xf32>
      %jit3A_730 = arith.constant 0.000000e+00 : f32
      %jit3A_731 = arith.constant 1.000000e+00 : f32
      %max3A_732 = vector.broadcast %jit3A_730 : f32 to vector<16xf32>
      %max3A_733 = arith.maximumf %max3A_732, %mul3A_729 : vector<16xf32>
      %min3A_734 = vector.broadcast %jit3A_731 : f32 to vector<16xf32>
      %min3A_735 = arith.minimumf %min3A_734, %max3A_733 : vector<16xf32>
      %mul3A_736 = arith.mulf %min3A_735, %gather3A_721 : vector<16xf32>
      %add3A_737 = arith.addf %gather3A_722, %mul3A_736 : vector<16xf32>
      %mul3A_738 = arith.mulf %min3A_735, %gather3A_718 : vector<16xf32>
      %sub3A_739 = arith.subf %sub3A_724, %mul3A_738 : vector<16xf32>
      %mul3A_740 = arith.mulf %min3A_735, %gather3A_719 : vector<16xf32>
      %sub3A_741 = arith.subf %sub3A_725, %mul3A_740 : vector<16xf32>
      %mul3A_742 = arith.mulf %sub3A_739, %sub3A_739 : vector<16xf32>
      %mul3A_743 = arith.mulf %sub3A_741, %sub3A_741 : vector<16xf32>
      %add3A_744 = arith.addf %mul3A_742, %mul3A_743 : vector<16xf32>
      %max3A_745 = arith.constant 9.99999993E-9 : f32
      %max3A_746 = vector.broadcast %max3A_745 : f32 to vector<16xf32>
      %max3A_747 = arith.maximumf %add3A_744, %max3A_746 : vector<16xf32>
      %mul3A_748 = arith.mulf %gather3A_718, %gather3A_723 : vector<16xf32>
      %mul3A_749 = arith.mulf %gather3A_719, %gather3A_723 : vector<16xf32>
      %mul3A_750 = arith.mulf %get3A_517, %mul3A_748 : vector<16xf32>
      %mul3A_751 = arith.mulf %get3A_523, %mul3A_749 : vector<16xf32>
      %add3A_752 = arith.addf %mul3A_750, %mul3A_751 : vector<16xf32>
      %sub3A_753 = arith.subf %add3A_737, %add3A_714 : vector<16xf32>
      %mul3A_754 = arith.constant 1.000000e-01 : f32
      %mul3A_755 = vector.broadcast %mul3A_754 : f32 to vector<16xf32>
      %mul3A_756 = arith.mulf %mul3A_601, %mul3A_755 : vector<16xf32>
      %sub3A_757 = arith.subf %sub3A_753, %mul3A_756 : vector<16xf32>
      %sub3A_758 = arith.subf %add3A_752, %mul3A_601 : vector<16xf32>
      %mul3A_759 = arith.constant 16 : i32
      %mul3A_760 = arith.muli %mul3A_422, %mul3A_759 : i32
      %get3A_761 = arith.index_cast %mul3A_760 : i32 to index
      %get3A_762 = tpu.vector_load %arg22[%get3A_761] {strides = array<i32>} : memref<1440xf32, #tpu.memory_space<vmem>>, vector<16xf32>,
      %mul3A_763 = arith.constant 5.000000e+01 : f32
      %mul3A_764 = vector.broadcast %mul3A_763 : f32 to vector<16xf32>
      %mul3A_765 = arith.mulf %get3A_762, %mul3A_764 : vector<16xf32>
      %mul3A_766 = arith.constant 16 : i32
      %mul3A_767 = arith.muli %mul3A_422, %mul3A_766 : i32
      %get3A_768 = arith.index_cast %mul3A_767 : i32 to index
      %get3A_769 = tpu.vector_load %arg23[%get3A_768] {strides = array<i32>} : memref<1440xf32, #tpu.memory_space<vmem>>, vector<16xf32>,
      %mul3A_770 = arith.constant 5.000000e+00 : f32
      %mul3A_771 = vector.broadcast %mul3A_770 : f32 to vector<16xf32>
      %mul3A_772 = arith.mulf %get3A_769, %mul3A_771 : vector<16xf32>
      %gt3A = arith.constant 5.000000e-01 : f32
      %gt3A_773 = vector.broadcast %gt3A : f32 to vector<16xf32>
      %gt3A_774 = arith.cmpf ogt, %mul3A_601, %gt3A_773 : vector<16xf32>
      %select_n3A_775 = arith.select %gt3A_774, %broadcast_in_dim3A_693, %broadcast_in_dim3A_691 : vector<16xi1>, vector<16xf32>
      %mul3A_776 = arith.constant 1.500000e+00 : f32
      %mul3A_777 = vector.broadcast %mul3A_776 : f32 to vector<16xf32>
      %mul3A_778 = arith.mulf %mul3A_777, %mul3A_601 : vector<16xf32>
      %add3A_779 = arith.constant 2.000000e+00 : f32
      %add3A_780 = vector.broadcast %add3A_779 : f32 to vector<16xf32>
      %add3A_781 = arith.addf %mul3A_778, %add3A_780 : vector<16xf32>
      %sub3A_782 = arith.subf %mul3A_765, %add3A_781 : vector<16xf32>
      %mul3A_783 = arith.constant 3.000000e-01 : f32
      %mul3A_784 = vector.broadcast %mul3A_783 : f32 to vector<16xf32>
      %mul3A_785 = arith.mulf %mul3A_784, %sub3A_782 : vector<16xf32>
      %jit3A_786 = arith.constant -4.000000e+00 : f32
      %jit3A_787 = arith.constant 2.000000e+00 : f32
      %max3A_788 = vector.broadcast %jit3A_786 : f32 to vector<16xf32>
      %max3A_789 = arith.maximumf %max3A_788, %mul3A_785 : vector<16xf32>
      %min3A_790 = vector.broadcast %jit3A_787 : f32 to vector<16xf32>
      %min3A_791 = arith.minimumf %min3A_790, %max3A_789 : vector<16xf32>
      %lt3A = arith.constant 2.000000e+00 : f32
      %lt3A_792 = vector.broadcast %lt3A : f32 to vector<16xf32>
      %lt3A_793 = arith.cmpf olt, %mul3A_772, %lt3A_792 : vector<16xf32>
      %select_n3A_794 = arith.select %lt3A_793, %broadcast_in_dim3A_693, %broadcast_in_dim3A_691 : vector<16xi1>, vector<16xf32>
      %eq3A = arith.constant 1.000000e+00 : f32
      %eq3A_795 = vector.broadcast %eq3A : f32 to vector<16xf32>
      %eq3A_796 = arith.cmpf oeq, %gather3A, %eq3A_795 : vector<16xf32>
      %select_n3A_797 = arith.select %eq3A_796, %select_n3A_775, %broadcast_in_dim3A_691 : vector<16xi1>, vector<16xf32>
      %eq3A_798 = arith.constant 2.000000e+00 : f32
      %eq3A_799 = vector.broadcast %eq3A_798 : f32 to vector<16xf32>
      %eq3A_800 = arith.cmpf oeq, %gather3A, %eq3A_799 : vector<16xf32>
      %select_n3A_801 = arith.select %eq3A_800, %min3A_791, %select_n3A_797 : vector<16xi1>, vector<16xf32>
      %eq3A_802 = arith.constant 3.000000e+00 : f32
      %eq3A_803 = vector.broadcast %eq3A_802 : f32 to vector<16xf32>
      %eq3A_804 = arith.cmpf oeq, %gather3A, %eq3A_803 : vector<16xf32>
      %select_n3A_805 = arith.select %eq3A_804, %select_n3A_794, %select_n3A_801 : vector<16xi1>, vector<16xf32>
      %jit3A_806 = arith.constant -4.000000e+00 : f32
      %jit3A_807 = arith.constant 2.000000e+00 : f32
      %max3A_808 = vector.broadcast %jit3A_806 : f32 to vector<16xf32>
      %max3A_809 = arith.maximumf %max3A_808, %select_n3A_805 : vector<16xf32>
      %min3A_810 = vector.broadcast %jit3A_807 : f32 to vector<16xf32>
      %min3A_811 = arith.minimumf %min3A_810, %max3A_809 : vector<16xf32>
      %mul3A_812 = arith.mulf %sub3A_757, %sub3A_757 : vector<16xf32>
      %mul3A_813 = arith.mulf %mul3A_812, %gather3A_673 : vector<16xf32>
      %mul3A_814 = arith.mulf %max3A_747, %gather3A_677 : vector<16xf32>
      %add3A_815 = arith.addf %mul3A_813, %mul3A_814 : vector<16xf32>
      %mul3A_816 = arith.mulf %sub3A_758, %sub3A_758 : vector<16xf32>
      %mul3A_817 = arith.mulf %mul3A_816, %gather3A_681 : vector<16xf32>
      %add3A_818 = arith.addf %add3A_815, %mul3A_817 : vector<16xf32>
      %mul3A_819 = arith.mulf %min3A_811, %min3A_811 : vector<16xf32>
      %mul3A_820 = arith.mulf %mul3A_819, %gather3A_685 : vector<16xf32>
      %add3A_821 = arith.addf %add3A_818, %mul3A_820 : vector<16xf32>
      %add3A_822 = arith.addf %add3A_821, %gather3A_689 : vector<16xf32>
      %add3A_823 = arith.constant 7.35150814 : f32
      %add3A_824 = vector.broadcast %add3A_823 : f32 to vector<16xf32>
      %add3A_825 = arith.addf %add3A_822, %add3A_824 : vector<16xf32>
      %mul3A_826 = arith.constant -5.000000e-01 : f32
      %mul3A_827 = vector.broadcast %mul3A_826 : f32 to vector<16xf32>
      %mul3A_828 = arith.mulf %mul3A_827, %add3A_825 : vector<16xf32>
      %mul3A_829 = arith.constant 16 : i32
      %mul3A_830 = arith.muli %mul3A_422, %mul3A_829 : i32
      %get3A_831 = arith.index_cast %mul3A_830 : i32 to index
      %get3A_832 = tpu.vector_load %arg24[%get3A_831] {strides = array<i32>} : memref<1440xf32, #tpu.memory_space<vmem>>, vector<16xf32>,
      %gt3A_833 = arith.constant 5.000000e-01 : f32
      %gt3A_834 = vector.broadcast %gt3A_833 : f32 to vector<16xf32>
      %gt3A_835 = arith.cmpf ogt, %get3A_832, %gt3A_834 : vector<16xf32>
      %broadcast_in_dim3A_836 = arith.constant -1.000000e+04 : f32
      %broadcast_in_dim3A_837 = vector.broadcast %broadcast_in_dim3A_836 : f32 to vector<16xf32>
      %select_n3A_838 = arith.select %gt3A_835, %mul3A_828, %broadcast_in_dim3A_837 : vector<16xi1>, vector<16xf32>
      %mul3A_839 = arith.constant 16 : i32
      %mul3A_840 = arith.muli %mul3A_422, %mul3A_839 : i32
      %swap3A_841 = arith.index_cast %mul3A_840 : i32 to index
      %swap3A_842 = tpu.vector_load %arg26[%swap3A_841] {strides = array<i32>} : memref<1440xf32, #tpu.memory_space<vmem>>, vector<16xf32>,
      tpu.vector_store %arg26[%swap3A_841], %select_n3A_838 {strides = array<i32>} : memref<1440xf32, #tpu.memory_space<vmem>>, vector<16xf32>,
      %add3A_843 = arith.constant 1 : i32
      %add3A_844 = arith.addi %mul3A_422, %add3A_843 : i32
      %add3A_845 = arith.addi %broadcast_in_dim3A, %and3A_662 : vector<16xi32>
      %gather3A_846 = tpu.vector_load_idx %arg13[%add3A_845] : memref<128xf32, #tpu.memory_space<vmem>>[vector<16xi32>], vector<16xf32>,
      %gather3A_847 = tpu.vector_load_idx %arg14[%add3A_845] : memref<128xf32, #tpu.memory_space<vmem>>[vector<16xi32>], vector<16xf32>,
      %gather3A_848 = tpu.vector_load_idx %arg15[%add3A_845] : memref<128xf32, #tpu.memory_space<vmem>>[vector<16xi32>], vector<16xf32>,
      %gather3A_849 = tpu.vector_load_idx %arg16[%add3A_845] : memref<128xf32, #tpu.memory_space<vmem>>[vector<16xi32>], vector<16xf32>,
      %gather3A_850 = tpu.vector_load_idx %arg17[%add3A_845] : memref<128xf32, #tpu.memory_space<vmem>>[vector<16xi32>], vector<16xf32>,
      %gather3A_851 = tpu.vector_load_idx %arg18[%add3A_845] : memref<128xf32, #tpu.memory_space<vmem>>[vector<16xi32>], vector<16xf32>,
      %gather3A_852 = tpu.vector_load_idx %arg19[%add3A_845] : memref<128xf32, #tpu.memory_space<vmem>>[vector<16xi32>], vector<16xf32>,
      %sub3A_853 = arith.subf %get3A_529, %gather3A_846 : vector<16xf32>
      %mul3A_854 = arith.mulf %sub3A_853, %gather3A_848 : vector<16xf32>
      %sub3A_855 = arith.subf %get3A_535, %gather3A_847 : vector<16xf32>
      %mul3A_856 = arith.mulf %sub3A_855, %gather3A_849 : vector<16xf32>
      %add3A_857 = arith.addf %mul3A_854, %mul3A_856 : vector<16xf32>
      %mul3A_858 = arith.mulf %add3A_857, %gather3A_850 : vector<16xf32>
      %jit3A_859 = arith.constant 0.000000e+00 : f32
      %jit3A_860 = arith.constant 1.000000e+00 : f32
      %max3A_861 = vector.broadcast %jit3A_859 : f32 to vector<16xf32>
      %max3A_862 = arith.maximumf %max3A_861, %mul3A_858 : vector<16xf32>
      %min3A_863 = vector.broadcast %jit3A_860 : f32 to vector<16xf32>
      %min3A_864 = arith.minimumf %min3A_863, %max3A_862 : vector<16xf32>
      %mul3A_865 = arith.mulf %min3A_864, %gather3A_851 : vector<16xf32>
      %add3A_866 = arith.addf %gather3A_852, %mul3A_865 : vector<16xf32>
      %add3A_867 = arith.addi %broadcast_in_dim3A, %and3A_665 : vector<16xi32>
      %gather3A_868 = tpu.vector_load_idx %arg13[%add3A_867] : memref<128xf32, #tpu.memory_space<vmem>>[vector<16xi32>], vector<16xf32>,
      %gather3A_869 = tpu.vector_load_idx %arg14[%add3A_867] : memref<128xf32, #tpu.memory_space<vmem>>[vector<16xi32>], vector<16xf32>,
      %gather3A_870 = tpu.vector_load_idx %arg15[%add3A_867] : memref<128xf32, #tpu.memory_space<vmem>>[vector<16xi32>], vector<16xf32>,
      %gather3A_871 = tpu.vector_load_idx %arg16[%add3A_867] : memref<128xf32, #tpu.memory_space<vmem>>[vector<16xi32>], vector<16xf32>,
      %gather3A_872 = tpu.vector_load_idx %arg17[%add3A_867] : memref<128xf32, #tpu.memory_space<vmem>>[vector<16xi32>], vector<16xf32>,
      %gather3A_873 = tpu.vector_load_idx %arg18[%add3A_867] : memref<128xf32, #tpu.memory_space<vmem>>[vector<16xi32>], vector<16xf32>,
      %gather3A_874 = tpu.vector_load_idx %arg19[%add3A_867] : memref<128xf32, #tpu.memory_space<vmem>>[vector<16xi32>], vector<16xf32>,
      %gather3A_875 = tpu.vector_load_idx %arg20[%add3A_867] : memref<128xf32, #tpu.memory_space<vmem>>[vector<16xi32>], vector<16xf32>,
      %sub3A_876 = arith.subf %add3A_542, %gather3A_868 : vector<16xf32>
      %sub3A_877 = arith.subf %add3A_549, %gather3A_869 : vector<16xf32>
      %mul3A_878 = arith.mulf %sub3A_876, %gather3A_870 : vector<16xf32>
      %mul3A_879 = arith.mulf %sub3A_877, %gather3A_871 : vector<16xf32>
      %add3A_880 = arith.addf %mul3A_878, %mul3A_879 : vector<16xf32>
      %mul3A_881 = arith.mulf %add3A_880, %gather3A_872 : vector<16xf32>
      %jit3A_882 = arith.constant 0.000000e+00 : f32
      %jit3A_883 = arith.constant 1.000000e+00 : f32
      %max3A_884 = vector.broadcast %jit3A_882 : f32 to vector<16xf32>
      %max3A_885 = arith.maximumf %max3A_884, %mul3A_881 : vector<16xf32>
      %min3A_886 = vector.broadcast %jit3A_883 : f32 to vector<16xf32>
      %min3A_887 = arith.minimumf %min3A_886, %max3A_885 : vector<16xf32>
      %mul3A_888 = arith.mulf %min3A_887, %gather3A_873 : vector<16xf32>
      %add3A_889 = arith.addf %gather3A_874, %mul3A_888 : vector<16xf32>
      %mul3A_890 = arith.mulf %min3A_887, %gather3A_870 : vector<16xf32>
      %sub3A_891 = arith.subf %sub3A_876, %mul3A_890 : vector<16xf32>
      %mul3A_892 = arith.mulf %min3A_887, %gather3A_871 : vector<16xf32>
      %sub3A_893 = arith.subf %sub3A_877, %mul3A_892 : vector<16xf32>
      %mul3A_894 = arith.mulf %sub3A_891, %sub3A_891 : vector<16xf32>
      %mul3A_895 = arith.mulf %sub3A_893, %sub3A_893 : vector<16xf32>
      %add3A_896 = arith.addf %mul3A_894, %mul3A_895 : vector<16xf32>
      %max3A_897 = arith.constant 9.99999993E-9 : f32
      %max3A_898 = vector.broadcast %max3A_897 : f32 to vector<16xf32>
      %max3A_899 = arith.maximumf %add3A_896, %max3A_898 : vector<16xf32>
      %mul3A_900 = arith.mulf %gather3A_870, %gather3A_875 : vector<16xf32>
      %mul3A_901 = arith.mulf %gather3A_871, %gather3A_875 : vector<16xf32>
      %mul3A_902 = arith.mulf %get3A_555, %mul3A_900 : vector<16xf32>
      %mul3A_903 = arith.mulf %get3A_561, %mul3A_901 : vector<16xf32>
      %add3A_904 = arith.addf %mul3A_902, %mul3A_903 : vector<16xf32>
      %sub3A_905 = arith.subf %add3A_889, %add3A_866 : vector<16xf32>
      %mul3A_906 = arith.constant 1.000000e-01 : f32
      %mul3A_907 = vector.broadcast %mul3A_906 : f32 to vector<16xf32>
      %mul3A_908 = arith.mulf %mul3A_643, %mul3A_907 : vector<16xf32>
      %sub3A_909 = arith.subf %sub3A_905, %mul3A_908 : vector<16xf32>
      %sub3A_910 = arith.subf %add3A_904, %mul3A_643 : vector<16xf32>
      %mul3A_911 = arith.constant 16 : i32
      %mul3A_912 = arith.muli %add3A_844, %mul3A_911 : i32
      %get3A_913 = arith.index_cast %mul3A_912 : i32 to index
      %get3A_914 = tpu.vector_load %arg22[%get3A_913] {strides = array<i32>} : memref<1440xf32, #tpu.memory_space<vmem>>, vector<16xf32>,
      %mul3A_915 = arith.constant 5.000000e+01 : f32
      %mul3A_916 = vector.broadcast %mul3A_915 : f32 to vector<16xf32>
      %mul3A_917 = arith.mulf %get3A_914, %mul3A_916 : vector<16xf32>
      %mul3A_918 = arith.constant 16 : i32
      %mul3A_919 = arith.muli %add3A_844, %mul3A_918 : i32
      %get3A_920 = arith.index_cast %mul3A_919 : i32 to index
      %get3A_921 = tpu.vector_load %arg23[%get3A_920] {strides = array<i32>} : memref<1440xf32, #tpu.memory_space<vmem>>, vector<16xf32>,
      %mul3A_922 = arith.constant 5.000000e+00 : f32
      %mul3A_923 = vector.broadcast %mul3A_922 : f32 to vector<16xf32>
      %mul3A_924 = arith.mulf %get3A_921, %mul3A_923 : vector<16xf32>
      %gt3A_925 = arith.constant 5.000000e-01 : f32
      %gt3A_926 = vector.broadcast %gt3A_925 : f32 to vector<16xf32>
      %gt3A_927 = arith.cmpf ogt, %mul3A_643, %gt3A_926 : vector<16xf32>
      %select_n3A_928 = arith.select %gt3A_927, %broadcast_in_dim3A_693, %broadcast_in_dim3A_691 : vector<16xi1>, vector<16xf32>
      %mul3A_929 = arith.constant 1.500000e+00 : f32
      %mul3A_930 = vector.broadcast %mul3A_929 : f32 to vector<16xf32>
      %mul3A_931 = arith.mulf %mul3A_930, %mul3A_643 : vector<16xf32>
      %add3A_932 = arith.constant 2.000000e+00 : f32
      %add3A_933 = vector.broadcast %add3A_932 : f32 to vector<16xf32>
      %add3A_934 = arith.addf %mul3A_931, %add3A_933 : vector<16xf32>
      %sub3A_935 = arith.subf %mul3A_917, %add3A_934 : vector<16xf32>
      %mul3A_936 = arith.constant 3.000000e-01 : f32
      %mul3A_937 = vector.broadcast %mul3A_936 : f32 to vector<16xf32>
      %mul3A_938 = arith.mulf %mul3A_937, %sub3A_935 : vector<16xf32>
      %jit3A_939 = arith.constant -4.000000e+00 : f32
      %jit3A_940 = arith.constant 2.000000e+00 : f32
      %max3A_941 = vector.broadcast %jit3A_939 : f32 to vector<16xf32>
      %max3A_942 = arith.maximumf %max3A_941, %mul3A_938 : vector<16xf32>
      %min3A_943 = vector.broadcast %jit3A_940 : f32 to vector<16xf32>
      %min3A_944 = arith.minimumf %min3A_943, %max3A_942 : vector<16xf32>
      %lt3A_945 = arith.constant 2.000000e+00 : f32
      %lt3A_946 = vector.broadcast %lt3A_945 : f32 to vector<16xf32>
      %lt3A_947 = arith.cmpf olt, %mul3A_924, %lt3A_946 : vector<16xf32>
      %select_n3A_948 = arith.select %lt3A_947, %broadcast_in_dim3A_693, %broadcast_in_dim3A_691 : vector<16xi1>, vector<16xf32>
      %eq3A_949 = arith.constant 1.000000e+00 : f32
      %eq3A_950 = vector.broadcast %eq3A_949 : f32 to vector<16xf32>
      %eq3A_951 = arith.cmpf oeq, %gather3A, %eq3A_950 : vector<16xf32>
      %select_n3A_952 = arith.select %eq3A_951, %select_n3A_928, %broadcast_in_dim3A_691 : vector<16xi1>, vector<16xf32>
      %eq3A_953 = arith.constant 2.000000e+00 : f32
      %eq3A_954 = vector.broadcast %eq3A_953 : f32 to vector<16xf32>
      %eq3A_955 = arith.cmpf oeq, %gather3A, %eq3A_954 : vector<16xf32>
      %select_n3A_956 = arith.select %eq3A_955, %min3A_944, %select_n3A_952 : vector<16xi1>, vector<16xf32>
      %eq3A_957 = arith.constant 3.000000e+00 : f32
      %eq3A_958 = vector.broadcast %eq3A_957 : f32 to vector<16xf32>
      %eq3A_959 = arith.cmpf oeq, %gather3A, %eq3A_958 : vector<16xf32>
      %select_n3A_960 = arith.select %eq3A_959, %select_n3A_948, %select_n3A_956 : vector<16xi1>, vector<16xf32>
      %jit3A_961 = arith.constant -4.000000e+00 : f32
      %jit3A_962 = arith.constant 2.000000e+00 : f32
      %max3A_963 = vector.broadcast %jit3A_961 : f32 to vector<16xf32>
      %max3A_964 = arith.maximumf %max3A_963, %select_n3A_960 : vector<16xf32>
      %min3A_965 = vector.broadcast %jit3A_962 : f32 to vector<16xf32>
      %min3A_966 = arith.minimumf %min3A_965, %max3A_964 : vector<16xf32>
      %mul3A_967 = arith.mulf %sub3A_909, %sub3A_909 : vector<16xf32>
      %mul3A_968 = arith.mulf %mul3A_967, %gather3A_673 : vector<16xf32>
      %mul3A_969 = arith.mulf %max3A_899, %gather3A_677 : vector<16xf32>
      %add3A_970 = arith.addf %mul3A_968, %mul3A_969 : vector<16xf32>
      %mul3A_971 = arith.mulf %sub3A_910, %sub3A_910 : vector<16xf32>
      %mul3A_972 = arith.mulf %mul3A_971, %gather3A_681 : vector<16xf32>
      %add3A_973 = arith.addf %add3A_970, %mul3A_972 : vector<16xf32>
      %mul3A_974 = arith.mulf %min3A_966, %min3A_966 : vector<16xf32>
      %mul3A_975 = arith.mulf %mul3A_974, %gather3A_685 : vector<16xf32>
      %add3A_976 = arith.addf %add3A_973, %mul3A_975 : vector<16xf32>
      %add3A_977 = arith.addf %add3A_976, %gather3A_689 : vector<16xf32>
      %add3A_978 = arith.constant 7.35150814 : f32
      %add3A_979 = vector.broadcast %add3A_978 : f32 to vector<16xf32>
      %add3A_980 = arith.addf %add3A_977, %add3A_979 : vector<16xf32>
      %mul3A_981 = arith.constant -5.000000e-01 : f32
      %mul3A_982 = vector.broadcast %mul3A_981 : f32 to vector<16xf32>
      %mul3A_983 = arith.mulf %mul3A_982, %add3A_980 : vector<16xf32>
      %mul3A_984 = arith.constant 16 : i32
      %mul3A_985 = arith.muli %add3A_844, %mul3A_984 : i32
      %get3A_986 = arith.index_cast %mul3A_985 : i32 to index
      %get3A_987 = tpu.vector_load %arg24[%get3A_986] {strides = array<i32>} : memref<1440xf32, #tpu.memory_space<vmem>>, vector<16xf32>,
      %gt3A_988 = arith.constant 5.000000e-01 : f32
      %gt3A_989 = vector.broadcast %gt3A_988 : f32 to vector<16xf32>
      %gt3A_990 = arith.cmpf ogt, %get3A_987, %gt3A_989 : vector<16xf32>
      %broadcast_in_dim3A_991 = arith.constant -1.000000e+04 : f32
      %broadcast_in_dim3A_992 = vector.broadcast %broadcast_in_dim3A_991 : f32 to vector<16xf32>
      %select_n3A_993 = arith.select %gt3A_990, %mul3A_983, %broadcast_in_dim3A_992 : vector<16xi1>, vector<16xf32>
      %mul3A_994 = arith.constant 16 : i32
      %mul3A_995 = arith.muli %add3A_844, %mul3A_994 : i32
      %swap3A_996 = arith.index_cast %mul3A_995 : i32 to index
      %swap3A_997 = tpu.vector_load %arg26[%swap3A_996] {strides = array<i32>} : memref<1440xf32, #tpu.memory_space<vmem>>, vector<16xf32>,
      tpu.vector_store %arg26[%swap3A_996], %select_n3A_993 {strides = array<i32>} : memref<1440xf32, #tpu.memory_space<vmem>>, vector<16xf32>,
    }
    %scan3A_419 = arith.constant 45 : i32
    "tpu.region"() ({
      %run_scoped3A = tpu.sem_alloc : memref<!tpu.dma_semaphore, #tpu.memory_space<semaphore_mem>>
      %dma_start3A_420 = tpu.memref_slice %arg8[%mul3A_2] : memref<46080xf32, #tpu.memory_space<hbm>> -> memref<1440xf32, #tpu.memory_space<hbm>>
      %dma_start3A_421 = tpu.memref_slice %arg8[%mul3A_2] : memref<46080xf32, #tpu.memory_space<hbm>> -> memref<1440xf32, #tpu.memory_space<hbm>>
      tpu.enqueue_dma source(%arg26 : memref<1440xf32, #tpu.memory_space<vmem>>) target(%dma_start3A_421 : memref<1440xf32, #tpu.memory_space<hbm>>) target_semaphore(%run_scoped3A : memref<!tpu.dma_semaphore, #tpu.memory_space<semaphore_mem>>)
      %dma_wait3A_422 = tpu.memref_slice %arg8[%mul3A_2] : memref<46080xf32, #tpu.memory_space<hbm>> -> memref<1440xf32, #tpu.memory_space<hbm>>
      %dma_wait3A_423 = tpu.memref_slice %arg8[%mul3A_2] : memref<46080xf32, #tpu.memory_space<hbm>> -> memref<1440xf32, #tpu.memory_space<hbm>>
      tpu.wait_dma2 semaphore(%run_scoped3A : memref<!tpu.dma_semaphore, #tpu.memory_space<semaphore_mem>>) src(%arg26 : memref<1440xf32, #tpu.memory_space<vmem>>) dst(%dma_wait3A_423 : memref<1440xf32, #tpu.memory_space<hbm>>)
      tpu.yield
    }) : () -> ()
    return
  }
}

</mosaic_0001>

<sc_bundles>
// kernel: kernel.3.cloned.1.call-start
scs
__scs_entry_jumppad:
0x0: {  	(pc) =	sbr.rel $0x88, $3  }
0x1: {  	(tag) =	ssettag $0x0;
	lr =	simm.s32 $0x1  }
0x2: {  	[smem:$0x3F97] =	sst lr;
	_ =	strace $0xD0000000  }
0x3: {  	_ = 	snop  }
0x4: {  	_ = 	snop  }
0x5: {  	_ = 	snop  }
0x6: {  	_ = 	snop  }
0x7: {  	_ = 	snop  }
__scs_overlays_trampoline_lowered:
0x8: {  	[smem:$0x3FA6] =	sst s0  }
0x9: {  	[smem:$0x3FA7] =	sst s1  }
0xa: {  	[smem:$0x3FA8] =	sst s2  }
0xb: {  	[smem:$0x3FA9] =	sst s3  }
0xc: {  	[smem:$0x3FAA] =	sst s4  }
0xd: {  	[smem:$0x3FAB] =	sst s5  }
0xe: {  	[smem:$0x3FAC] =	sst s6  }
0xf: {  	[smem:$0x3FAD] =	sst s7  }
0x10: {  	[smem:$0x3FAE] =	sst s8  }
0x11: {  	[smem:$0x3FAF] =	sst s9;
	s0 =	simm.s32 @!p0 $0x0  }
0x12: {  	s1 =	sld [smem:$0x3F95];
	s0 =	simm.s32 @p0 $0x1  }
0x13: {  	[smem:$0x3FB0] =	sst s0;
	s0 =	simm.s32 @!p1 $0x0  }
0x14: {  	s2 =	sld [smem:$0x3F94];
	s0 =	simm.s32 @p1 $0x1  }
0x15: {  	[smem:$0x3FB1] =	sst s0;
	s0 =	simm.s32 @!p2 $0x0  }
0x16: {  	s3 =	sld [smem:$0x3FDB];
	s0 =	simm.s32 @p2 $0x1  }
0x17: {  	s4 =	simm.s32 $0x1BF5;
	[smem:$0x3FB3] =	sst s0  }
0x18: {  	s0 =	sld [smem:$0x3F96];
	_ =	swait.ge [sflag:s4], $0x0  }
0x19: {  	s7 =	sld [smem:$0x3F97]  }
0x1a: {  	s8 =	sadd.s32 $0xFFFFE003, lr  }
0x1b: {  	s9 =	sadd.s32 $0xFFFFFEF7, lr;
	s5 =	simm.s32 $0xFFFFFFFF;
	p2 =	slt.u32 s8, $0xFFFFF086  }
0x1c: {  	p1 =	slt.u32 s9, $0xF7A;
	s5 =	simm.s32 @!p2 $0x0  }
0x1d: {  	s5 =	simm.s32 @p1 $0x1;
	p0 =	seq.s32 s7, s2  }
0x1e: {  	s7 =	smul.u32 @!p0 $0xF7A, s2;
	p2 =	seq.s32 @!p0 s5, $0x0  }
0x1f: {  	s9 =	smul.u32 $0xF7A, s1;
	s8 =	simm.s32 @!p0 $0x1BF5;
	p2 =	por !p2, p0  }
0x20: {  	[sflag:s8] =	ssyncset.s32 @!p0 $0xFFFFF086;
	s6 =	sadd.s32 @!p0 s3, s7;
	s7 =	simm.s32 @!p0 $0x108  }
0x21: {  	s3 =	sadd.s32 s3, s9;
	s6 =	sadd.s32 @!p0 $0x88, s6;
	s7 =	simm.s32 @p2 $0x1082  }
0x22: {  	[simem:s7], [sflag:s8] =	dma.local @!p0 [hbm:s6], $0xF7A  }
0x23: {  	s9 =	sor.u32 $0xD0000000, s2;
	s6 =	simm.s32 $0x108;
	_ =	swait.ge @!p0 [sflag:s8], $0x0  }
0x24: {  	s3 =	sadd.s32 $0x88, s3;
	s6 =	simm.s32 @!p1 $0x1082;
	[sflag:s4] =	ssyncset.s32 $0xFFFFF086  }
0x25: {  	[simem:s6], [sflag:s4] =	dma.local [hbm:s3], $0xF7A  }
0x26: {  	[smem:$0x3F97] =	sst s1;
	(tag) =	ssettag s2;
	_ =	strace s9  }
0x27: {  	s1 =	sld [smem:$0x3FA7]  }
0x28: {  	s2 =	sld [smem:$0x3FA8]  }
0x29: {  	s4 =	sld [smem:$0x3FAA]  }
0x2a: {  	p0 =	seq.s32 s5, $0x0;
	s5 =	sld [smem:$0x3FAB]  }
0x2b: {  	s6 =	sld [smem:$0x3FAC]  }
0x2c: {  	s7 =	sld [smem:$0x3FAD]  }
0x2d: {  	s3 =	simm.s32 $0x108;
	s8 =	sld [smem:$0x3FAE]  }
0x2e: {  	s3 =	simm.s32 @!p0 $0x1082;
	s9 =	sld [smem:$0x3FAF]  }
0x2f: {  	lr =	sadd.s32 s0, s3;
	s0 =	sld [smem:$0x3FA6]  }
0x30: {  	s3 =	sld [smem:$0x3FA9]  }
0x31: {  	[smem:$0x3FB2] =	sst s10  }
0x32: {  	s10 =	sld [smem:$0x3FB0];
	_ =	sdelay $0x3  }
0x33: {  	p0 =	seq.s32 s10, $0x1;
	s10 =	sld [smem:$0x3FB2];
	_ =	sdelay $0x3  }
0x34: {  	[smem:$0x3FB2] =	sst s10  }
0x35: {  	s10 =	sld [smem:$0x3FB1];
	_ =	sdelay $0x3  }
0x36: {  	p1 =	seq.s32 s10, $0x1;
	s10 =	sld [smem:$0x3FB2];
	_ =	sdelay $0x3  }
0x37: {  	[smem:$0x3FB2] =	sst s10  }
0x38: {  	s10 =	sld [smem:$0x3FB3]  }
0x39: {  	_ = 	snop;
	(pc) =	sbr.ind lr, $3  }
0x3a: {  	_ = 	snop  }
0x3b: {  	_ = 	snop  }
0x3c: {  	p2 =	seq.s32 s10, $0x1;
	s10 =	sld [smem:$0x3FB2]  }
0x3d: {  	_ =	shalt  }
0x3e: {  	_ =	shalt  }
0x3f: {  	_ =	shalt  }
0x40: {  	_ =	shalt  }
0x41: {  	_ =	shalt  }
0x42: {  	_ =	shalt  }
0x43: {  	_ =	shalt  }
0x44: {  	_ =	shalt  }
0x45: {  	_ =	shalt  }
0x46: {  	_ =	shalt  }
0x47: {  	_ =	shalt  }
0x48: {  	_ =	shalt  }
0x49: {  	_ =	shalt  }
0x4a: {  	_ =	shalt  }
0x4b: {  	_ =	shalt  }
0x4c: {  	_ =	shalt  }
0x4d: {  	_ =	shalt  }
0x4e: {  	_ =	shalt  }
0x4f: {  	_ =	shalt  }
0x50: {  	_ =	shalt  }
0x51: {  	_ =	shalt  }
0x52: {  	_ =	shalt  }
0x53: {  	_ =	shalt  }
0x54: {  	_ =	shalt  }
0x55: {  	_ =	shalt  }
0x56: {  	_ =	shalt  }
0x57: {  	_ =	shalt  }
0x58: {  	_ =	shalt  }
0x59: {  	_ =	shalt  }
0x5a: {  	_ =	shalt  }
0x5b: {  	_ =	shalt  }
0x5c: {  	_ =	shalt  }
0x5d: {  	_ =	shalt  }
0x5e: {  	_ =	shalt  }
0x5f: {  	_ =	shalt  }
0x60: {  	_ =	shalt  }
0x61: {  	_ =	shalt  }
0x62: {  	_ =	shalt  }
0x63: {  	_ =	shalt  }
0x64: {  	_ =	shalt  }
0x65: {  	_ =	shalt  }
0x66: {  	_ =	shalt  }
0x67: {  	_ =	shalt  }
0x68: {  	_ =	shalt  }
0x69: {  	_ =	shalt  }
0x6a: {  	_ =	shalt  }
0x6b: {  	_ =	shalt  }
0x6c: {  	_ =	shalt  }
0x6d: {  	_ =	shalt  }
0x6e: {  	_ =	shalt  }
0x6f: {  	_ =	shalt  }
0x70: {  	_ =	shalt  }
0x71: {  	_ =	shalt  }
0x72: {  	_ =	shalt  }
0x73: {  	_ =	shalt  }
0x74: {  	_ =	shalt  }
0x75: {  	_ =	shalt  }
0x76: {  	_ =	shalt  }
0x77: {  	_ =	shalt  }
0x78: {  	_ =	shalt  }
0x79: {  	_ =	shalt  }
0x7a: {  	_ =	shalt  }
0x7b: {  	_ =	shalt  }
0x7c: {  	_ =	shalt  }
0x7d: {  	_ =	shalt  }
0x7e: {  	_ =	shalt  }
0x7f: {  	_ =	shalt  }
0x80: {  	_ =	shalt  }
0x81: {  	_ =	shalt  }
0x82: {  	_ =	shalt  }
0x83: {  	_ =	shalt  }
0x84: {  	_ =	shalt  }
0x85: {  	_ =	shalt  }
0x86: {  	_ =	shalt  }
0x87: {  	_ =	shalt  }
.Lfunc_end0:
.L_simem_size_0:
called_computation_lowered:
.L_overlay_start_0:
0x88: {  	s2 =	sld [smem:$0x3FD9]  }
0x89: {  	s3 =	sld [smem:$0x3FFE];
	_ =	sdelay $0x1  }
0x8a: {  	s1 =	srdreg.scid  }
0x8b: {  	s0 =	sand.u32 $0x1, s1  }
0x8c: {  	s17 =	sshll.u32 s0, $0xA;
	s2 =	sadd.s32 s3, s2  }
0x8d: {  	s2 =	sadd.s32 s2, s17  }
0x8e: {  	[smem:$0x3FBE] =	sst s2  }
0x8f: {  	_ = 	snop  }
0x90: {  	s2 =	sld [smem:$0x3FD0];
	(tm) =	ssettm $0x1  }
0x91: {  	s18 =	sld [smem:$0x3FFB];
	_ =	sdelay $0x3  }
0x92: {  	_ =	strace s18  }
0x93: {  	s3 =	sld [smem:$0x3FFC];
	_ =	sdelay $0x3  }
0x94: {  	_ =	strace s3  }
0x95: {  	s3 =	sld [smem:$0x3FFD];
	_ =	sdelay $0x3  }
0x96: {  	_ =	strace s3  }
0x97: {  	_ =	strace $0x8FFFFFFF  }
0x98: {  	s19 =	sld [smem:$0x3FDB];
	_ =	sdelay $0x1  }
0x99: {  	s4 =	simm.s32 $_scs_section_size  }
0x9a: {  	s5 =	simm.s32 $_size__tile_overlayer_lowered;
	s6 =	simm.s32 $_tile_overlayer_lowered  }
0x9b: {  	s22 =	simm.s32 $0x1BFF;
	s21 =	sshll.u32 s6, $0x1;
	s3 =	sadd.s32 s4, s19  }
0x9c: {  	s7 =	simm.s32 $0x0;
	s20 =	sshll.u32 s5, $0x1;
	s5 =	sadd.s32 s21, s3  }
0x9d: {  	[timem:s7], [sflag:s22] =	dma.local [hbm:s5], s20  }
0x9e: {  	_ =	swait.ge [sflag:s22], s20  }
0x9f: {  	s4 =	ssub.s32 $0x0, s20;
	[sflag:s22] =	ssyncset.done $0x0  }
0xa0: {  	[sflag:s22] =	ssyncadd.s32 s4;
	_ =	sdelay $0x1  }
0xa1: {  	s23 =	simm.s32 $0x1B8B  }
0xa2: {  	_ =	swait.ge [sflag:s23], $0x1  }
0xa3: {  	[sflag:s23] =	ssyncset.done $0x0  }
0xa4: {  	s25 =	simm.s32 $0x1B8E;
	s24 =	sld [smem:$0x3FFE];
	[sflag:s23] =	ssyncadd.s32 $0xFFFFFFFF  }
0xa5: {  	s26 =	simm.s32 $execute0_lowered;
	[smem:$0x3FD2] =	sst s25  }
0xa6: {  	s5 =	sshll.u32 s26, $0x1;
	_ =	strace $0x80000046;
	[dreg:$0x1] =	wrdreg $0xFFFFFFFF  }
0xa7: {  	s28 =	simm.s32 $_size_execute0_lowered;
	s3 =	sadd.s32 s3, s5;
	[dreg:$0x0] =	wrdreg $0x0  }
0xa8: {  	s5 =	sshll.u32 s28, $0x1;
	[dreg:$0x2] =	wrdreg s3  }
0xa9: {  	[dreg:$0x3] =	wrdreg s5  }
0xaa: {  	[dreg:$0x4] =	wrdreg $0xC0  }
0xab: {  	_ =	task [dreg:s7], $0x5FFFF  }
0xac: {  	[dreg:$0x1] =	wrdreg $0xFFFFFFFF  }
0xad: {  	[dreg:$0x0] =	wrdreg $0x60  }
0xae: {  	[dreg:$0x2] =	wrdreg s24  }
0xaf: {  	[dreg:$0x3] =	wrdreg s2  }
0xb0: {  	[dreg:$0x4] =	wrdreg $0x9  }
0xb1: {  	_ =	task.clear_ibuf [dreg:s7], $0x5FFFF;
	_ =	strace $0x90000046  }
0xb2: {  	s29 =	simm.s32 $0x9;
	_ =	strace $0x80000048  }
0xb3: {  	_ =	swait.ge [sflag:s29], $0x1  }
0xb4: {  	[sflag:s29] =	ssyncadd.s32 $0xFFFFFFFF  }
0xb5: {  	_ =	strace $0x90000048  }
0xb6: {  	_ =	sfence  }
0xb7: {  	s30 =	sld [smem:$0x0];
	_ =	sdelay $0x2  }
0xb8: {  	s31 =	sshll.u32 s1, $0xD;
	s1 =	sshrl.u32 s1, $0x2  }
0xb9: {  	s3 =	sand.u32 $0x4000, s31;
	s1 =	sadd.s32 s1, s30  }
0xba: {  	s0 =	sor.u32 s3, s0;
	s1 =	sshll.u32 s1, $0x11  }
0xbb: {  	s0 =	sor.u32 s1, s0  }
0xbc: {  	s0 =	sadd.s32 $0x8F2B, s0  }
0xbd: {  	[sflag:s0] =	ssyncadd.remote.s32 $0x1  }
0xbe: {  	_ =	sfence.sel $0xFFFF  }
0xbf: {  	[dreg:$0x0] =	wrdreg $0xFFFFFFFF;
	(pc) =	sbr.abs _section_cstart, $3  }
0xc0: {  	[dreg:$0x1] =	wrdreg $0xFFFFFFFF  }
0xc1: {  	_ =	task.clear_ibuf [dreg:s7], $0x2FFFF;
	_ =	strace $0x9FFFFFFF  }
0xc2: {  	(tm) =	ssettm $0x7FFFFFFF  }
0xc3: {  	_ =	shalt  }
tec
execute0_lowered:
.L_overlay_start_1:
0x0: {  	(tag) =	ssettag $0x1  }
0x1: {  	s0 =	srdreg.scid  }
0x2: {  	s2 =	stileid.u32;
	s6 =	rddreg [dreg:$0x0];
	s28 =	simm.s32 $0x1  }
0x3: {  	s29 =	simm.s32 $0x9100;
	s1 =	sand.u32 $0x1, s0;
	s20 =	sshll.u32 s2, $0x1  }
0x4: {  	s30 =	simm.s32 $0x3;
	s31 =	simm.s32 $0x20;
	s5 =	sor.u32 s1, s20  }
0x5: {  	s0 =	rddreg [dreg:$0x1];
	s9 =	sadd.s32 $0x1600, s6;
	s21 =	smul.u32 $0x3002A, s5  }
0x6: {  	s22 =	sadd.s32 $0x5600, s6;
	s10 =	sadd.s32 $0x9600, s6;
	s3 =	smul.u32 $0xC004E, s5  }
0x7: {  	s24 =	sadd.s32 $0x9800, s6;
	s1 =	ssub.s32 $0x2, s1;
	s23 =	smul.u32 $0x5A0, s5  }
0x8: {  	s2 =	sshrl.u32 s21, $0x12;
	s4 =	sadd.s32 $0xBBC08, s3;
	s3 =	simm.s32 $0x0  }
0x9: {  	s4 =	sshrl.u32 s4, $0x14;
	s7 =	sadd.s32 $0x1, s2;
	[smem:$0x7FF] =	sst s3  }
0xa: {  	s7 =	smin.u32 s7, s4;
	_ =	strace $0x80000047;
	[dreg:$0x3] =	wrdreg s9  }
0xb: {  	p0 =	seq.s32 s5, $0x0;
	[dreg:$0x4] =	wrdreg s22;
	s8 =	smul.u32 $0xFFFFFFAB, s7  }
0xc: {  	[dreg:$0x5] =	wrdreg s10;
	s9 =	sshrl.u32 s23, $0x3;
	s26 =	smin.u32 s2, s4  }
0xd: {  	s6 =	sadd.s32 s9, s6;
	s9 =	smul.u32 $0xAB, s26;
	s25 =	sand.u32 $0xFE, s8  }
0xe: {  	s7 =	sand.u32 $0xFF, s7;
	s8 =	sshll.u32 s8, $0x7;
	s10 =	sshrl.u32 s25, $0x1  }
0xf: {  	[dreg:$0x6] =	wrdreg s24;
	s7 =	smul.u32 $0xAB, s7;
	s8 =	sor.u32 s8, s10  }
0x10: {  	s26 =	sadd.s32 $0xB080, s6;
	s11 =	sshrl.u32 s9, $0xA;
	s8 =	sand.u32 $0xFF, s8  }
0x11: {  	s9 =	smul.u32 $0x5A, s5;
	[dreg:$0x12] =	wrdreg s26;
	p1 =	sgt.u32 s8, $0x2A  }
0x12: {  	s7 =	sshrl.u32 s7, $0xA;
	s8 =	smul.u32 $0x780, s11;
	p0 =	por !p0, !p1  }
0x13: {  	s25 =	sadd.s32 $0x9A00, s6;
	s10 =	simm.s32 $0x1;
	p0 =	por !p0, !p0  }
0x14: {  	s11 =	sshrl.u32 s1, $0x1;
	s12 =	sshrl.u32 s8, $0x3;
	s10 =	simm.s32 @!p0 $0x0  }
0x15: {  	s1 =	ssub.s32 s1, s11;
	s7 =	ssub.s32 s7, s10;
	s10 =	sadd.s32 s0, s12  }
0x16: {  	[dreg:$0x11] =	wrdreg s25;
	s25 =	smax.u32 s1, $0x1;
	s14 =	sadd.s32 $0x3C0, s10  }
0x17: {  	s1 =	simm.s32 $0x80;
	s15 =	sadd.s32 $0x780, s10;
	[dreg:$0x7] =	wrdreg s14  }
0x18: {  	s12 =	simm.s32 $0x2380;
	s16 =	sadd.s32 $0xB40, s10;
	[dreg:$0x8] =	wrdreg s15  }
0x19: {  	s13 =	smul.u32 $0x780, s7;
	s17 =	sadd.s32 $0xF00, s10;
	[dreg:$0x9] =	wrdreg s16  }
0x1a: {  	s26 =	sadd.s32 $0x12C0, s10;
	[dreg:$0xa] =	wrdreg s17;
	s14 =	simm.s32 $0x2480  }
0x1b: {  	s15 =	simm.s32 $0x0;
	s18 =	sadd.s32 $0x1E00, s13;
	s19 =	sadd.s32 $0x3C00, s13  }
0x1c: {  	s20 =	sshrl.u32 s13, $0x3;
	s22 =	sadd.s32 $0x5A00, s13;
	s23 =	sadd.s32 $0x7800, s13  }
0x1d: {  	s5 =	sadd.s32 $0x9600, s13;
	s13 =	simm.s32 $0x2400;
	s7 =	sshrl.u32 s18, $0x3  }
0x1e: {  	s8 =	sshrl.u32 s19, $0x3;
	s11 =	sadd.s32 s0, s20;
	s5 =	sshrl.u32 s5, $0x3  }
0x1f: {  	[dreg:$0xb] =	wrdreg s11;
	s7 =	sadd.s32 s0, s7;
	s21 =	sadd.s32 s0, s8  }
0x20: {  	vm0 =	vcmask $0x1700;
	v0 =	vimm.s32 $0x200;
	s8 =	sshrl.u32 s23, $0x3;
	s23 =	sadd.s32 $0xC700, s6;
	[dreg:$0xc] =	wrdreg s7  }
0x21: {  	v1 =	vimm.s32 $0x500;
	vm1 =	vcmask $0x700;
	vm13 =	vcmask $0x1F08;
	s11 =	simm.s32 $0x2300;
	[dreg:$0xd] =	wrdreg s21;
	s7 =	sshrl.u32 s22, $0x3  }
0x22: {  	vm14 =	vcmask $0x2F18;
	v0 =	vsel vm0, $0x0, v0;
	v1 =	vsel vm1, $0x200, v1;
	s24 =	sadd.s32 s0, s8;
	s8 =	simm.s32 $0x2280;
	s7 =	sadd.s32 s0, s7  }
0x23: {  	vm15 =	vcmask $0x3720;
	v1 =	vsel vm13, $0x300, v1;
	v0 =	vsel vm14, $0x100, v0;
	[dreg:$0xf] =	wrdreg s24;
	s0 =	sadd.s32 s0, s5;
	s24 =	sadd.s32 $0xDE00, s6  }
0x24: {  	v63 =	vsel vm15, $0x400, v1;
	[tilespmem:$0x1FFE0] =	vst v0;
	s5 =	simm.s32 $0x2100;
	s6 =	simm.s32 $0x2180;
	[dreg:$0xe] =	wrdreg s7  }
0x25: {  	[tilespmem:$0x1FFF0] =	vst v63;
	[dreg:$0x10] =	wrdreg s0;
	s0 =	simm.s32 $0x2;
	s7 =	simm.s32 $0x2200  }
.LBB2_1:
0x26: {  	s16 =	simm.s32 $0x2500  }
0x27: {  	[tilespmem:s16], [sflag:$0x2] =	stream.linear.gather [hbm4b:s10+s3], $0x780, $0x38;
	[tilespmem:$0x9780] =	vst v63  }
0x28: {  	s20 =	rddreg [dreg:$0x7];
	s17 =	simm.s32 $0x2C80  }
0x29: {  	[tilespmem:s17], [sflag:$0x2] =	stream.linear.gather [hbm4b:s20+s3], $0x780, $0x38;
	[tilespmem:$0x9780] =	vst v63  }
0x2a: {  	s21 =	rddreg [dreg:$0x8];
	s22 =	simm.s32 $0x3400  }
0x2b: {  	[tilespmem:s22], [sflag:$0x2] =	stream.linear.gather [hbm4b:s21+s3], $0x780, $0x38;
	[tilespmem:$0x9780] =	vst v63  }
0x2c: {  	s18 =	rddreg [dreg:$0x9];
	s19 =	simm.s32 $0x3B80  }
0x2d: {  	[tilespmem:s19], [sflag:$0x2] =	stream.linear.gather [hbm4b:s18+s3], $0x780, $0x38;
	[tilespmem:$0x9780] =	vst v63  }
0x2e: {  	s20 =	rddreg [dreg:$0xa];
	s21 =	simm.s32 $0x4300  }
0x2f: {  	[tilespmem:s21], [sflag:$0x2] =	stream.linear.gather [hbm4b:s20+s3], $0x780, $0x38;
	[tilespmem:$0x9780] =	vst v63  }
0x30: {  	s22 =	simm.s32 $0x4A80  }
0x31: {  	[tilespmem:s22], [sflag:$0x2] =	stream.linear.gather [hbm4b:s26+s3], $0x780, $0x38;
	[tilespmem:$0x9780] =	vst v63  }
0x32: {  	s17 =	rddreg [dreg:$0xb];
	s18 =	simm.s32 $0x5200  }
0x33: {  	[tilespmem:s18], [sflag:$0x2] =	stream.linear.gather [hbm4b:s17+s3], $0x780, $0x38;
	[tilespmem:$0x9780] =	vst v63  }
0x34: {  	s19 =	rddreg [dreg:$0xc];
	s20 =	simm.s32 $0x5980  }
0x35: {  	[tilespmem:s20], [sflag:$0x2] =	stream.linear.gather [hbm4b:s19+s3], $0x780, $0x38;
	[tilespmem:$0x9780] =	vst v63  }
0x36: {  	s21 =	rddreg [dreg:$0xd];
	s22 =	simm.s32 $0x6100  }
0x37: {  	[tilespmem:s22], [sflag:$0x2] =	stream.linear.gather [hbm4b:s21+s3], $0x780, $0x38;
	[tilespmem:$0x9780] =	vst v63  }
0x38: {  	s17 =	rddreg [dreg:$0xe];
	s18 =	simm.s32 $0x6880  }
0x39: {  	[tilespmem:s18], [sflag:$0x2] =	stream.linear.gather [hbm4b:s17+s3], $0x780, $0x38;
	[tilespmem:$0x9780] =	vst v63  }
0x3a: {  	s19 =	rddreg [dreg:$0xf];
	s20 =	simm.s32 $0x7000  }
0x3b: {  	[tilespmem:s20], [sflag:$0x2] =	stream.linear.gather [hbm4b:s19+s3], $0x780, $0x38;
	[tilespmem:$0x9780] =	vst v63  }
0x3c: {  	s21 =	rddreg [dreg:$0x10];
	s22 =	simm.s32 $0x7780  }
0x3d: {  	[tilespmem:s22], [sflag:$0x2] =	stream.linear.gather [hbm4b:s21+s3], $0x780, $0x38;
	[tilespmem:$0x9780] =	vst v63  }
0x3e: {  	s18 =	rddreg [dreg:$0x11];
	s19 =	simm.s32 $0x7F00  }
0x3f: {  	[tilespmem:s19], [sflag:$0x2] =	stream.linear.gather [hbm4b:s18+s3], $0x5A0, $0x38;
	[tilespmem:$0x9780] =	vst v63  }
0x40: {  	s20 =	rddreg [dreg:$0x12];
	s21 =	simm.s32 $0x8500  }
0x41: {  	[tilespmem:s21], [sflag:$0x2] =	stream.linear.gather [hbm4b:s20+s3], $0x5A0, $0x38;
	[tilespmem:$0x9780] =	vst v63  }
0x42: {  	s22 =	simm.s32 $0x8B00  }
0x43: {  	[tilespmem:s22], [sflag:$0x2] =	stream.linear.gather [hbm4b:s23+s3], $0x5A0, $0x38;
	[tilespmem:$0x9780] =	vst v63  }
0x44: {  	s17 =	rddreg [dreg:$0x6]  }
0x45: {  	[tilespmem:s29], [sflag:$0x2] =	stream.linear.gather [hbm4b:s17+s3], $0x80, $0x38;
	[tilespmem:$0x9780] =	vst v63  }
0x46: {  	s18 =	rddreg [dreg:$0x5]  }
0x47: {  	[tilespmem:s3], [sflag:$0x3] =	stream.linear.gather [hbm4b:s18+s3], $0x80, $0x38;
	[tilespmem:$0x9780] =	vst v63  }
0x48: {  	_ =	swait.ge [sflag:s30], $0x80  }
0x49: {  	[sflag:s30] =	ssyncset.done $0x0;
	v0 =	vld [tilespmem:$0x1FFE0]  }
0x4a: {  	v62 =	vld [tilespmem:$0x1FFF0];
	[sflag:s30] =	ssyncadd.s32 $0xFFFFFF80  }
0x4b: {  	v3 =	vld [tilespmem:$0x0]  }
0x4c: {  	v4 =	vld [tilespmem:$0x10];
	_ =	sdelay $0x3  }
0x4d: {  	v3 =	vadd.s32 v0, v3  }
0x4e: {  	v4 =	vadd.s32 v62, v4;
	vm0 =	vlt.s32 v3, $0x3FF  }
0x4f: {  	vm15 =	vlt.s32 v4, $0x3FF;
	v3 =	vnsel vm0, $0x3FF, v3  }
0x50: {  	v63 =	vnsel vm15, $0x3FF, v4;
	[tilespmem:$0x80] =	vst v3  }
0x51: {  	s20 =	simm.s32 $0x100;
	s19 =	rddreg [dreg:$0x3];
	[tilespmem:$0x90] =	vst v63  }
0x52: {  	[tilespmem:s20], [sflag:$0x1] =	stream.indirect.gather [hbm4b:s19+s31], $0x80, s1, s31, $0xb8;
	[tilespmem:$0x9780] =	vst v63  }
0x53: {  	s22 =	simm.s32 $0x1100;
	s21 =	rddreg [dreg:$0x4]  }
0x54: {  	[tilespmem:s22], [sflag:$0x1] =	stream.indirect.gather [hbm4b:s21+s31], $0x80, s1, s31, $0xb8;
	[tilespmem:$0x9780] =	vst v63  }
0x55: {  	_ =	swait.ge [sflag:s28], $0x1000  }
0x56: {  	[sflag:s28] =	ssyncset.done $0x0  }
0x57: {  	[sflag:s28] =	ssyncadd.s32 $0xFFFFF000  }
0x58: {  	_ =	swait.ge [sflag:s28], $0x1000  }
0x59: {  	[sflag:s28] =	ssyncset.done $0x0  }
0x5a: {  	p0 =	por $0x1, $0x1;
	s16 =	simm.s32 $0x0;
	[sflag:s28] =	ssyncadd.s32 $0xFFFFF000  }
.LBB2_2:
0x5b: {  	s17 =	sadd.s32 s2, s16  }
0x5c: {  	s18 =	smov.u32 s4;
	p1 =	slt.s32 s17, s4  }
0x5d: {  	s18 =	smov.u32 @p1 s17  }
0x5e: {  	s17 =	sshll.u32 s18, $0x7  }
0x5f: {  	v3 =	vld [tilespmem:s17+$0x100]  }
0x60: {  	v4 =	vld [tilespmem:s17+$0x101]  }
0x61: {  	v5 =	vld [tilespmem:s17+$0x1100]  }
0x62: {  	v6 =	vld [tilespmem:s17+$0x1101];
	_ =	sdelay $0x4  }
0x63: {  	v4 =	vsub.f32 v4, v3;
	v6 =	vsub.f32 v6, v5;
	_ =	sdelay $0x1  }
0x64: {  	v7 =	vmul.f32 v4, v4;
	v8 =	vmul.f32 v6, v6;
	_ =	sdelay $0x1  }
0x65: {  	v7 =	vadd.f32 v8, v7;
	_ =	sdelay $0x1  }
0x66: {  	v7 =	vmax.f32 v7, $9.999999930e-09  }
0x67: {  	v26 =	vshrl.u32 v7, $0x1;
	v9 =	vmul.f32 $5.000000000e-01, v7  }
0x68: {  	v8 =	vsub.s32 $0x5F3759DF, v26  }
0x69: {  	v10 =	vmul.f32 v8, v9;
	_ =	sdelay $0x1  }
0x6a: {  	v10 =	vmul.f32 v8, v10;
	_ =	sdelay $0x1  }
0x6b: {  	v10 =	vsub.f32 $1.500000000e+00, v10;
	_ =	sdelay $0x1  }
0x6c: {  	v8 =	vmul.f32 v8, v10;
	_ =	sdelay $0x1  }
0x6d: {  	v10 =	vmul.f32 v8, v9;
	_ =	sdelay $0x1  }
0x6e: {  	v10 =	vmul.f32 v10, v8;
	_ =	sdelay $0x1  }
0x6f: {  	v10 =	vsub.f32 $1.500000000e+00, v10;
	_ =	sdelay $0x1  }
0x70: {  	v8 =	vmul.f32 v10, v8;
	_ =	sdelay $0x1  }
0x71: {  	v9 =	vmul.f32 v8, v9;
	_ =	sdelay $0x1  }
0x72: {  	v9 =	vmul.f32 v9, v8;
	_ =	sdelay $0x1  }
0x73: {  	v9 =	vsub.f32 $1.500000000e+00, v9;
	_ =	sdelay $0x1  }
0x74: {  	v8 =	vmul.f32 v9, v8;
	_ =	sdelay $0x1  }
0x75: {  	v8 =	vmul.f32 v8, v7;
	_ =	sdelay $0x1  }
0x76: {  	(xrf2) =	vadd.scan.msk.f32 $0xffff, v8;
	_ =	sdelay $0x1  }
0x77: {  	(erf) = vrcp.f32 v7  }
0x78: {  	v27 =	vmax.f32 v8, $9.999999930e-09  }
0x79: {  	(erf) = vrcp.f32 v27;
	_ =	sdelay $0x2  }
0x7a: {  	s20 =	sshll.u32 s16, $0x6  }
0x7b: {  	[tilespmem:s20+$0x2100] =	vst v3  }
0x7c: {  	[tilespmem:s20+$0x2180] =	vst v5  }
0x7d: {  	[tilespmem:s20+$0x2200] =	vst v4;
	v28, _, _ =	vpop (xrf2)  }
0x7e: {  	[tilespmem:s20+$0x2280] =	vst v6;
	v30 =	vpop (erf);
	v29 =	vadd.f32 $0.0e+00, v28  }
0x7f: {  	[tilespmem:s20+$0x2300] =	vst v30  }
0x80: {  	[tilespmem:s20+$0x2380] =	vst v8;
	v31 =	vpop (erf);
	v4 =	vsub.f32 v29, v8  }
0x81: {  	[tilespmem:s20+$0x2480] =	vst v31  }
0x82: {  	[tilespmem:s20+$0x2400] =	vst v4  }
0x83: {  	v4 =	vld [tilespmem:s17+$0x110]  }
0x84: {  	v5 =	vld [tilespmem:s17+$0x111]  }
0x85: {  	v6 =	vld [tilespmem:s17+$0x1110]  }
0x86: {  	v32 =	vld [tilespmem:s17+$0x1111];
	_ =	sdelay $0x4  }
0x87: {  	v5 =	vsub.f32 v5, v4;
	v7 =	vsub.f32 v32, v6;
	_ =	sdelay $0x1  }
0x88: {  	v33 =	vmul.f32 v5, v5;
	v34 =	vmul.f32 v7, v7;
	_ =	sdelay $0x1  }
0x89: {  	v8 =	vadd.f32 v34, v33;
	_ =	sdelay $0x1  }
0x8a: {  	v8 =	vmax.f32 v8, $9.999999930e-09  }
0x8b: {  	v35 =	vshrl.u32 v8, $0x1;
	v36 =	vmul.f32 $5.000000000e-01, v8  }
0x8c: {  	v9 =	vsub.s32 $0x5F3759DF, v35  }
0x8d: {  	v11 =	vmul.f32 v9, v36;
	_ =	sdelay $0x1  }
0x8e: {  	v11 =	vmul.f32 v9, v11;
	_ =	sdelay $0x1  }
0x8f: {  	v11 =	vsub.f32 $1.500000000e+00, v11;
	_ =	sdelay $0x1  }
0x90: {  	v9 =	vmul.f32 v9, v11;
	_ =	sdelay $0x1  }
0x91: {  	v11 =	vmul.f32 v9, v36;
	_ =	sdelay $0x1  }
0x92: {  	v11 =	vmul.f32 v11, v9;
	_ =	sdelay $0x1  }
0x93: {  	v11 =	vsub.f32 $1.500000000e+00, v11;
	_ =	sdelay $0x1  }
0x94: {  	v9 =	vmul.f32 v11, v9;
	_ =	sdelay $0x1  }
0x95: {  	v10 =	vmul.f32 v9, v36;
	_ =	sdelay $0x1  }
0x96: {  	v10 =	vmul.f32 v10, v9  }
0x97: {  	(v2sf) =	vpush v28, $0xF  }
0x98: {  	v37 =	vsub.f32 $1.500000000e+00, v10;
	_ =	sdelay $0x1  }
0x99: {  	v3 =	vmul.f32 v37, v9;
	_ =	sdelay $0x1  }
0x9a: {  	v3 =	vmul.f32 v3, v8;
	_ =	sdelay $0x1  }
0x9b: {  	(xrf2) =	vadd.scan.msk.f32 $0xffff, v3;
	_ =	sdelay $0x1  }
0x9c: {  	(erf) = vrcp.f32 v8  }
0x9d: {  	v38 =	vmax.f32 v3, $9.999999930e-09  }
0x9e: {  	(erf) = vrcp.f32 v38;
	_ =	sdelay $0x3  }
0x9f: {  	[tilespmem:s20+$0x2110] =	vst v4;
	s21 =	spop (v2sf)  }
0xa0: {  	[tilespmem:s20+$0x2190] =	vst v6;
	s18 =	sadd.f32 $0.0e+00, s21  }
0xa1: {  	[tilespmem:s20+$0x2210] =	vst v5;
	v39, _, _ =	vpop (xrf2)  }
0xa2: {  	[tilespmem:s20+$0x2290] =	vst v7;
	v41 =	vpop (erf);
	v40 =	vadd.f32 s18, v39  }
0xa3: {  	[tilespmem:s20+$0x2310] =	vst v41  }
0xa4: {  	[tilespmem:s20+$0x2390] =	vst v3;
	v42 =	vpop (erf);
	v5 =	vsub.f32 v40, v3  }
0xa5: {  	[tilespmem:s20+$0x2490] =	vst v42  }
0xa6: {  	[tilespmem:s20+$0x2410] =	vst v5  }
0xa7: {  	v3 =	vld [tilespmem:s17+$0x120]  }
0xa8: {  	v5 =	vld [tilespmem:s17+$0x121]  }
0xa9: {  	v6 =	vld [tilespmem:s17+$0x1120]  }
0xaa: {  	v7 =	vld [tilespmem:s17+$0x1121];
	_ =	sdelay $0x4  }
0xab: {  	v5 =	vsub.f32 v5, v3;
	v7 =	vsub.f32 v7, v6;
	_ =	sdelay $0x1  }
0xac: {  	v43 =	vmul.f32 v5, v5;
	v44 =	vmul.f32 v7, v7;
	_ =	sdelay $0x1  }
0xad: {  	v8 =	vadd.f32 v44, v43;
	_ =	sdelay $0x1  }
0xae: {  	v8 =	vmax.f32 v8, $9.999999930e-09  }
0xaf: {  	v45 =	vshrl.u32 v8, $0x1;
	v46 =	vmul.f32 $5.000000000e-01, v8  }
0xb0: {  	v9 =	vsub.s32 $0x5F3759DF, v45  }
0xb1: {  	v47 =	vmul.f32 v9, v46;
	_ =	sdelay $0x1  }
0xb2: {  	v11 =	vmul.f32 v9, v47;
	_ =	sdelay $0x1  }
0xb3: {  	v11 =	vsub.f32 $1.500000000e+00, v11;
	_ =	sdelay $0x1  }
0xb4: {  	v9 =	vmul.f32 v9, v11;
	_ =	sdelay $0x1  }
0xb5: {  	v11 =	vmul.f32 v9, v46;
	_ =	sdelay $0x1  }
0xb6: {  	v11 =	vmul.f32 v11, v9;
	_ =	sdelay $0x1  }
0xb7: {  	v11 =	vsub.f32 $1.500000000e+00, v11;
	_ =	sdelay $0x1  }
0xb8: {  	v9 =	vmul.f32 v11, v9;
	_ =	sdelay $0x1  }
0xb9: {  	v10 =	vmul.f32 v9, v46;
	_ =	sdelay $0x1  }
0xba: {  	v10 =	vmul.f32 v10, v9  }
0xbb: {  	(v2sf) =	vpush v39, $0xF  }
0xbc: {  	v48 =	vsub.f32 $1.500000000e+00, v10;
	_ =	sdelay $0x1  }
0xbd: {  	v4 =	vmul.f32 v48, v9;
	_ =	sdelay $0x1  }
0xbe: {  	v4 =	vmul.f32 v4, v8;
	_ =	sdelay $0x1  }
0xbf: {  	(xrf2) =	vadd.scan.msk.f32 $0xffff, v4;
	_ =	sdelay $0x1  }
0xc0: {  	(erf) = vrcp.f32 v8  }
0xc1: {  	v49 =	vmax.f32 v4, $9.999999930e-09  }
0xc2: {  	(erf) = vrcp.f32 v49;
	_ =	sdelay $0x3  }
0xc3: {  	[tilespmem:s20+$0x2120] =	vst v3;
	s19 =	spop (v2sf)  }
0xc4: {  	[tilespmem:s20+$0x21A0] =	vst v6;
	s18 =	sadd.f32 s19, s18  }
0xc5: {  	[tilespmem:s20+$0x2220] =	vst v5;
	v50, _, _ =	vpop (xrf2)  }
0xc6: {  	[tilespmem:s20+$0x22A0] =	vst v7;
	v52 =	vpop (erf);
	v51 =	vadd.f32 s18, v50  }
0xc7: {  	[tilespmem:s20+$0x2320] =	vst v52  }
0xc8: {  	[tilespmem:s20+$0x23A0] =	vst v4;
	v53 =	vpop (erf);
	v5 =	vsub.f32 v51, v4  }
0xc9: {  	[tilespmem:s20+$0x24A0] =	vst v53  }
0xca: {  	[tilespmem:s20+$0x2420] =	vst v5  }
0xcb: {  	v4 =	vld [tilespmem:s17+$0x130]  }
0xcc: {  	v5 =	vld [tilespmem:s17+$0x131]  }
0xcd: {  	v6 =	vld [tilespmem:s17+$0x1130]  }
0xce: {  	v7 =	vld [tilespmem:s17+$0x1131];
	_ =	sdelay $0x4  }
0xcf: {  	v5 =	vsub.f32 v5, v4;
	v7 =	vsub.f32 v7, v6;
	_ =	sdelay $0x1  }
0xd0: {  	v54 =	vmul.f32 v5, v5;
	v55 =	vmul.f32 v7, v7;
	_ =	sdelay $0x1  }
0xd1: {  	v8 =	vadd.f32 v55, v54;
	_ =	sdelay $0x1  }
0xd2: {  	v8 =	vmax.f32 v8, $9.999999930e-09  }
0xd3: {  	v56 =	vshrl.u32 v8, $0x1;
	v57 =	vmul.f32 $5.000000000e-01, v8  }
0xd4: {  	v9 =	vsub.s32 $0x5F3759DF, v56  }
0xd5: {  	v58 =	vmul.f32 v9, v57;
	_ =	sdelay $0x1  }
0xd6: {  	v11 =	vmul.f32 v9, v58;
	_ =	sdelay $0x1  }
0xd7: {  	v11 =	vsub.f32 $1.500000000e+00, v11;
	_ =	sdelay $0x1  }
0xd8: {  	v9 =	vmul.f32 v9, v11;
	_ =	sdelay $0x1  }
0xd9: {  	v11 =	vmul.f32 v9, v57;
	_ =	sdelay $0x1  }
0xda: {  	v11 =	vmul.f32 v11, v9;
	_ =	sdelay $0x1  }
0xdb: {  	v11 =	vsub.f32 $1.500000000e+00, v11;
	_ =	sdelay $0x1  }
0xdc: {  	v9 =	vmul.f32 v11, v9;
	_ =	sdelay $0x1  }
0xdd: {  	v10 =	vmul.f32 v9, v57;
	_ =	sdelay $0x1  }
0xde: {  	v10 =	vmul.f32 v10, v9  }
0xdf: {  	(v2sf) =	vpush v50, $0xF  }
0xe0: {  	v59 =	vsub.f32 $1.500000000e+00, v10;
	_ =	sdelay $0x1  }
0xe1: {  	v3 =	vmul.f32 v59, v9;
	_ =	sdelay $0x1  }
0xe2: {  	v3 =	vmul.f32 v3, v8;
	_ =	sdelay $0x1  }
0xe3: {  	(xrf2) =	vadd.scan.msk.f32 $0xffff, v3;
	_ =	sdelay $0x1  }
0xe4: {  	(erf) = vrcp.f32 v8  }
0xe5: {  	v60 =	vmax.f32 v3, $9.999999930e-09  }
0xe6: {  	(erf) = vrcp.f32 v60;
	_ =	sdelay $0x3  }
0xe7: {  	[tilespmem:s20+$0x2130] =	vst v4;
	s22 =	spop (v2sf)  }
0xe8: {  	[tilespmem:s20+$0x21B0] =	vst v6;
	s17 =	sadd.f32 s22, s18  }
0xe9: {  	p1 =	por p0, p0;
	[tilespmem:s20+$0x2230] =	vst v5;
	v61, _, _ =	vpop (xrf2)  }
.Ltmp0:
0xea: {  	[tilespmem:s20+$0x22B0] =	vst v7;
	v62 =	vpop (erf);
	v4 =	vadd.f32 s17, v61;
	(pc) =	sbr.rel @p1 .LBB2_2-.Ltmp0, $4  }
0xeb: {  	[tilespmem:s20+$0x2330] =	vst v62  }
0xec: {  	[tilespmem:s20+$0x23B0] =	vst v3;
	v63 =	vpop (erf);
	v4 =	vsub.f32 v4, v3  }
0xed: {  	[tilespmem:s20+$0x24B0] =	vst v63  }
0xee: {  	s16 =	simm.s32 $0x1;
	p0 =	por $0x0, $0x0;
	[tilespmem:s20+$0x2430] =	vst v4  }
0xef: {  	_ =	swait.ge [sflag:s0], $0x780  }
0xf0: {  	[sflag:s0] =	ssyncset.done $0x0  }
0xf1: {  	[sflag:s0] =	ssyncadd.s32 $0xFFFFF880  }
0xf2: {  	_ =	swait.ge [sflag:s0], $0x780  }
0xf3: {  	[sflag:s0] =	ssyncset.done $0x0  }
0xf4: {  	[sflag:s0] =	ssyncadd.s32 $0xFFFFF880  }
0xf5: {  	_ =	swait.ge [sflag:s0], $0x780  }
0xf6: {  	[sflag:s0] =	ssyncset.done $0x0  }
0xf7: {  	[sflag:s0] =	ssyncadd.s32 $0xFFFFF880  }
0xf8: {  	_ =	swait.ge [sflag:s0], $0x780  }
0xf9: {  	[sflag:s0] =	ssyncset.done $0x0  }
0xfa: {  	[sflag:s0] =	ssyncadd.s32 $0xFFFFF880  }
0xfb: {  	_ =	swait.ge [sflag:s0], $0x780  }
0xfc: {  	[sflag:s0] =	ssyncset.done $0x0  }
0xfd: {  	[sflag:s0] =	ssyncadd.s32 $0xFFFFF880  }
0xfe: {  	_ =	swait.ge [sflag:s0], $0x780  }
0xff: {  	[sflag:s0] =	ssyncset.done $0x0  }
0x100: {  	[sflag:s0] =	ssyncadd.s32 $0xFFFFF880  }
0x101: {  	_ =	swait.ge [sflag:s0], $0x780  }
0x102: {  	[sflag:s0] =	ssyncset.done $0x0  }
0x103: {  	[sflag:s0] =	ssyncadd.s32 $0xFFFFF880  }
0x104: {  	_ =	swait.ge [sflag:s0], $0x780  }
0x105: {  	[sflag:s0] =	ssyncset.done $0x0  }
0x106: {  	[sflag:s0] =	ssyncadd.s32 $0xFFFFF880  }
0x107: {  	_ =	swait.ge [sflag:s0], $0x780  }
0x108: {  	[sflag:s0] =	ssyncset.done $0x0  }
0x109: {  	[sflag:s0] =	ssyncadd.s32 $0xFFFFF880  }
0x10a: {  	_ =	swait.ge [sflag:s0], $0x780  }
0x10b: {  	[sflag:s0] =	ssyncset.done $0x0  }
0x10c: {  	[sflag:s0] =	ssyncadd.s32 $0xFFFFF880  }
0x10d: {  	_ =	swait.ge [sflag:s0], $0x780  }
0x10e: {  	[sflag:s0] =	ssyncset.done $0x0  }
0x10f: {  	[sflag:s0] =	ssyncadd.s32 $0xFFFFF880  }
0x110: {  	_ =	swait.ge [sflag:s0], $0x780  }
0x111: {  	[sflag:s0] =	ssyncset.done $0x0  }
0x112: {  	[sflag:s0] =	ssyncadd.s32 $0xFFFFF880  }
0x113: {  	_ =	swait.ge [sflag:s0], $0x5A0  }
0x114: {  	[sflag:s0] =	ssyncset.done $0x0  }
0x115: {  	[sflag:s0] =	ssyncadd.s32 $0xFFFFFA60  }
0x116: {  	_ =	swait.ge [sflag:s0], $0x5A0  }
0x117: {  	[sflag:s0] =	ssyncset.done $0x0  }
0x118: {  	[sflag:s0] =	ssyncadd.s32 $0xFFFFFA60  }
0x119: {  	_ =	swait.ge [sflag:s0], $0x5A0  }
0x11a: {  	[sflag:s0] =	ssyncset.done $0x0  }
0x11b: {  	[sflag:s0] =	ssyncadd.s32 $0xFFFFFA60  }
0x11c: {  	_ =	swait.ge [sflag:s0], $0x80  }
0x11d: {  	[sflag:s0] =	ssyncset.done $0x0  }
0x11e: {  	s16 =	simm.s32 $0x0;
	[sflag:s0] =	ssyncadd.s32 $0xFFFFFF80  }
.LBB2_4:
0x11f: {  	s17 =	sshll.u32 s16, $0x1  }
0x120: {  	s18 =	sadd.s32 s9, s17  }
0x121: {  	s17 =	smulhi.u32 $0x88888889, s18;
	_ =	sdelay $0x1  }
0x122: {  	s17 =	sshrl.u32 s17, $0x6  }
0x123: {  	s19 =	smul.u32 $0xFFFFF88, s17  }
0x124: {  	s21 =	ssub.s32 s17, s2  }
0x125: {  	s20 =	smul.u32 $0x2D00, s21;
	s19 =	sadd.s32 s18, s19  }
0x126: {  	s22 =	sshll.u32 s19, $0x4  }
0x127: {  	s19 =	sadd.s32 s20, s22  }
0x128: {  	v0 =	vld [tilespmem:s19+$0x2C90]  }
0x129: {  	s22 =	sand.u32 $0x60, s22;
	s20 =	sand.u32 $0xFFFFFF80, s19;
	v9 =	vld [tilespmem:s19+$0x3410]  }
0x12a: {  	s21 =	sshll.u32 s21, $0x6;
	v10 =	vld [tilespmem:s19+$0x3B90];
	s20 =	sor.u32 s22, s20  }
0x12b: {  	v4 =	vmov s21;
	v8 =	vld [tilespmem:s20+$0x2500]  }
0x12c: {  	v7 =	vld [tilespmem:s20+$0x2C80]  }
0x12d: {  	v14 =	vadd.s32 $0x2, v4;
	v5 =	vld [tilespmem:s20+$0x3400]  }
0x12e: {  	v6 =	vld [tilespmem:s20+$0x3B80]  }
0x12f: {  	v1 =	vld [tilespmem:s20+$0x2510]  }
0x130: {  	v17 =	vadd.s32 $0x1, v4;
	v15 =	vld.idx.msk [tilespmem:v4+s5+$0x0], $0xffff  }
0x131: {  	v16 =	vld.idx.msk [tilespmem:v4+s6+$0x0], $0xffff  }
0x132: {  	v18 =	vld.idx.msk [tilespmem:v14+s5+$0x0], $0xffff  }
0x133: {  	v63 =	vld.idx.msk [tilespmem:v14+s6+$0x0], $0xffff  }
0x134: {  	v3 =	vadd.f32 v10, v0;
	v5 =	vadd.f32 v5, v8  }
0x135: {  	v27 =	vld.idx.msk [tilespmem:v17+s5+$0x0], $0xffff;
	v13 =	vadd.f32 v6, v7;
	v2 =	vadd.f32 v9, v1  }
0x136: {  	v28 =	vld.idx.msk [tilespmem:v17+s6+$0x0], $0xffff;
	v19 =	vsub.f32 v8, v15;
	v20 =	vsub.f32 v7, v16  }
0x137: {  	v21 =	vld.idx.msk [tilespmem:v4+s8+$0x0], $0xffff;
	v24 =	vsub.f32 v1, v15;
	v25 =	vsub.f32 v0, v16  }
0x138: {  	v26 =	vld.idx.msk [tilespmem:v14+s7+$0x0], $0xffff;
	v29 =	vsub.f32 v8, v18;
	v30 =	vsub.f32 v7, v63  }
0x139: {  	v10 =	vld.idx.msk [tilespmem:v4+s7+$0x0], $0xffff;
	v35 =	vsub.f32 v1, v18;
	v36 =	vsub.f32 v0, v63  }
0x13a: {  	v31 =	vld.idx.msk [tilespmem:v14+s8+$0x0], $0xffff;
	v9 =	vsub.f32 v3, v63;
	v44 =	vsub.f32 v8, v27  }
0x13b: {  	v47 =	vsub.f32 v7, v28;
	v56 =	vsub.f32 v1, v27  }
0x13c: {  	v41 =	vld.idx.msk [tilespmem:v17+s7+$0x0], $0xffff;
	v60 =	vsub.f32 v0, v28;
	v22 =	vsub.f32 v5, v15  }
0x13d: {  	v46 =	vld.idx.msk [tilespmem:v17+s8+$0x0], $0xffff;
	v23 =	vsub.f32 v13, v16;
	v37 =	vmul.f32 v21, v20;
	v42 =	vmul.f32 v21, v25  }
0x13e: {  	v15 =	vsub.f32 v2, v15;
	v34 =	vmul.f32 v10, v19;
	v40 =	vmul.f32 v10, v24  }
0x13f: {  	v16 =	vsub.f32 v3, v16;
	v48 =	vmul.f32 v26, v29;
	v49 =	vmul.f32 v31, v30  }
0x140: {  	[tilespmem:$0x1FF60] =	vst v0;
	v32 =	vsub.f32 v5, v18;
	v54 =	vmul.f32 v26, v35;
	v55 =	vmul.f32 v31, v36  }
0x141: {  	[tilespmem:$0x1FF30] =	vst v7;
	v33 =	vsub.f32 v13, v63;
	v58 =	vmul.f32 v41, v44;
	v0 =	vmul.f32 v31, v9  }
0x142: {  	[tilespmem:$0x1FF50] =	vst v1;
	v18 =	vsub.f32 v2, v18;
	v1 =	vmul.f32 v46, v47;
	v7 =	vmul.f32 v41, v56  }
0x143: {  	[tilespmem:$0x1FF20] =	vst v8;
	v50 =	vsub.f32 v5, v27;
	v8 =	vmul.f32 v46, v60;
	v38 =	vmul.f32 v10, v22  }
0x144: {  	v53 =	vsub.f32 v13, v28;
	v39 =	vmul.f32 v21, v23;
	v43 =	vmul.f32 v10, v15  }
0x145: {  	v59 =	vld.idx.msk [tilespmem:v4+s11+$0x0], $0xffff;
	v27 =	vsub.f32 v2, v27;
	v45 =	vmul.f32 v21, v16;
	v51 =	vmul.f32 v26, v32  }
0x146: {  	v14 =	vld.idx.msk [tilespmem:v14+s11+$0x0], $0xffff;
	v28 =	vsub.f32 v3, v28;
	v52 =	vmul.f32 v31, v33;
	v57 =	vmul.f32 v26, v18  }
0x147: {  	[tilespmem:$0x1FF40] =	vst v5;
	v5 =	vmul.f32 v41, v50;
	v34 =	vadd.f32 v37, v34;
	v40 =	vadd.f32 v42, v40  }
0x148: {  	v17 =	vld.idx.msk [tilespmem:v17+s11+$0x0], $0xffff;
	v6 =	vmul.f32 v46, v53;
	v48 =	vadd.f32 v49, v48;
	v54 =	vadd.f32 v55, v54  }
0x149: {  	v11 =	vmul.f32 v41, v27;
	v49 =	vadd.f32 v8, v7;
	v38 =	vadd.f32 v39, v38  }
0x14a: {  	v61 =	vmul.f32 v46, v28;
	v43 =	vadd.f32 v45, v43;
	v51 =	vadd.f32 v52, v51  }
0x14b: {  	v37 =	vadd.f32 v0, v57;
	v34 =	vmul.f32 v34, v59;
	v40 =	vmul.f32 v40, v59  }
0x14c: {  	v39 =	vadd.f32 v1, v58;
	v62 =	vmul.f32 v48, v14;
	v0 =	vmul.f32 v54, v14  }
0x14d: {  	[tilespmem:$0x1FF80] =	vst v3;
	v42 =	vadd.f32 v6, v5;
	v3 =	vmul.f32 v49, v17;
	v38 =	vmul.f32 v38, v59  }
0x14e: {  	v1 =	vadd.f32 v61, v11;
	v43 =	vmul.f32 v43, v59;
	v63 =	vmul.f32 v51, v14  }
0x14f: {  	v39 =	vmul.f32 v39, v17;
	v14 =	vmul.f32 v37, v14  }
0x150: {  	[tilespmem:$0x1FF70] =	vst v2;
	v2 =	vmul.f32 v42, v17;
	v17 =	vmul.f32 v1, v17;
	v34 =	vmax.f32 v34, $0.0e+00  }
0x151: {  	v40 =	vmax.f32 v40, $0.0e+00;
	v45 =	vmax.f32 v62, $0.0e+00;
	v51 =	vmax.f32 v0, $0.0e+00  }
0x152: {  	v58 =	vmax.f32 v3, $0.0e+00;
	v38 =	vmax.f32 v38, $0.0e+00;
	v34 =	vmin.f32 v34, $1.000000000e+00  }
0x153: {  	v43 =	vmax.f32 v43, $0.0e+00;
	v40 =	vmin.f32 v40, $1.000000000e+00;
	v49 =	vmax.f32 v63, $0.0e+00  }
0x154: {  	v14 =	vmax.f32 v14, $0.0e+00;
	v57 =	vmax.f32 v2, $0.0e+00;
	v17 =	vmax.f32 v17, $0.0e+00  }
0x155: {  	v38 =	vmin.f32 v38, $1.000000000e+00;
	v5 =	vmul.f32 v34, v10;
	v34 =	vmul.f32 v34, v21  }
0x156: {  	v43 =	vmin.f32 v43, $1.000000000e+00;
	v7 =	vmul.f32 v40, v10;
	v40 =	vmul.f32 v40, v21  }
0x157: {  	v14 =	vmin.f32 v14, $1.000000000e+00;
	v6 =	vmul.f32 v38, v10;
	v38 =	vmul.f32 v38, v21  }
0x158: {  	v17 =	vmin.f32 v17, $1.000000000e+00;
	v10 =	vmul.f32 v43, v10;
	v21 =	vmul.f32 v43, v21  }
0x159: {  	v43 =	vmin.f32 v51, $1.000000000e+00;
	v0 =	vmul.f32 v17, v41;
	v19 =	vsub.f32 v19, v5  }
0x15a: {  	v17 =	vmul.f32 v17, v46;
	v20 =	vsub.f32 v20, v34;
	v24 =	vsub.f32 v24, v7  }
0x15b: {  	v34 =	vmin.f32 v45, $1.000000000e+00;
	v25 =	vsub.f32 v25, v40;
	v54 =	vmul.f32 v43, v31  }
0x15c: {  	v22 =	vsub.f32 v22, v6;
	v23 =	vsub.f32 v23, v38;
	v38 =	vmin.f32 v49, $1.000000000e+00  }
0x15d: {  	v52 =	vmul.f32 v34, v26;
	v34 =	vmul.f32 v34, v31;
	v10 =	vsub.f32 v15, v10  }
0x15e: {  	v16 =	vsub.f32 v16, v21;
	v21 =	vmul.f32 v43, v26;
	v15 =	vmul.f32 v38, v26  }
0x15f: {  	v7 =	vsub.f32 v27, v0;
	v38 =	vmul.f32 v38, v31;
	v26 =	vmul.f32 v14, v26  }
0x160: {  	v14 =	vmul.f32 v14, v31;
	v59 =	vsub.f32 v36, v54;
	v61 =	vmul.f32 v19, v19  }
0x161: {  	v20 =	vmul.f32 v20, v20;
	v24 =	vmul.f32 v24, v24;
	v29 =	vsub.f32 v29, v52  }
0x162: {  	v25 =	vmul.f32 v25, v25;
	v30 =	vsub.f32 v30, v34;
	v55 =	vsub.f32 v35, v21  }
0x163: {  	v21 =	vmax.f32 v39, $0.0e+00;
	v62 =	vmul.f32 v22, v22;
	v23 =	vmul.f32 v23, v23  }
0x164: {  	v34 =	vmin.f32 v58, $1.000000000e+00;
	v10 =	vmul.f32 v10, v10;
	v5 =	vmul.f32 v16, v16  }
0x165: {  	v22 =	vadd.s32 $0x3, v4;
	v15 =	vsub.f32 v32, v15;
	v31 =	vsub.f32 v33, v38  }
0x166: {  	v21 =	vmin.f32 v21, $1.000000000e+00;
	v9 =	vsub.f32 v9, v14;
	v14 =	vmul.f32 v34, v41  }
0x167: {  	v33 =	vmin.f32 v57, $1.000000000e+00;
	v34 =	vmul.f32 v34, v46;
	v57 =	vmul.f32 v59, v59  }
0x168: {  	v26 =	vsub.f32 v18, v26;
	v63 =	vmul.f32 v21, v41;
	v21 =	vmul.f32 v21, v46  }
0x169: {  	v32 =	vadd.f32 v20, v61;
	v18 =	vmul.f32 v33, v41;
	v33 =	vmul.f32 v33, v46  }
0x16a: {  	v27 =	vadd.f32 v25, v24;
	v6 =	vmul.f32 v29, v29;
	v8 =	vmul.f32 v30, v30  }
0x16b: {  	v11 =	vmul.f32 v55, v55;
	v30 =	vmul.f32 v7, v7;
	v14 =	vsub.f32 v56, v14  }
0x16c: {  	v56 =	vsub.f32 v28, v17;
	v58 =	vmul.f32 v26, v26;
	v26 =	vadd.f32 v5, v10  }
0x16d: {  	v61 =	vld [tilespmem:s20+$0x4A80];
	v15 =	vmul.f32 v15, v15;
	v36 =	vsub.f32 v44, v63;
	v1 =	vsub.f32 v47, v21  }
0x16e: {  	v31 =	vmul.f32 v31, v31;
	v2 =	vsub.f32 v50, v18;
	v63 =	vsub.f32 v60, v34;
	v60 =	vld [tilespmem:s20+$0x4300]  }
0x16f: {  	v59 =	vmul.f32 v9, v9;
	v3 =	vsub.f32 v53, v33;
	v34 =	vadd.f32 v23, v62;
	v62 =	vld [tilespmem:s19+$0x4310]  }
0x170: {  	v21 =	vimm.s32 $0x7E000000;
	v18 =	vimm.s32 $0x0;
	v29 =	vmul.f32 v63, v63;
	v63 =	vld [tilespmem:s19+$0x4A90]  }
0x171: {  	[tilespmem:$0x1FF90] =	vst v4;
	v38 =	vadd.f32 v8, v6;
	v25 =	vadd.f32 v57, v11;
	v23 =	vimm.s32 $0x7E000000  }
0x172: {  	v19 =	vadd.s32 $0x2, v18;
	v20 =	vadd.s32 $0x1, v18;
	v28 =	vmul.f32 v14, v14;
	[tilespmem:$0x1FFB0] =	vst v61  }
0x173: {  	v24 =	vadd.f32 v59, v58;
	v33 =	vmul.f32 v36, v36;
	v35 =	vmul.f32 v1, v1;
	[tilespmem:$0x1FFA0] =	vst v60  }
0x174: {  	v14 =	vimm.s32 $0x7E000000;
	v37 =	vmul.f32 v2, v2;
	v39 =	vmul.f32 v3, v3;
	[tilespmem:$0x1FFC0] =	vst v62  }
0x175: {  	v36 =	vadd.f32 v31, v15;
	v31 =	vmul.f32 v56, v56;
	s19 =	simm.s32 $0x0;
	v15 =	vimm.s32 $0x7E000000;
	[tilespmem:$0x1FFD0] =	vst v63  }
.LBB2_5:
0x176: {  	v52 =	vadd.s32 $0x2, v22;
	v33 =	vadd.f32 v35, v33;
	v55 =	vadd.f32 v39, v37  }
0x177: {  	v48 =	vadd.s32 $0x1, v22;
	v28 =	vadd.f32 v29, v28;
	v29 =	vadd.f32 v31, v30  }
0x178: {  	v30 =	vand.u32 $0xFFFFFFC0, v32;
	v31 =	vand.u32 $0xFFFFFFC0, v34;
	v27 =	vand.u32 $0xFFFFFFC0, v27  }
0x179: {  	v59 =	vld.idx.msk [tilespmem:v22+s5+$0x0], $0xffff;
	v26 =	vand.u32 $0xFFFFFFC0, v26;
	v56 =	vand.u32 $0xFFFFFFC0, v38;
	v57 =	vand.u32 $0xFFFFFFC0, v36  }
0x17a: {  	v60 =	vld.idx.msk [tilespmem:v22+s6+$0x0], $0xffff;
	v25 =	vand.u32 $0xFFFFFFC0, v25;
	v24 =	vand.u32 $0xFFFFFFC0, v24;
	v30 =	vor.u32 v18, v30  }
0x17b: {  	v54 =	vld.idx.msk [tilespmem:v22+s7+$0x0], $0xffff;
	v31 =	vor.u32 v18, v31;
	v27 =	vor.u32 v18, v27;
	v26 =	vor.u32 v18, v26  }
0x17c: {  	v1 =	vld [tilespmem:$0x1FF20];
	v32 =	vor.u32 v19, v56;
	v25 =	vor.u32 v19, v25;
	v18 =	vadd.s32 $0x3, v18  }
0x17d: {  	v8 =	vld [tilespmem:$0x1FF70];
	vm0 =	vlt.s32 v21, v30;
	v33 =	vand.u32 $0xFFFFFFC0, v33;
	v35 =	vand.u32 $0xFFFFFFC0, v55  }
0x17e: {  	v12 =	vld [tilespmem:$0x1FF80];
	v28 =	vand.u32 $0xFFFFFFC0, v28;
	v29 =	vand.u32 $0xFFFFFFC0, v29;
	vm15 =	vlt.s32 v23, v31  }
0x17f: {  	v45 =	vmovc v22;
	vm1 =	vlt.s32 v14, v27;
	vm2 =	vlt.s32 v15, v26;
	v55 =	vld.idx.msk [tilespmem:v22+s8+$0x0], $0xffff;
	v22 =	vadd.s32 $0x3, v22  }
0x180: {  	v0 =	vld [tilespmem:$0x1FF30];
	v21 =	vsel vm0, v21, v30;
	v30 =	vor.u32 v20, v33;
	v58 =	vor.u32 v20, v35  }
0x181: {  	v23 =	vsel vm15, v23, v31;
	v14 =	vsel vm1, v14, v27;
	v15 =	vsel vm2, v15, v26  }
0x182: {  	vm0 =	vlt.s32 v21, v30;
	v31 =	vsub.f32 v13, v60;
	v26 =	vsub.f32 v8, v59  }
0x183: {  	v3 =	vld [tilespmem:$0x1FF50];
	v27 =	vsub.f32 v12, v60;
	v21 =	vsel vm0, v21, v30;
	v30 =	vor.u32 v19, v57  }
0x184: {  	v19 =	vor.u32 v19, v24;
	v24 =	vor.u32 v20, v28;
	v20 =	vor.u32 v20, v29  }
0x185: {  	v4 =	vld [tilespmem:$0x1FF60];
	v28 =	vsub.f32 v1, v59;
	v29 =	vsub.f32 v0, v60;
	vm0 =	vlt.s32 v21, v32  }
0x186: {  	v61 =	vld.idx.msk [tilespmem:v52+s5+$0x0], $0xffff;
	vm1 =	vlt.s32 v14, v24;
	vm2 =	vlt.s32 v15, v20;
	v62 =	vmul.f32 v54, v26  }
0x187: {  	v2 =	vld [tilespmem:$0x1FF40];
	v21 =	vsel vm0, v21, v32;
	vm0 =	vlt.s32 v23, v58;
	v14 =	vsel vm1, v14, v24  }
0x188: {  	v46 =	vld.idx.msk [tilespmem:v48+s5+$0x0], $0xffff;
	v15 =	vsel vm2, v15, v20;
	v24 =	vsub.f32 v3, v59;
	v57 =	vmul.f32 v54, v28  }
0x189: {  	v56 =	vld.idx.msk [tilespmem:v48+s6+$0x0], $0xffff;
	v63 =	vmul.f32 v55, v27;
	v23 =	vsel vm0, v23, v58;
	vm1 =	vlt.s32 v14, v25  }
0x18a: {  	vm2 =	vlt.s32 v15, v19;
	v58 =	vmul.f32 v55, v29;
	vm0 =	vlt.s32 v23, v30  }
0x18b: {  	v14 =	vsel vm1, v14, v25;
	v25 =	vsub.f32 v4, v60;
	v32 =	vsub.f32 v1, v61  }
0x18c: {  	v51 =	vld.idx.msk [tilespmem:v52+s7+$0x0], $0xffff;
	v15 =	vsel vm2, v15, v19;
	v38 =	vsub.f32 v2, v61;
	v34 =	vsub.f32 v3, v61  }
0x18d: {  	v49 =	vld.idx.msk [tilespmem:v48+s7+$0x0], $0xffff;
	v19 =	vadd.s32 $0x2, v18;
	v36 =	vsub.f32 v8, v61;
	v41 =	vsub.f32 v1, v46  }
0x18e: {  	v50 =	vld.idx.msk [tilespmem:v48+s8+$0x0], $0xffff;
	v60 =	vmul.f32 v55, v31;
	v37 =	vsub.f32 v0, v56;
	v42 =	vsub.f32 v2, v46  }
0x18f: {  	v20 =	vld.idx.msk [tilespmem:v52+s6+$0x0], $0xffff;
	v61 =	vmul.f32 v54, v24;
	v43 =	vsub.f32 v13, v56;
	v44 =	vsub.f32 v3, v46  }
0x190: {  	v7 =	vld.idx.msk [tilespmem:v45+s11+$0x0], $0xffff;
	v47 =	vsub.f32 v4, v56;
	v45 =	vsub.f32 v8, v46;
	v23 =	vsel vm0, v23, v30  }
0x191: {  	v30 =	vsub.f32 v2, v59;
	v2 =	vmul.f32 v51, v38;
	v10 =	vmul.f32 v51, v34  }
0x192: {  	v53 =	vld.idx.msk [tilespmem:v52+s8+$0x0], $0xffff;
	v46 =	vsub.f32 v12, v56;
	v17 =	vmul.f32 v51, v36;
	v3 =	vmul.f32 v49, v41  }
0x193: {  	v56 =	vadd.f32 v58, v57;
	v5 =	vmul.f32 v50, v37;
	v6 =	vmul.f32 v49, v42  }
0x194: {  	v8 =	vmul.f32 v50, v43;
	v11 =	vmul.f32 v49, v44;
	v33 =	vsub.f32 v0, v20  }
0x195: {  	v58 =	vmul.f32 v50, v47;
	v39 =	vsub.f32 v13, v20;
	v35 =	vsub.f32 v4, v20  }
0x196: {  	v48 =	vld.idx.msk [tilespmem:v48+s11+$0x0], $0xffff;
	v59 =	vmul.f32 v54, v30;
	v40 =	vsub.f32 v12, v20;
	v20 =	vmul.f32 v55, v25  }
0x197: {  	v0 =	vmul.f32 v51, v32;
	v3 =	vadd.f32 v5, v3;
	v1 =	vmul.f32 v53, v33  }
0x198: {  	v6 =	vadd.f32 v8, v6;
	v9 =	vmul.f32 v53, v39;
	v16 =	vmul.f32 v53, v35  }
0x199: {  	v4 =	vmul.f32 v53, v40;
	v57 =	vadd.f32 v60, v59;
	v20 =	vadd.f32 v20, v61  }
0x19a: {  	v52 =	vld.idx.msk [tilespmem:v52+s11+$0x0], $0xffff;
	v59 =	vadd.f32 v63, v62;
	v60 =	vmul.f32 v49, v45;
	v61 =	vmul.f32 v50, v46  }
0x19b: {  	v3 =	vmul.f32 v3, v48;
	v6 =	vmul.f32 v6, v48;
	v0 =	vadd.f32 v1, v0  }
0x19c: {  	v1 =	vadd.f32 v9, v2;
	v2 =	vmul.f32 v56, v7;
	v9 =	vadd.f32 v16, v10  }
0x19d: {  	v4 =	vadd.f32 v4, v17;
	v62 =	vmul.f32 v57, v7;
	v16 =	vmul.f32 v20, v7  }
0x19e: {  	v63 =	vmul.f32 v59, v7;
	v56 =	vadd.f32 v58, v11;
	v58 =	vadd.f32 v61, v60  }
0x19f: {  	v20 =	vadd.s32 $0x1, v18;
	v3 =	vmax.f32 v3, $0.0e+00;
	v0 =	vmul.f32 v0, v52  }
0x1a0: {  	v6 =	vmax.f32 v6, $0.0e+00;
	v1 =	vmul.f32 v1, v52;
	v57 =	vmul.f32 v9, v52  }
0x1a1: {  	v4 =	vmul.f32 v4, v52;
	v7 =	vmul.f32 v56, v48;
	v2 =	vmax.f32 v2, $0.0e+00  }
0x1a2: {  	v10 =	vmax.f32 v62, $0.0e+00;
	v9 =	vmul.f32 v58, v48;
	v59 =	vmax.f32 v16, $0.0e+00  }
0x1a3: {  	v5 =	vmax.f32 v63, $0.0e+00;
	v3 =	vmin.f32 v3, $1.000000000e+00;
	v6 =	vmin.f32 v6, $1.000000000e+00  }
0x1a4: {  	v2 =	vmin.f32 v2, $1.000000000e+00;
	v10 =	vmin.f32 v10, $1.000000000e+00;
	v11 =	vmin.f32 v59, $1.000000000e+00  }
0x1a5: {  	v5 =	vmin.f32 v5, $1.000000000e+00;
	v63 =	vmul.f32 v3, v49;
	v3 =	vmul.f32 v3, v50  }
0x1a6: {  	v0 =	vmax.f32 v0, $0.0e+00;
	v1 =	vmax.f32 v1, $0.0e+00;
	v16 =	vmul.f32 v2, v54  }
0x1a7: {  	v8 =	vmax.f32 v57, $0.0e+00;
	v2 =	vmul.f32 v2, v55;
	v17 =	vmul.f32 v10, v54  }
0x1a8: {  	v4 =	vmax.f32 v4, $0.0e+00;
	v10 =	vmul.f32 v10, v55;
	v48 =	vmul.f32 v11, v54  }
0x1a9: {  	v7 =	vmax.f32 v7, $0.0e+00;
	v11 =	vmul.f32 v11, v55;
	v52 =	vmul.f32 v5, v54  }
0x1aa: {  	v9 =	vmax.f32 v9, $0.0e+00;
	v5 =	vmul.f32 v5, v55;
	v0 =	vmin.f32 v0, $1.000000000e+00  }
0x1ab: {  	v1 =	vmin.f32 v1, $1.000000000e+00;
	v8 =	vmin.f32 v8, $1.000000000e+00;
	v4 =	vmin.f32 v4, $1.000000000e+00  }
0x1ac: {  	v7 =	vmin.f32 v7, $1.000000000e+00;
	v9 =	vmin.f32 v9, $1.000000000e+00;
	v60 =	vmul.f32 v0, v51  }
0x1ad: {  	v57 =	vsub.f32 v41, v63;
	v0 =	vmul.f32 v0, v53;
	v61 =	vmul.f32 v1, v51  }
0x1ae: {  	v3 =	vsub.f32 v37, v3;
	v1 =	vmul.f32 v1, v53;
	v62 =	vmul.f32 v8, v51  }
0x1af: {  	v8 =	vmul.f32 v8, v53;
	v51 =	vmul.f32 v4, v51;
	v16 =	vsub.f32 v28, v16  }
0x1b0: {  	v4 =	vmul.f32 v4, v53;
	v2 =	vsub.f32 v29, v2;
	v17 =	vsub.f32 v30, v17  }
0x1b1: {  	v10 =	vsub.f32 v31, v10;
	v28 =	vmul.f32 v6, v49;
	v24 =	vsub.f32 v24, v48  }
0x1b2: {  	v11 =	vsub.f32 v25, v11;
	v6 =	vmul.f32 v6, v50;
	v25 =	vsub.f32 v26, v52  }
0x1b3: {  	v5 =	vsub.f32 v27, v5;
	v26 =	vmul.f32 v7, v49;
	v7 =	vmul.f32 v7, v50  }
0x1b4: {  	v29 =	vmul.f32 v9, v49;
	v27 =	vsub.f32 v32, v60;
	v0 =	vsub.f32 v33, v0  }
0x1b5: {  	v9 =	vmul.f32 v9, v50;
	v30 =	vsub.f32 v38, v61;
	v1 =	vsub.f32 v39, v1  }
0x1b6: {  	v31 =	vsub.f32 v34, v62;
	v16 =	vmul.f32 v16, v16;
	v2 =	vmul.f32 v2, v2  }
0x1b7: {  	v8 =	vsub.f32 v35, v8;
	v17 =	vmul.f32 v17, v17;
	v10 =	vmul.f32 v10, v10  }
0x1b8: {  	v56 =	vsub.f32 v36, v51;
	v24 =	vmul.f32 v24, v24;
	v11 =	vmul.f32 v11, v11  }
0x1b9: {  	v4 =	vsub.f32 v40, v4;
	v25 =	vmul.f32 v25, v25;
	v5 =	vmul.f32 v5, v5  }
0x1ba: {  	v28 =	vsub.f32 v42, v28;
	v33 =	vmul.f32 v57, v57;
	v35 =	vmul.f32 v3, v3  }
0x1bb: {  	v6 =	vsub.f32 v43, v6;
	v58 =	vmul.f32 v27, v27;
	v0 =	vmul.f32 v0, v0  }
0x1bc: {  	v26 =	vsub.f32 v44, v26;
	v59 =	vmul.f32 v30, v30;
	v1 =	vmul.f32 v1, v1  }
0x1bd: {  	s19 =	sadd.s32 $0x3, s19;
	v7 =	vsub.f32 v47, v7;
	v60 =	vmul.f32 v31, v31;
	v8 =	vmul.f32 v8, v8  }
0x1be: {  	p0 =	slt.u32 s19, $0x3C;
	v62 =	vsub.f32 v45, v29;
	v61 =	vmul.f32 v56, v56;
	v4 =	vmul.f32 v4, v4  }
.Ltmp1:
0x1bf: {  	v63 =	vsub.f32 v46, v9;
	v37 =	vmul.f32 v28, v28;
	v39 =	vmul.f32 v6, v6;
	(pc) =	sbr.rel @p0 .LBB2_5-.Ltmp1, $4  }
0x1c0: {  	v32 =	vadd.f32 v2, v16;
	v34 =	vadd.f32 v10, v17;
	v28 =	vmul.f32 v26, v26  }
0x1c1: {  	v27 =	vadd.f32 v11, v24;
	v26 =	vadd.f32 v5, v25;
	v29 =	vmul.f32 v7, v7  }
0x1c2: {  	v30 =	vmul.f32 v62, v62;
	v38 =	vadd.f32 v0, v58;
	v36 =	vadd.f32 v1, v59  }
0x1c3: {  	v31 =	vmul.f32 v63, v63;
	v25 =	vadd.f32 v8, v60;
	v24 =	vadd.f32 v4, v61  }
0x1c4: {  	v40 =	vld [tilespmem:$0x1FFA0]  }
0x1c5: {  	v41 =	vld [tilespmem:$0x1FFB0];
	_ =	sdelay $0x3  }
0x1c6: {  	v2 =	vadd.f32 v35, v33;
	v3 =	vadd.f32 v39, v37;
	v4 =	vand.u32 $0xFFFFFFC0, v32  }
0x1c7: {  	v5 =	vand.u32 $0xFFFFFFC0, v34;
	v0 =	vmul.f32 v40, v40;
	v1 =	vmul.f32 v41, v41  }
0x1c8: {  	v39 =	vand.u32 $0xFFFFFFC0, v38;
	v6 =	vand.u32 $0xFFFFFFC0, v36;
	v4 =	vor.u32 v18, v4  }
0x1c9: {  	v37 =	vor.u32 v18, v5;
	v5 =	vor.u32 v19, v39;
	v0 =	vadd.f32 v1, v0  }
0x1ca: {  	vm0 =	vlt.s32 v21, v4;
	v2 =	vand.u32 $0xFFFFFFC0, v2;
	v3 =	vand.u32 $0xFFFFFFC0, v3  }
0x1cb: {  	v4 =	vsel vm0, v21, v4;
	v2 =	vor.u32 v20, v2;
	v0 =	vadd.f32 $9.999999960e-13, v0  }
0x1cc: {  	v32 =	vld [tilespmem:$0x1FF90];
	vm1 =	vlt.s32 v23, v37;
	v3 =	vor.u32 v20, v3;
	vm0 =	vlt.s32 v4, v2  }
0x1cd: {  	v2 =	vsel vm0, v4, v2;
	v7 =	vshrl.u32 v0, $0x1;
	v8 =	vmul.f32 $5.000000000e-01, v0  }
0x1ce: {  	s19 =	smul.u32 $0xAAAAAAAB, s17;
	vm0 =	vlt.s32 v2, v5;
	v1 =	vsel vm1, v23, v37;
	v42 =	vsub.s32 $0x5F3759DF, v7  }
0x1cf: {  	v2 =	vsel vm0, v2, v5;
	vm6 =	vlt.s32 v1, v3;
	v7 =	vmul.f32 v42, v8  }
0x1d0: {  	v6 =	vor.u32 v19, v6;
	s20 =	sshll.u32 s19, $0x1F;
	s19 =	sshrl.u32 s19, $0x1;
	v2 =	vand.u32 $0x3F, v2;
	v1 =	vsel vm6, v1, v3  }
0x1d1: {  	s19 =	sor.u32 s20, s19;
	v2 =	vor.u32 v32, v2;
	vm0 =	vlt.s32 v1, v6;
	v43 =	vmul.f32 v42, v7  }
0x1d2: {  	v12 =	vld [tilespmem:$0x1FF20];
	p0 =	slt.u32 s18, $0x78;
	p1 =	sgt.u32 s19, $0x2AAAAAAA;
	v1 =	vsel vm0, v1, v6  }
0x1d3: {  	v51 =	vld [tilespmem:$0x1FF30];
	s20 =	smulhi.u32 $0xB60B60B7, s18;
	p0 =	por !p0, !p1;
	v1 =	vand.u32 $0x3F, v1;
	v44 =	vsub.f32 $1.500000000e+00, v43  }
0x1d4: {  	v53 =	vld [tilespmem:$0x1FF40];
	s22 =	sshll.u32 s16, $0x5;
	s19 =	simm.s32 $0x1;
	p0 =	por !p0, !p0;
	v1 =	vor.u32 v32, v1  }
0x1d5: {  	v63 =	vld [tilespmem:s22+$0x7F00];
	s18 =	sshrl.u32 s20, $0x9;
	s19 =	simm.s32 @!p0 $0x0;
	v3 =	vmul.f32 v42, v44  }
0x1d6: {  	s18 =	ssub.s32 s18, s19;
	v45 =	vld.idx.msk [tilespmem:v2+s5+$0x0], $0xffff  }
0x1d7: {  	s18 =	smul.u32 $0xFFFFFFFA, s18;
	v46 =	vld.idx.msk [tilespmem:v2+s6+$0x0], $0xffff;
	v4 =	vmul.f32 v3, v8  }
0x1d8: {  	v16 =	vadd.f32 v29, v28;
	v22 =	vand.u32 $0xFFFFFFC0, v27;
	v47 =	vld.idx.msk [tilespmem:v2+s7+$0x0], $0xffff  }
0x1d9: {  	v50 =	vand.u32 $0xFFFFFFC0, v26;
	v49 =	vadd.f32 v31, v30;
	s21 =	sadd.s32 s17, s18;
	v10 =	vld.idx.msk [tilespmem:v1+s5+$0x0], $0xffff;
	v4 =	vmul.f32 v4, v3  }
0x1da: {  	v22 =	vor.u32 v18, v22;
	v55 =	vand.u32 $0xFFFFFFC0, v25;
	v60 =	vmov s21;
	v11 =	vld.idx.msk [tilespmem:v1+s6+$0x0], $0xffff  }
0x1db: {  	v56 =	vand.u32 $0xFFFFFFC0, v24;
	v28 =	vadd.s32 $0x28, v60;
	v48 =	vld.idx.msk [tilespmem:v1+s7+$0x0], $0xffff;
	v4 =	vsub.f32 $1.500000000e+00, v4  }
0x1dc: {  	v16 =	vand.u32 $0xFFFFFFC0, v16;
	vm3 =	vlt.s32 v14, v22;
	v21 =	vand.u32 $0xFFFFFFC0, v49;
	v17 =	vld.idx.msk [tilespmem:v1+s8+$0x0], $0xffff  }
0x1dd: {  	v16 =	vor.u32 v20, v16;
	v37 =	vmul.f32 $5.000000000e+01, v63;
	v9 =	vld.idx.msk [tilespmem:v2+s8+$0x0], $0xffff;
	v3 =	vmul.f32 v4, v3  }
0x1de: {  	v38 =	vld [tilespmem:s22+$0x8500];
	v23 =	vimm.f32 $0.0e+00;
	v62 =	vshll.u32 v60, $0x2;
	v10 =	vsub.f32 v53, v10  }
0x1df: {  	v29 =	vor.u32 $0x1, v62;
	v54 =	vld.idx.msk [tilespmem:v1+s11+$0x0], $0xffff;
	v11 =	vsub.f32 v13, v11;
	v8 =	vmul.f32 v3, v8  }
0x1e0: {  	v39 =	vld.idx.msk [tilespmem:v28+s29+$0x0], $0xffff;
	v5 =	vsub.f32 v12, v45;
	v6 =	vsub.f32 v51, v46;
	v12 =	vmul.f32 v48, v10  }
0x1e1: {  	v31 =	vor.u32 $0x2, v62;
	v13 =	vmul.f32 v17, v11;
	v8 =	vmul.f32 v8, v3  }
0x1e2: {  	v52 =	vld.idx.msk [tilespmem:v2+s11+$0x0], $0xffff;
	v36 =	vor.u32 $0x3, v62;
	v5 =	vmul.f32 v47, v5;
	v6 =	vmul.f32 v9, v6  }
0x1e3: {  	v43 =	vadd.s32 $0x20, v60;
	v61 =	vld.idx.msk [tilespmem:v1+s14+$0x0], $0xffff;
	v12 =	vadd.f32 v13, v12;
	v8 =	vsub.f32 $1.500000000e+00, v8  }
0x1e4: {  	v9 =	vor.u32 v18, v50;
	v47 =	vmul.f32 $5.000000000e+00, v38;
	v5 =	vadd.f32 v6, v5  }
0x1e5: {  	v58 =	vld.idx.msk [tilespmem:v1+s12+$0x0], $0xffff;
	vm8 =	veq.f32 v39, $1.000000000e+00;
	v7 =	vmul.f32 v12, v54;
	v3 =	vmul.f32 v8, v3  }
0x1e6: {  	v57 =	vld.idx.msk [tilespmem:v2+s12+$0x0], $0xffff;
	vm2 =	vlt.f32 v47, $2.000000000e+00;
	vm9 =	veq.f32 v39, $2.000000000e+00;
	vm10 =	veq.f32 v39, $3.000000000e+00  }
0x1e7: {  	v1 =	vld.idx.msk [tilespmem:v1+s13+$0x0], $0xffff;
	v5 =	vmul.f32 v5, v52;
	v7 =	vmax.f32 v7, $0.0e+00;
	v0 =	vmul.f32 v3, v0  }
0x1e8: {  	v2 =	vld.idx.msk [tilespmem:v2+s13+$0x0], $0xffff;
	v4 =	vmul.f32 v61, v48;
	v12 =	vmul.f32 v61, v17;
	v7 =	vmin.f32 v7, $1.000000000e+00  }
0x1e9: {  	v59 =	vmax.f32 v5, $0.0e+00;
	v30 =	vmul.f32 v7, v48;
	v35 =	vmul.f32 $1.500000000e+00, v0  }
0x1ea: {  	v33 =	vmul.f32 v7, v58;
	v7 =	vmul.f32 v7, v17;
	v3 =	vmin.f32 v59, $1.000000000e+00  }
0x1eb: {  	v34 =	vsub.f32 v10, v30;
	v3 =	vmul.f32 v3, v57;
	v10 =	vadd.f32 $2.000000000e+00, v35  }
0x1ec: {  	v40 =	vmul.f32 v4, v40;
	v7 =	vsub.f32 v11, v7;
	v1 =	vadd.f32 v33, v1  }
0x1ed: {  	v41 =	vmul.f32 v12, v41;
	v2 =	vadd.f32 v3, v2;
	v10 =	vsub.f32 v37, v10  }
0x1ee: {  	v24 =	vld [tilespmem:$0x1FFC0];
	v50 =	vsel vm2, $0xBFC00000, v23;
	v8 =	vmul.f32 v34, v34;
	v7 =	vmul.f32 v7, v7  }
0x1ef: {  	v11 =	vld.idx.msk [tilespmem:v29+s29+$0x0], $0xffff;
	v42 =	vmul.f32 $1.000000010e-01, v0;
	v1 =	vsub.f32 v1, v2;
	v45 =	vmul.f32 $3.000000120e-01, v10  }
0x1f0: {  	v44 =	vadd.f32 v7, v8;
	v8 =	vld.idx.msk [tilespmem:v62+s29+$0x0], $0xffff;
	vm7 =	vgt.f32 v0, $5.000000000e-01;
	v3 =	vadd.f32 v41, v40  }
0x1f1: {  	v25 =	vld [tilespmem:$0x1FFD0];
	vm1 =	vmand vm8, vm7;
	v1 =	vsub.f32 v1, v42;
	v48 =	vmax.f32 v45, $-4.000000000e+00  }
0x1f2: {  	v12 =	vld.idx.msk [tilespmem:v31+s29+$0x0], $0xffff;
	v49 =	vsel vm1, $0xBFC00000, v23;
	v46 =	vsub.f32 v3, v0;
	v0 =	vmin.f32 v48, $2.000000000e+00  }
0x1f3: {  	v51 =	vmax.f32 v44, $9.999999930e-09;
	v1 =	vmul.f32 v1, v1;
	v0 =	vsel vm9, v0, v49  }
0x1f4: {  	v18 =	vor.u32 v19, v55;
	v13 =	vld.idx.msk [tilespmem:v36+s29+$0x0], $0xffff;
	v3 =	vmul.f32 v51, v11;
	v0 =	vsel vm10, v50, v0  }
0x1f5: {  	v2 =	vmul.f32 v46, v46;
	v1 =	vmul.f32 v1, v8;
	v0 =	vmax.f32 v0, $-4.000000000e+00  }
0x1f6: {  	v53 =	vmul.f32 v25, v25;
	v52 =	vmul.f32 v24, v24;
	v0 =	vmin.f32 v0, $2.000000000e+00  }
0x1f7: {  	v2 =	vmul.f32 v2, v12;
	v1 =	vadd.f32 v3, v1;
	v0 =	vmul.f32 v0, v0  }
0x1f8: {  	v55 =	vsel vm3, v14, v22;
	vm4 =	vlt.s32 v15, v9;
	v5 =	vadd.f32 v53, v52;
	v4 =	vld.idx.msk [tilespmem:v43+s29+$0x0], $0xffff  }
0x1f9: {  	v6 =	vor.u32 v19, v56;
	v1 =	vadd.f32 v1, v2;
	v0 =	vmul.f32 v0, v13  }
0x1fa: {  	v56 =	vsel vm4, v15, v9;
	v54 =	vor.u32 v20, v21;
	v5 =	vadd.f32 $9.999999960e-13, v5  }
0x1fb: {  	vm3 =	vlt.s32 v55, v16;
	vm4 =	vlt.s32 v56, v54;
	v0 =	vadd.f32 v0, v1  }
0x1fc: {  	v58 =	vshrl.u32 v5, $0x1;
	v59 =	vmul.f32 $5.000000000e-01, v5;
	v57 =	vsel vm3, v55, v16  }
0x1fd: {  	v60 =	vld [tilespmem:s22+$0x8B00];
	vm3 =	vlt.s32 v57, v18;
	v2 =	vsub.s32 $0x5F3759DF, v58;
	v0 =	vadd.f32 v0, v4  }
0x1fe: {  	v3 =	vsel vm4, v56, v54;
	v61 =	vmul.f32 v2, v59;
	v1 =	vsel vm3, v57, v18  }
0x1ff: {  	vm11 =	vlt.s32 v3, v6;
	v1 =	vand.u32 $0x3F, v1;
	v0 =	vadd.f32 $7.351508140e+00, v0  }
0x200: {  	v52 =	vld [tilespmem:s22+$0x8510];
	v3 =	vsel vm11, v3, v6;
	v62 =	vmul.f32 v2, v61;
	v1 =	vor.u32 v32, v1  }
0x201: {  	v31 =	vld [tilespmem:$0x1FF80];
	v3 =	vand.u32 $0x3F, v3;
	v0 =	vmul.f32 $-5.000000000e-01, v0  }
0x202: {  	vm12 =	vgt.f32 v60, $5.000000000e-01;
	v30 =	vld [tilespmem:$0x1FF70];
	v3 =	vor.u32 v32, v3;
	v6 =	vsub.f32 $1.500000000e+00, v62  }
0x203: {  	v34 =	vld [tilespmem:$0x1FF60];
	v0 =	vnsel vm12, $0xC61C4000, v0  }
0x204: {  	v2 =	vmul.f32 v2, v6;
	v32 =	vld [tilespmem:$0x1FF50];
	[tilespmem:s22+$0x9180] =	vst v0  }
0x205: {  	v0 =	vld.idx.msk [tilespmem:v1+s5+$0x0], $0xffff  }
0x206: {  	v6 =	vmul.f32 v2, v59;
	v63 =	vld.idx.msk [tilespmem:v1+s6+$0x0], $0xffff  }
0x207: {  	v21 =	vld.idx.msk [tilespmem:v3+s5+$0x0], $0xffff  }
0x208: {  	v6 =	vmul.f32 v6, v2;
	v22 =	vld.idx.msk [tilespmem:v3+s6+$0x0], $0xffff  }
0x209: {  	v26 =	vld.idx.msk [tilespmem:v3+s7+$0x0], $0xffff  }
0x20a: {  	v6 =	vsub.f32 $1.500000000e+00, v6;
	v27 =	vld.idx.msk [tilespmem:v3+s8+$0x0], $0xffff  }
0x20b: {  	v28 =	vld.idx.msk [tilespmem:v1+s7+$0x0], $0xffff  }
0x20c: {  	v2 =	vmul.f32 v6, v2;
	v29 =	vld.idx.msk [tilespmem:v1+s8+$0x0], $0xffff  }
0x20d: {  	v33 =	vld.idx.msk [tilespmem:v3+s11+$0x0], $0xffff  }
0x20e: {  	v41 =	vld.idx.msk [tilespmem:v3+s12+$0x0], $0xffff;
	v9 =	vmul.f32 v2, v59  }
0x20f: {  	v43 =	vld.idx.msk [tilespmem:v3+s13+$0x0], $0xffff  }
0x210: {  	v3 =	vld.idx.msk [tilespmem:v3+s14+$0x0], $0xffff;
	v9 =	vmul.f32 v9, v2;
	v10 =	vsub.f32 v30, v21;
	v14 =	vsub.f32 v31, v22  }
0x211: {  	v0 =	vsub.f32 v32, v0;
	v7 =	vsub.f32 v34, v63  }
0x212: {  	v37 =	vld.idx.msk [tilespmem:v1+s11+$0x0], $0xffff;
	v9 =	vsub.f32 $1.500000000e+00, v9;
	v35 =	vmul.f32 v26, v10;
	v36 =	vmul.f32 v27, v14  }
0x213: {  	v0 =	vmul.f32 v28, v0;
	v6 =	vmul.f32 v29, v7  }
0x214: {  	v58 =	vmul.f32 $5.000000000e+00, v52;
	v2 =	vmul.f32 v9, v2  }
0x215: {  	v42 =	vld [tilespmem:s22+$0x7F10];
	v54 =	vmul.f32 v3, v26;
	v38 =	vadd.f32 v36, v35;
	v0 =	vadd.f32 v6, v0  }
0x216: {  	v3 =	vmul.f32 v3, v27;
	v2 =	vmul.f32 v2, v5  }
0x217: {  	v39 =	vld.idx.msk [tilespmem:v1+s12+$0x0], $0xffff;
	v40 =	vmul.f32 v38, v33;
	v0 =	vmul.f32 v0, v37  }
0x218: {  	v57 =	vmul.f32 v54, v24;
	v3 =	vmul.f32 v3, v25  }
0x219: {  	v1 =	vld.idx.msk [tilespmem:v1+s13+$0x0], $0xffff;
	v46 =	vmul.f32 $1.500000000e+00, v2;
	v6 =	vmax.f32 v40, $0.0e+00;
	v0 =	vmax.f32 v0, $0.0e+00  }
0x21a: {  	v9 =	vmul.f32 $5.000000000e+01, v42;
	v6 =	vmin.f32 v6, $1.000000000e+00;
	v0 =	vmin.f32 v0, $1.000000000e+00  }
0x21b: {  	v49 =	vadd.f32 $2.000000000e+00, v46;
	v44 =	vmul.f32 v6, v26;
	v45 =	vmul.f32 v6, v27  }
0x21c: {  	v0 =	vmul.f32 v0, v39;
	v6 =	vmul.f32 v6, v41  }
0x21d: {  	v3 =	vadd.f32 v3, v57;
	v9 =	vsub.f32 v9, v49  }
0x21e: {  	vm14 =	vlt.f32 v58, $2.000000000e+00;
	v0 =	vadd.f32 v0, v1;
	v50 =	vadd.f32 v6, v43  }
0x21f: {  	v55 =	vmul.f32 $1.000000010e-01, v2;
	v47 =	vsub.f32 v10, v44;
	v48 =	vsub.f32 v14, v45  }
0x220: {  	vm13 =	vgt.f32 v2, $5.000000000e-01;
	v56 =	vmul.f32 $3.000000120e-01, v9;
	v0 =	vsub.f32 v50, v0  }
0x221: {  	v2 =	vsub.f32 v3, v2;
	v51 =	vmul.f32 v47, v47;
	v53 =	vmul.f32 v48, v48  }
0x222: {  	vm0 =	vmand vm8, vm13;
	v59 =	vmax.f32 v56, $-4.000000000e+00;
	v0 =	vsub.f32 v0, v55  }
0x223: {  	v60 =	vsel vm0, $0xBFC00000, v23;
	v5 =	vadd.f32 v53, v51;
	v6 =	vmin.f32 v59, $2.000000000e+00  }
0x224: {  	v61 =	vsel vm14, $0xBFC00000, v23;
	v1 =	vsel vm9, v6, v60;
	v0 =	vmul.f32 v0, v0  }
0x225: {  	v2 =	vmul.f32 v2, v2;
	v5 =	vmax.f32 v5, $9.999999930e-09;
	v1 =	vsel vm10, v61, v1  }
0x226: {  	v1 =	vmax.f32 v1, $-4.000000000e+00;
	v62 =	vmul.f32 v5, v11;
	v0 =	vmul.f32 v0, v8  }
0x227: {  	v1 =	vmin.f32 v1, $2.000000000e+00  }
0x228: {  	v2 =	vmul.f32 v2, v12;
	v1 =	vmul.f32 v1, v1;
	v0 =	vadd.f32 v62, v0;
	_ =	sdelay $0x1  }
0x229: {  	v1 =	vmul.f32 v1, v13;
	v0 =	vadd.f32 v0, v2;
	_ =	sdelay $0x1  }
0x22a: {  	v0 =	vadd.f32 v1, v0;
	_ =	sdelay $0x1  }
0x22b: {  	v63 =	vld [tilespmem:s22+$0x8B10];
	v0 =	vadd.f32 v0, v4  }
0x22c: {  	s16 =	sadd.s32 $0x1, s16  }
0x22d: {  	p0 =	sne.s32 s16, $0x2D;
	v0 =	vadd.f32 $7.351508140e+00, v0  }
.Ltmp2:
0x22e: {  	_ = 	snop;
	(pc) =	sbr.rel @p0 .LBB2_4-.Ltmp2, $4  }
0x22f: {  	v0 =	vmul.f32 $-5.000000000e-01, v0  }
0x230: {  	vm15 =	vgt.f32 v63, $5.000000000e-01  }
0x231: {  	v0 =	vnsel vm15, $0xC61C4000, v0  }
0x232: {  	[tilespmem:s22+$0x9190] =	vst v0  }
0x233: {  	s15 =	sadd.s32 $0x1, s15  }
0x234: {  	p0 =	sne.s32 s15, s25  }
.Ltmp3:
0x235: {  	s16 =	simm.s32 $0x9180;
	(pc) =	sbr.rel @p0 .LBB2_1-.Ltmp3, $4  }
0x236: {  	[hbm4b:s24+s3] =	stream.linear.scatter [tilespmem:s16], [sflag:$0x3], $0x5A0, $0x38;
	[tilespmem:$0x9780] =	vst v63  }
0x237: {  	_ =	swait.ge [sflag:s30], $0x5A0  }
0x238: {  	[sflag:s30] =	ssyncset.done $0x0  }
0x239: {  	[sflag:s30] =	ssyncadd.s32 $0xFFFFFA60  }
0x23a: {  	_ =	sfence.sel $0x180000  }
0x23b: {  	[bflag:$0x0] =	sbarrier.arrive $0xFFFF  }
0x23c: {  	_ =	strace $0x90000047  }
0x23d: {  	s0 =	stileid.u32;
	[bflag:$0x2] =	sbarrier.arrive $0xFFFF  }
0x23e: {  	p0 =	sne.s32 s0, $0x0;
	s0 =	rddreg [dreg:$0x2]  }
0x23f: {  	s0 =	sadd.s32 @!p0 $0x100000, s0  }
0x240: {  	[sflag:s0] =	ssyncadd.tile.s32 @!p0 $0x1;
	_ =	shalt  }
.Lfunc_end2:
_tile_overlayer_lowered:
.L_overlay_start_2:
0x241: {  	(tag) =	ssettag $0x2  }
0x242: {  	s0 =	rddreg [dreg:$0x0];
	s2 =	stileid.u32  }
0x243: {  	s1 =	rddreg [dreg:$0x1];
	p0 =	sne.s32 s2, $0x0  }
0x244: {  	s3 =	rddreg [dreg:$0x2];
	[bflag:$0x3] =	sbarrier.arrive $0xFFFF;
	s2 =	simm.s32 @!p0 $0x1C03  }
0x245: {  	[timem:s3], [sflag:s2] =	dma.local @!p0 [hbm:s0], s1  }
0x246: {  	s0 =	simm.s32 @!p0 $0x3  }
0x247: {  	_ =	swait.ge @!p0 [sflag:s0], s1  }
0x248: {  	s1 =	ssub.s32 @!p0 $0x0, s1;
	[sflag:s0] =	ssyncset.done @!p0 $0x0  }
0x249: {  	[sflag:s0] =	ssyncadd.s32 @!p0 s1  }
0x24a: {  	[bflag:$0x3] =	sbarrier.arrive $0xFFFF  }
0x24b: {  	_ =	shalt  }

</sc_bundles>
